<compile_context>
chip_gen: v7x
topology: tpu7x:2x2x1
jax: 0.10.2.dev20260603
libtpu: 0.0.44.dev20260713+nightly
codegen_flags: <defaults>
</compile_context>

<pallas_src>
import dataclasses
import functools

import jax
import jax.numpy as jnp
from jax import lax
from jax.experimental import pallas as pl
from jax.experimental.pallas import tpu as pltpu
from jax.experimental.pallas import tpu_sc as plsc

N = 10000
E = 160000
IN = 128
OUT = 16
DE = 4

NC = 2
NS = 16
NW = NC * NS
EPAD = 163840
EPT = EPAD // NW
C = 128
NCHUNK = EPT // C
NPAD = 10240
ROWS_PT = NPAD // NS


def _pre_body(v_ref, wu_ref, wrs_ref, brs_ref, u_ref, rs_ref):
    x = v_ref[...]
    dn = (((1,), (0,)), ((), ()))
    u_ref[...] = lax.dot_general(
        x, wu_ref[...], dn, precision=lax.Precision.HIGHEST,
        preferred_element_type=jnp.float32).astype(jnp.bfloat16)
    rs_ref[...] = lax.dot_general(
        x, wrs_ref[...], dn, precision=lax.Precision.HIGHEST,
        preferred_element_type=jnp.float32) + brs_ref[...]


def _sc_body(u_hbm, src_hbm, dst_hbm, ep_hbm, zero_hbm, out_hbm,
             src_all, dst_all, ce_all, rows0, rows1, rows2, rows3,
             msg0, msg1, msg2, msg3, agg_sh, u_sh,
             gsem0, gsem1, gsem2, gsem3, ssem0, ssem1, ssem2, ssem3):
    cid = lax.axis_index("c")
    sid = lax.axis_index("s")
    wid = cid * NS + sid

    r0 = sid * ROWS_PT
    pltpu.sync_copy(zero_hbm.at[pl.ds(r0, ROWS_PT)], agg_sh.at[pl.ds(r0, ROWS_PT)])
    pltpu.sync_copy(u_hbm.at[pl.ds(r0, ROWS_PT)], u_sh.at[pl.ds(r0, ROWS_PT)])

    pltpu.sync_copy(src_hbm.at[pl.ds(wid * NCHUNK, NCHUNK)], src_all)
    pltpu.sync_copy(dst_hbm.at[pl.ds(wid * NCHUNK, NCHUNK)], dst_all)
    pltpu.sync_copy(ep_hbm.at[:, pl.ds(wid * EPT, EPT)], ce_all)
    plsc.subcore_barrier()

    def gather_start(j, rows_ref, sem):
        pltpu.async_copy(u_sh.at[src_all.at[j]], rows_ref, sem)

    def gather_wait(rows_ref, sem):
        pltpu.make_async_copy(u_sh.at[src_all.at[0]], rows_ref, sem).wait()

    def scatter_start(j, msg_ref, sem):
        pltpu.async_copy(msg_ref, agg_sh.at[dst_all.at[j]], sem, add=True)

    def scatter_wait(msg_ref, sem):
        pltpu.make_async_copy(msg_ref, agg_sh.at[dst_all.at[0]], sem).wait()

    def compute(j, rows_ref, msg_ref):
        goff = j * C

        @pl.loop(0, C, unroll=4)
        def _edge(i):
            s0, s1 = plsc.unpack(rows_ref[i, pl.ds(0, 2 * OUT)],
                                 format=plsc.PackFormat.INTERLEAVED)
            s2, s3 = plsc.unpack(rows_ref[i, pl.ds(2 * OUT, 2 * OUT)],
                                 format=plsc.PackFormat.INTERLEAVED)
            s4, _unused = plsc.unpack(rows_ref[i, pl.ds(4 * OUT, 2 * OUT)],
                                      format=plsc.PackFormat.INTERLEAVED)
            segs = (s0, s1, s2, s3)
            acc = s4
            for d in range(DE):
                cvec = plsc.load_gather(
                    ce_all, [jnp.full((16,), d, jnp.int32),
                             jnp.full((16,), goff + i, jnp.int32)])
                acc = acc + cvec * segs[d]
            msg_ref[i, :] = acc

    rows_bufs = [rows0, rows1, rows2, rows3]
    msg_bufs = [msg0, msg1, msg2, msg3]
    gsems = [gsem0, gsem1, gsem2, gsem3]
    ssems = [ssem0, ssem1, ssem2, ssem3]

    gather_start(0, rows0, gsem0)
    gather_start(1, rows1, gsem1)
    gather_start(2, rows2, gsem2)

    @pl.loop(0, NCHUNK, step=4)
    def _quad(j):
        for b in range(4):
            jb = j + b
            nb = (b + 3) % 4

            @pl.when(jb + 3 < NCHUNK)
            def _():
                gather_start(jb + 3, rows_bufs[nb], gsems[nb])

            gather_wait(rows_bufs[b], gsems[b])

            @pl.when(j > 0)
            def _():
                scatter_wait(msg_bufs[b], ssems[b])

            compute(jb, rows_bufs[b], msg_bufs[b])
            scatter_start(jb, msg_bufs[b], ssems[b])

    for b in range(4):
        scatter_wait(msg_bufs[b], ssems[b])

    plsc.subcore_barrier()
    pltpu.sync_copy(agg_sh.at[pl.ds(r0, ROWS_PT)],
                    out_hbm.at[cid, pl.ds(r0, ROWS_PT)])


_sc_mesh = plsc.VectorSubcoreMesh(core_axis_name="c", subcore_axis_name="s")

_sc_cp = pltpu.CompilerParams(use_tc_tiling_on_sc=False)
if "needs_layout_passes" in pltpu.CompilerParams.__dataclass_fields__:
    _sc_cp = dataclasses.replace(_sc_cp, needs_layout_passes=False)

_sc_scatter = pl.kernel(
    _sc_body,
    compiler_params=_sc_cp,
    out_type=jax.ShapeDtypeStruct((NC, NPAD, OUT), jnp.float32),
    mesh=_sc_mesh,
    scratch_types=[
        pltpu.VMEM((NCHUNK, C), jnp.int32),
        pltpu.VMEM((NCHUNK, C), jnp.int32),
        pltpu.VMEM((DE + 1, EPT), jnp.float32),
        pltpu.VMEM((C, 6 * OUT), jnp.bfloat16),
        pltpu.VMEM((C, 6 * OUT), jnp.bfloat16),
        pltpu.VMEM((C, 6 * OUT), jnp.bfloat16),
        pltpu.VMEM((C, 6 * OUT), jnp.bfloat16),
        pltpu.VMEM((C, OUT), jnp.float32),
        pltpu.VMEM((C, OUT), jnp.float32),
        pltpu.VMEM((C, OUT), jnp.float32),
        pltpu.VMEM((C, OUT), jnp.float32),
        pltpu.VMEM_SHARED((NPAD, OUT), jnp.float32),
        pltpu.VMEM_SHARED((NPAD, 6 * OUT), jnp.bfloat16),
        pltpu.SemaphoreType.DMA,
        pltpu.SemaphoreType.DMA,
        pltpu.SemaphoreType.DMA,
        pltpu.SemaphoreType.DMA,
        pltpu.SemaphoreType.DMA,
        pltpu.SemaphoreType.DMA,
        pltpu.SemaphoreType.DMA,
        pltpu.SemaphoreType.DMA,
    ],
)


def _post_body(part_ref, rs_ref, g_ref, b_ref, o_ref):
    pre = part_ref[0, :N] + part_ref[1, :N] + rs_ref[:N, :OUT]
    mean = jnp.mean(pre, axis=0, keepdims=True)
    cen = pre - mean
    var = jnp.mean(cen * cen, axis=0, keepdims=True)
    xn = cen * lax.rsqrt(var + 1e-5) * g_ref[...] + b_ref[...]
    act = jnp.where(xn >= 0, xn, 0.01 * xn)
    o_ref[...] = act + rs_ref[:N, OUT:2 * OUT]


def kernel(v, e, edge_index, enet_W, enet_b, lin_root_W, conv_bias,
           bn_gamma, bn_beta, proj_W):
    src = edge_index[0]
    dst = edge_index[1]
    wu5 = jnp.concatenate(
        [enet_W.reshape(DE, IN, OUT).transpose(1, 0, 2),
         enet_b.reshape(IN, 1, OUT)], axis=1)
    zseg = jnp.zeros((IN, OUT), jnp.float32)
    wu = jnp.concatenate(
        [jnp.stack([wu5[:, 0], wu5[:, 1]], axis=2).reshape(IN, 2 * OUT),
         jnp.stack([wu5[:, 2], wu5[:, 3]], axis=2).reshape(IN, 2 * OUT),
         jnp.stack([wu5[:, 4], zseg], axis=2).reshape(IN, 2 * OUT)],
        axis=1)
    wrs = jnp.concatenate([lin_root_W, proj_W], axis=1)
    brs = jnp.concatenate(
        [conv_bias, jnp.zeros((OUT,), jnp.float32)]).reshape(1, 2 * OUT)

    pad = EPAD - E
    src_p = jnp.concatenate([src, jnp.full((pad,), N, jnp.int32)]).reshape(
        EPAD // C, C)
    dst_p = jnp.concatenate([dst, jnp.zeros((pad,), jnp.int32)]).reshape(
        EPAD // C, C)
    ep_t = jnp.concatenate(
        [jnp.concatenate([e.T, jnp.ones((1, E), jnp.float32)], axis=0),
         jnp.zeros((DE + 1, pad), jnp.float32)], axis=1)
    zero = jnp.zeros((NPAD, OUT), jnp.float32)

    v_p = jnp.concatenate([v, jnp.zeros((NPAD - N, IN), jnp.float32)], axis=0)
    u, rs = pl.pallas_call(
        _pre_body,
        out_shape=[jax.ShapeDtypeStruct((NPAD, 6 * OUT), jnp.bfloat16),
                   jax.ShapeDtypeStruct((NPAD, 2 * OUT), jnp.float32)],
    )(v_p, wu, wrs, brs)

    parts = _sc_scatter(u, src_p, dst_p, ep_t, zero)

    out = pl.pallas_call(
        _post_body,
        out_shape=jax.ShapeDtypeStruct((N, OUT), jnp.float32),
    )(parts, rs, bn_gamma.reshape(1, OUT), bn_beta.reshape(1, OUT))
    return out

# --- scband reference (transcript-rebuilt; emitter-appended) ---
"""Pipeline reference for scband-gnnlayer-26860725469289 (READ-ONLY COPY).

The authoritative reference and input builder live on the scoring server;
editing this copy changes nothing except your own understanding.
"""

import jax, jax.numpy as jnp
import numpy as np

N = 10000
E = 160000
IN = 128
OUT = 16
DE = 4

def setup_inputs(seed: int = 0) -> dict:
    key = jax.random.key(seed)
    ks = jax.random.split(key, 12)
    v = jax.random.normal(ks[0], (N, IN), dtype=jnp.float32)
    e = jax.random.normal(ks[1], (E, DE), dtype=jnp.float32)
    edge_index = jax.random.randint(ks[2], (2, E), 0, N, dtype=jnp.int32)
    # edge network: Linear(DE, IN*OUT)
    enet_W = jax.random.normal(ks[3], (DE, IN * OUT), dtype=jnp.float32) * (1.0 / np.sqrt(DE))
    enet_b = jax.random.normal(ks[4], (IN * OUT,), dtype=jnp.float32) * 0.01
    # NNConv root weight: Linear(IN, OUT, bias=False)
    lin_root_W = jax.random.normal(ks[5], (IN, OUT), dtype=jnp.float32) * (1.0 / np.sqrt(IN))
    conv_bias = jnp.zeros((OUT,), dtype=jnp.float32)
    # BatchNorm affine params
    bn_gamma = jnp.ones((OUT,), dtype=jnp.float32)
    bn_beta = jnp.zeros((OUT,), dtype=jnp.float32)
    # skip projection: Linear(IN, OUT, bias=False) since in_dim != out_dim
    proj_W = jax.random.normal(ks[6], (IN, OUT), dtype=jnp.float32) * (1.0 / np.sqrt(IN))
    return {"v": v, "e": e, "edge_index": edge_index, "enet_W": enet_W, "enet_b": enet_b,
            "lin_root_W": lin_root_W, "conv_bias": conv_bias, "bn_gamma": bn_gamma,
            "bn_beta": bn_beta, "proj_W": proj_W}

def reference(v, e, edge_index, enet_W, enet_b, lin_root_W, conv_bias, bn_gamma, bn_beta, proj_W):
    src = edge_index[0]
    dst = edge_index[1]
    # NNConv: per-edge weight matrix from edge features
    w = (e @ enet_W + enet_b).reshape(-1, IN, OUT)          # [E, IN, OUT]
    xj = jnp.take(v, src, axis=0)                           # gather source node feats [E, IN]
    msg = jnp.einsum('ei,eio->eo', xj, w)                   # per-edge message [E, OUT]
    agg = jax.ops.segment_sum(msg, dst, num_segments=v.shape[0])  # aggr='add' at dst
    out = agg + v @ lin_root_W + conv_bias                  # root weight + bias
    # dense=False -> Identity
    # BatchNorm (training-mode batch stats, eps=1e-5)
    mean = jnp.mean(out, axis=0)
    var = jnp.var(out, axis=0)
    out = (out - mean) * jax.lax.rsqrt(var + 1e-5) * bn_gamma + bn_beta
    # LeakyReLU (negative_slope=0.01)
    out = jnp.where(out >= 0, out, 0.01 * out)
    # dropout dp=None -> Identity; skip with projection (in_dim != out_dim)
    return out + v @ proj_W

if __name__ == "__main__":
    import jax
    _d = setup_inputs()
    print(jax.jit(kernel)(*tuple(_d.values())))

</pallas_src>

<mosaic_0001>
#map = affine_map<(d0, d1) -> (0, 0)>
#map1 = affine_map<(d0, d1) -> (0, 0, 0)>
module attributes {stable_mosaic.version = 14 : i64} {
  func.func @_sc_body(%arg0: i32, %arg1: i32, %arg2: memref<10240x96xbf16, #tpu.memory_space<hbm>>, %arg3: memref<1280x128xi32, #tpu.memory_space<hbm>>, %arg4: memref<1280x128xi32, #tpu.memory_space<hbm>>, %arg5: memref<5x163840xf32, #tpu.memory_space<hbm>>, %arg6: memref<10240x16xf32, #tpu.memory_space<hbm>>, %arg7: memref<2x10240x16xf32, #tpu.memory_space<hbm>>, %arg8: memref<40x128xi32, #tpu.memory_space<vmem>>, %arg9: memref<40x128xi32, #tpu.memory_space<vmem>>, %arg10: memref<5x5120xf32, #tpu.memory_space<vmem>>, %arg11: memref<128x96xbf16, #tpu.memory_space<vmem>>, %arg12: memref<128x96xbf16, #tpu.memory_space<vmem>>, %arg13: memref<128x96xbf16, #tpu.memory_space<vmem>>, %arg14: memref<128x96xbf16, #tpu.memory_space<vmem>>, %arg15: memref<128x16xf32, #tpu.memory_space<vmem>>, %arg16: memref<128x16xf32, #tpu.memory_space<vmem>>, %arg17: memref<128x16xf32, #tpu.memory_space<vmem>>, %arg18: memref<128x16xf32, #tpu.memory_space<vmem>>, %arg19: memref<10240x16xf32, #tpu.memory_space<vmem_shared>>, %arg20: memref<10240x96xbf16, #tpu.memory_space<vmem_shared>>, %arg21: memref<!tpu.dma_semaphore, #tpu.memory_space<semaphore_mem>>, %arg22: memref<!tpu.dma_semaphore, #tpu.memory_space<semaphore_mem>>, %arg23: memref<!tpu.dma_semaphore, #tpu.memory_space<semaphore_mem>>, %arg24: memref<!tpu.dma_semaphore, #tpu.memory_space<semaphore_mem>>, %arg25: memref<!tpu.dma_semaphore, #tpu.memory_space<semaphore_mem>>, %arg26: memref<!tpu.dma_semaphore, #tpu.memory_space<semaphore_mem>>, %arg27: memref<!tpu.dma_semaphore, #tpu.memory_space<semaphore_mem>>, %arg28: memref<!tpu.dma_semaphore, #tpu.memory_space<semaphore_mem>>) attributes {dimension_semantics = [#tpu.dimension_semantics<core_parallel>, #tpu.dimension_semantics<subcore_parallel>], iteration_bounds = array<i64: 2, 16>, scalar_prefetch = 0 : i64, scratch_operands = 21 : i64, tpu.core_type = #tpu.core_type<sc_vector_subcore>, window_params = [{transform_indices = #map}, {transform_indices = #map}, {transform_indices = #map}, {transform_indices = #map}, {transform_indices = #map}, {transform_indices = #map1}]} {
    %mul3A = arith.constant 16 : i32
    %mul3A_0 = arith.muli %arg0, %mul3A : i32
    %add3A = arith.addi %mul3A_0, %arg1 : i32
    %mul3A_1 = arith.constant 640 : i32
    %mul3A_2 = arith.muli %arg1, %mul3A_1 : i32
    "tpu.region"() ({
      %run_scoped3A = tpu.sem_alloc : memref<!tpu.dma_semaphore, #tpu.memory_space<semaphore_mem>>
      %dma_start3A_61 = arith.constant 0 : i32
      %dma_start3A_62 = tpu.memref_slice %arg19[%mul3A_2, %dma_start3A_61] : memref<10240x16xf32, #tpu.memory_space<vmem_shared>> -> memref<640x16xf32, #tpu.memory_space<vmem_shared>>
      %dma_start3A_63 = arith.constant 0 : i32
      %dma_start3A_64 = tpu.memref_slice %arg6[%mul3A_2, %dma_start3A_63] : memref<10240x16xf32, #tpu.memory_space<hbm>> -> memref<640x16xf32, #tpu.memory_space<hbm>>
      tpu.enqueue_dma source(%dma_start3A_64 : memref<640x16xf32, #tpu.memory_space<hbm>>) target(%dma_start3A_62 : memref<640x16xf32, #tpu.memory_space<vmem_shared>>) target_semaphore(%run_scoped3A : memref<!tpu.dma_semaphore, #tpu.memory_space<semaphore_mem>>)
      %dma_wait3A_65 = arith.constant 0 : i32
      %dma_wait3A_66 = tpu.memref_slice %arg19[%mul3A_2, %dma_wait3A_65] : memref<10240x16xf32, #tpu.memory_space<vmem_shared>> -> memref<640x16xf32, #tpu.memory_space<vmem_shared>>
      %dma_wait3A_67 = arith.constant 0 : i32
      %dma_wait3A_68 = tpu.memref_slice %arg6[%mul3A_2, %dma_wait3A_67] : memref<10240x16xf32, #tpu.memory_space<hbm>> -> memref<640x16xf32, #tpu.memory_space<hbm>>
      tpu.wait_dma2 semaphore(%run_scoped3A : memref<!tpu.dma_semaphore, #tpu.memory_space<semaphore_mem>>) src(%dma_wait3A_68 : memref<640x16xf32, #tpu.memory_space<hbm>>) dst(%dma_wait3A_66 : memref<640x16xf32, #tpu.memory_space<vmem_shared>>)
      tpu.yield
    }) : () -> ()
    "tpu.region"() ({
      %run_scoped3A = tpu.sem_alloc : memref<!tpu.dma_semaphore, #tpu.memory_space<semaphore_mem>>
      %dma_start3A_61 = arith.constant 0 : i32
      %dma_start3A_62 = tpu.memref_slice %arg20[%mul3A_2, %dma_start3A_61] : memref<10240x96xbf16, #tpu.memory_space<vmem_shared>> -> memref<640x96xbf16, #tpu.memory_space<vmem_shared>>
      %dma_start3A_63 = arith.constant 0 : i32
      %dma_start3A_64 = tpu.memref_slice %arg2[%mul3A_2, %dma_start3A_63] : memref<10240x96xbf16, #tpu.memory_space<hbm>> -> memref<640x96xbf16, #tpu.memory_space<hbm>>
      tpu.enqueue_dma source(%dma_start3A_64 : memref<640x96xbf16, #tpu.memory_space<hbm>>) target(%dma_start3A_62 : memref<640x96xbf16, #tpu.memory_space<vmem_shared>>) target_semaphore(%run_scoped3A : memref<!tpu.dma_semaphore, #tpu.memory_space<semaphore_mem>>)
      %dma_wait3A_65 = arith.constant 0 : i32
      %dma_wait3A_66 = tpu.memref_slice %arg20[%mul3A_2, %dma_wait3A_65] : memref<10240x96xbf16, #tpu.memory_space<vmem_shared>> -> memref<640x96xbf16, #tpu.memory_space<vmem_shared>>
      %dma_wait3A_67 = arith.constant 0 : i32
      %dma_wait3A_68 = tpu.memref_slice %arg2[%mul3A_2, %dma_wait3A_67] : memref<10240x96xbf16, #tpu.memory_space<hbm>> -> memref<640x96xbf16, #tpu.memory_space<hbm>>
      tpu.wait_dma2 semaphore(%run_scoped3A : memref<!tpu.dma_semaphore, #tpu.memory_space<semaphore_mem>>) src(%dma_wait3A_68 : memref<640x96xbf16, #tpu.memory_space<hbm>>) dst(%dma_wait3A_66 : memref<640x96xbf16, #tpu.memory_space<vmem_shared>>)
      tpu.yield
    }) : () -> ()
    %mul3A_3 = arith.constant 40 : i32
    %mul3A_4 = arith.muli %add3A, %mul3A_3 : i32
    "tpu.region"() ({
      %run_scoped3A = tpu.sem_alloc : memref<!tpu.dma_semaphore, #tpu.memory_space<semaphore_mem>>
      %dma_start3A_61 = arith.constant 0 : i32
      %dma_start3A_62 = tpu.memref_slice %arg3[%mul3A_4, %dma_start3A_61] : memref<1280x128xi32, #tpu.memory_space<hbm>> -> memref<40x128xi32, #tpu.memory_space<hbm>>
      %dma_start3A_63 = arith.constant 0 : i32
      %dma_start3A_64 = tpu.memref_slice %arg3[%mul3A_4, %dma_start3A_63] : memref<1280x128xi32, #tpu.memory_space<hbm>> -> memref<40x128xi32, #tpu.memory_space<hbm>>
      tpu.enqueue_dma source(%dma_start3A_64 : memref<40x128xi32, #tpu.memory_space<hbm>>) target(%arg8 : memref<40x128xi32, #tpu.memory_space<vmem>>) target_semaphore(%run_scoped3A : memref<!tpu.dma_semaphore, #tpu.memory_space<semaphore_mem>>)
      %dma_wait3A_65 = arith.constant 0 : i32
      %dma_wait3A_66 = tpu.memref_slice %arg3[%mul3A_4, %dma_wait3A_65] : memref<1280x128xi32, #tpu.memory_space<hbm>> -> memref<40x128xi32, #tpu.memory_space<hbm>>
      %dma_wait3A_67 = arith.constant 0 : i32
      %dma_wait3A_68 = tpu.memref_slice %arg3[%mul3A_4, %dma_wait3A_67] : memref<1280x128xi32, #tpu.memory_space<hbm>> -> memref<40x128xi32, #tpu.memory_space<hbm>>
      tpu.wait_dma2 semaphore(%run_scoped3A : memref<!tpu.dma_semaphore, #tpu.memory_space<semaphore_mem>>) src(%dma_wait3A_68 : memref<40x128xi32, #tpu.memory_space<hbm>>) dst(%arg8 : memref<40x128xi32, #tpu.memory_space<vmem>>)
      tpu.yield
    }) : () -> ()
    %mul3A_5 = arith.constant 40 : i32
    %mul3A_6 = arith.muli %add3A, %mul3A_5 : i32
    "tpu.region"() ({
      %run_scoped3A = tpu.sem_alloc : memref<!tpu.dma_semaphore, #tpu.memory_space<semaphore_mem>>
      %dma_start3A_61 = arith.constant 0 : i32
      %dma_start3A_62 = tpu.memref_slice %arg4[%mul3A_6, %dma_start3A_61] : memref<1280x128xi32, #tpu.memory_space<hbm>> -> memref<40x128xi32, #tpu.memory_space<hbm>>
      %dma_start3A_63 = arith.constant 0 : i32
      %dma_start3A_64 = tpu.memref_slice %arg4[%mul3A_6, %dma_start3A_63] : memref<1280x128xi32, #tpu.memory_space<hbm>> -> memref<40x128xi32, #tpu.memory_space<hbm>>
      tpu.enqueue_dma source(%dma_start3A_64 : memref<40x128xi32, #tpu.memory_space<hbm>>) target(%arg9 : memref<40x128xi32, #tpu.memory_space<vmem>>) target_semaphore(%run_scoped3A : memref<!tpu.dma_semaphore, #tpu.memory_space<semaphore_mem>>)
      %dma_wait3A_65 = arith.constant 0 : i32
      %dma_wait3A_66 = tpu.memref_slice %arg4[%mul3A_6, %dma_wait3A_65] : memref<1280x128xi32, #tpu.memory_space<hbm>> -> memref<40x128xi32, #tpu.memory_space<hbm>>
      %dma_wait3A_67 = arith.constant 0 : i32
      %dma_wait3A_68 = tpu.memref_slice %arg4[%mul3A_6, %dma_wait3A_67] : memref<1280x128xi32, #tpu.memory_space<hbm>> -> memref<40x128xi32, #tpu.memory_space<hbm>>
      tpu.wait_dma2 semaphore(%run_scoped3A : memref<!tpu.dma_semaphore, #tpu.memory_space<semaphore_mem>>) src(%dma_wait3A_68 : memref<40x128xi32, #tpu.memory_space<hbm>>) dst(%arg9 : memref<40x128xi32, #tpu.memory_space<vmem>>)
      tpu.yield
    }) : () -> ()
    %mul3A_7 = arith.constant 5120 : i32
    %mul3A_8 = arith.muli %add3A, %mul3A_7 : i32
    "tpu.region"() ({
      %run_scoped3A = tpu.sem_alloc : memref<!tpu.dma_semaphore, #tpu.memory_space<semaphore_mem>>
      %dma_start3A_61 = arith.constant 0 : i32
      %dma_start3A_62 = tpu.memref_slice %arg5[%dma_start3A_61, %mul3A_8] : memref<5x163840xf32, #tpu.memory_space<hbm>> -> memref<5x5120xf32, #tpu.memory_space<hbm>>
      %dma_start3A_63 = arith.constant 0 : i32
      %dma_start3A_64 = tpu.memref_slice %arg5[%dma_start3A_63, %mul3A_8] : memref<5x163840xf32, #tpu.memory_space<hbm>> -> memref<5x5120xf32, #tpu.memory_space<hbm>>
      tpu.enqueue_dma source(%dma_start3A_64 : memref<5x5120xf32, #tpu.memory_space<hbm>>) target(%arg10 : memref<5x5120xf32, #tpu.memory_space<vmem>>) target_semaphore(%run_scoped3A : memref<!tpu.dma_semaphore, #tpu.memory_space<semaphore_mem>>)
      %dma_wait3A_65 = arith.constant 0 : i32
      %dma_wait3A_66 = tpu.memref_slice %arg5[%dma_wait3A_65, %mul3A_8] : memref<5x163840xf32, #tpu.memory_space<hbm>> -> memref<5x5120xf32, #tpu.memory_space<hbm>>
      %dma_wait3A_67 = arith.constant 0 : i32
      %dma_wait3A_68 = tpu.memref_slice %arg5[%dma_wait3A_67, %mul3A_8] : memref<5x163840xf32, #tpu.memory_space<hbm>> -> memref<5x5120xf32, #tpu.memory_space<hbm>>
      tpu.wait_dma2 semaphore(%run_scoped3A : memref<!tpu.dma_semaphore, #tpu.memory_space<semaphore_mem>>) src(%dma_wait3A_68 : memref<5x5120xf32, #tpu.memory_space<hbm>>) dst(%arg10 : memref<5x5120xf32, #tpu.memory_space<vmem>>)
      tpu.yield
    }) : () -> ()
    %barrier3A = arith.constant 0 : index
    tpu.barrier barrier_id(%barrier3A)
    %dma_start3A = arith.constant 0 : i32
    %dma_start3A_9 = arith.constant 0 : i32
    %dma_start3A_10 = tpu.memref_slice %arg8[%dma_start3A, %dma_start3A_9] : memref<40x128xi32, #tpu.memory_space<vmem>> -> memref<1x128xi32, #tpu.memory_space<vmem>>
    %dma_start3A_11 = tpu.memref_squeeze %dma_start3A_10 : memref<1x128xi32, #tpu.memory_space<vmem>> -> memref<128xi32, #tpu.memory_space<vmem>>
    %dma_start3A_12 = arith.constant 0 : i32
    %dma_start3A_13 = arith.constant 0 : i32
    %dma_start3A_14 = tpu.memref_slice %arg20[%dma_start3A_12, %dma_start3A_13] : memref<10240x96xbf16, #tpu.memory_space<vmem_shared>> -> memref<10240x96xbf16, #tpu.memory_space<vmem_shared>>
    tpu.enqueue_indirect_dma source(%dma_start3A_14 : memref<10240x96xbf16, #tpu.memory_space<vmem_shared>>) target(%arg11 : memref<128x96xbf16, #tpu.memory_space<vmem>>) offsets(%dma_start3A_11 : memref<128xi32, #tpu.memory_space<vmem>>) semaphore(%arg21 : memref<!tpu.dma_semaphore, #tpu.memory_space<semaphore_mem>>)
    %dma_start3A_15 = arith.constant 1 : i32
    %dma_start3A_16 = arith.constant 0 : i32
    %dma_start3A_17 = tpu.memref_slice %arg8[%dma_start3A_15, %dma_start3A_16] : memref<40x128xi32, #tpu.memory_space<vmem>> -> memref<1x128xi32, #tpu.memory_space<vmem>>
    %dma_start3A_18 = tpu.memref_squeeze %dma_start3A_17 : memref<1x128xi32, #tpu.memory_space<vmem>> -> memref<128xi32, #tpu.memory_space<vmem>>
    %dma_start3A_19 = arith.constant 0 : i32
    %dma_start3A_20 = arith.constant 0 : i32
    %dma_start3A_21 = tpu.memref_slice %arg20[%dma_start3A_19, %dma_start3A_20] : memref<10240x96xbf16, #tpu.memory_space<vmem_shared>> -> memref<10240x96xbf16, #tpu.memory_space<vmem_shared>>
    tpu.enqueue_indirect_dma source(%dma_start3A_21 : memref<10240x96xbf16, #tpu.memory_space<vmem_shared>>) target(%arg12 : memref<128x96xbf16, #tpu.memory_space<vmem>>) offsets(%dma_start3A_18 : memref<128xi32, #tpu.memory_space<vmem>>) semaphore(%arg22 : memref<!tpu.dma_semaphore, #tpu.memory_space<semaphore_mem>>)
    %dma_start3A_22 = arith.constant 2 : i32
    %dma_start3A_23 = arith.constant 0 : i32
    %dma_start3A_24 = tpu.memref_slice %arg8[%dma_start3A_22, %dma_start3A_23] : memref<40x128xi32, #tpu.memory_space<vmem>> -> memref<1x128xi32, #tpu.memory_space<vmem>>
    %dma_start3A_25 = tpu.memref_squeeze %dma_start3A_24 : memref<1x128xi32, #tpu.memory_space<vmem>> -> memref<128xi32, #tpu.memory_space<vmem>>
    %dma_start3A_26 = arith.constant 0 : i32
    %dma_start3A_27 = arith.constant 0 : i32
    %dma_start3A_28 = tpu.memref_slice %arg20[%dma_start3A_26, %dma_start3A_27] : memref<10240x96xbf16, #tpu.memory_space<vmem_shared>> -> memref<10240x96xbf16, #tpu.memory_space<vmem_shared>>
    tpu.enqueue_indirect_dma source(%dma_start3A_28 : memref<10240x96xbf16, #tpu.memory_space<vmem_shared>>) target(%arg13 : memref<128x96xbf16, #tpu.memory_space<vmem>>) offsets(%dma_start3A_25 : memref<128xi32, #tpu.memory_space<vmem>>) semaphore(%arg23 : memref<!tpu.dma_semaphore, #tpu.memory_space<semaphore_mem>>)
    %scan3A = arith.constant 0 : i32
    %scan3A_29 = arith.constant 10 : i32
    %scan3A_30 = arith.addi %scan3A, %scan3A_29 : i32
    %scan3A_31 = arith.constant 1 : i32
    scf.for %scan3A_61 = %scan3A to %scan3A_30 step %scan3A_31  : i32 {
      %mul3A_62 = arith.constant 4 : i32
      %mul3A_63 = arith.muli %scan3A_61, %mul3A_62 : i32
      %add3A_64 = arith.constant 0 : i32
      %add3A_65 = arith.addi %add3A_64, %mul3A_63 : i32
      %add3A_66 = arith.constant 0 : i32
      %add3A_67 = arith.addi %add3A_65, %add3A_66 : i32
      %add3A_68 = arith.constant 3 : i32
      %add3A_69 = arith.addi %add3A_67, %add3A_68 : i32
      %lt3A = arith.constant 40 : i32
      %lt3A_70 = arith.cmpi slt, %add3A_69, %lt3A : i32
      %convert_element_type3A = arith.extui %lt3A_70 : i1 to i32
      %cond3A = arith.constant 0 : i32
      %cond3A_71 = arith.cmpi ne, %convert_element_type3A, %cond3A : i32
      scf.if %cond3A_71 {
        %add3A_198 = arith.constant 3 : i32
        %add3A_199 = arith.addi %add3A_67, %add3A_198 : i32
        %dma_start3A_200 = arith.constant 0 : i32
        %dma_start3A_201 = tpu.memref_slice %arg8[%add3A_199, %dma_start3A_200] : memref<40x128xi32, #tpu.memory_space<vmem>> -> memref<1x128xi32, #tpu.memory_space<vmem>>
        %dma_start3A_202 = tpu.memref_squeeze %dma_start3A_201 : memref<1x128xi32, #tpu.memory_space<vmem>> -> memref<128xi32, #tpu.memory_space<vmem>>
        %dma_start3A_203 = arith.constant 0 : i32
        %dma_start3A_204 = arith.constant 0 : i32
        %dma_start3A_205 = tpu.memref_slice %arg20[%dma_start3A_203, %dma_start3A_204] : memref<10240x96xbf16, #tpu.memory_space<vmem_shared>> -> memref<10240x96xbf16, #tpu.memory_space<vmem_shared>>
        tpu.enqueue_indirect_dma source(%dma_start3A_205 : memref<10240x96xbf16, #tpu.memory_space<vmem_shared>>) target(%arg14 : memref<128x96xbf16, #tpu.memory_space<vmem>>) offsets(%dma_start3A_202 : memref<128xi32, #tpu.memory_space<vmem>>) semaphore(%arg24 : memref<!tpu.dma_semaphore, #tpu.memory_space<semaphore_mem>>)
      } else {
      }
      %dma_wait3A_72 = arith.constant 0 : i32
      %dma_wait3A_73 = arith.constant 0 : i32
      %dma_wait3A_74 = tpu.memref_slice %arg8[%dma_wait3A_72, %dma_wait3A_73] : memref<40x128xi32, #tpu.memory_space<vmem>> -> memref<1x128xi32, #tpu.memory_space<vmem>>
      %dma_wait3A_75 = tpu.memref_squeeze %dma_wait3A_74 : memref<1x128xi32, #tpu.memory_space<vmem>> -> memref<128xi32, #tpu.memory_space<vmem>>
      %dma_wait3A_76 = arith.constant 0 : i32
      %dma_wait3A_77 = arith.constant 0 : i32
      %dma_wait3A_78 = tpu.memref_slice %arg20[%dma_wait3A_76, %dma_wait3A_77] : memref<10240x96xbf16, #tpu.memory_space<vmem_shared>> -> memref<10240x96xbf16, #tpu.memory_space<vmem_shared>>
      tpu.wait_indirect_dma semaphore(%arg21 : memref<!tpu.dma_semaphore, #tpu.memory_space<semaphore_mem>>) src(%dma_wait3A_78 : memref<10240x96xbf16, #tpu.memory_space<vmem_shared>>) dst(%arg11 : memref<128x96xbf16, #tpu.memory_space<vmem>>)
      %gt3A = arith.constant 0 : i32
      %gt3A_79 = arith.cmpi sgt, %add3A_65, %gt3A : i32
      %convert_element_type3A_80 = arith.extui %gt3A_79 : i1 to i32
      %cond3A_81 = arith.constant 0 : i32
      %cond3A_82 = arith.cmpi ne, %convert_element_type3A_80, %cond3A_81 : i32
      scf.if %cond3A_82 {
        %dma_wait3A_198 = arith.constant 0 : i32
        %dma_wait3A_199 = arith.constant 0 : i32
        %dma_wait3A_200 = tpu.memref_slice %arg9[%dma_wait3A_198, %dma_wait3A_199] : memref<40x128xi32, #tpu.memory_space<vmem>> -> memref<1x128xi32, #tpu.memory_space<vmem>>
        %dma_wait3A_201 = tpu.memref_squeeze %dma_wait3A_200 : memref<1x128xi32, #tpu.memory_space<vmem>> -> memref<128xi32, #tpu.memory_space<vmem>>
        %dma_wait3A_202 = arith.constant 0 : i32
        %dma_wait3A_203 = arith.constant 0 : i32
        %dma_wait3A_204 = tpu.memref_slice %arg19[%dma_wait3A_202, %dma_wait3A_203] : memref<10240x16xf32, #tpu.memory_space<vmem_shared>> -> memref<10240x16xf32, #tpu.memory_space<vmem_shared>>
        tpu.wait_indirect_dma semaphore(%arg25 : memref<!tpu.dma_semaphore, #tpu.memory_space<semaphore_mem>>) src(%arg15 : memref<128x16xf32, #tpu.memory_space<vmem>>) dst(%dma_wait3A_204 : memref<10240x16xf32, #tpu.memory_space<vmem_shared>>)
      } else {
      }
      %mul3A_83 = arith.constant 128 : i32
      %mul3A_84 = arith.muli %add3A_67, %mul3A_83 : i32
      %scan3A_85 = arith.constant 0 : i32
      %scan3A_86 = arith.constant 128 : i32
      %scan3A_87 = arith.addi %scan3A_85, %scan3A_86 : i32
      %scan3A_88 = arith.constant 4 : i32
      scf.for %scan3A_198 = %scan3A_85 to %scan3A_87 step %scan3A_88  : i32 {
        %mul3A_199 = arith.constant 1 : i32
        %mul3A_200 = arith.muli %scan3A_198, %mul3A_199 : i32
        %add3A_201 = arith.constant 0 : i32
        %add3A_202 = arith.addi %add3A_201, %mul3A_200 : i32
        %get3A = arith.index_cast %add3A_202 : i32 to index
        %get3A_203 = arith.constant 0 : index
        %get3A_204 = tpu.vector_load %arg11[%get3A, %get3A_203] {strides = array<i32>} : memref<128x96xbf16, #tpu.memory_space<vmem>>, vector<32xbf16>,
        %unpack3A = tpu.unpack_subelements %get3A_204, 0 {pack_format = #tpu.pack_format<interleaved>} : vector<32xbf16> -> vector<16xf32>
        %unpack3A_205 = tpu.unpack_subelements %get3A_204, 1 {pack_format = #tpu.pack_format<interleaved>} : vector<32xbf16> -> vector<16xf32>
        %get3A_206 = arith.index_cast %add3A_202 : i32 to index
        %get3A_207 = arith.constant 32 : index
        %get3A_208 = tpu.vector_load %arg11[%get3A_206, %get3A_207] {strides = array<i32>} : memref<128x96xbf16, #tpu.memory_space<vmem>>, vector<32xbf16>,
        %unpack3A_209 = tpu.unpack_subelements %get3A_208, 0 {pack_format = #tpu.pack_format<interleaved>} : vector<32xbf16> -> vector<16xf32>
        %unpack3A_210 = tpu.unpack_subelements %get3A_208, 1 {pack_format = #tpu.pack_format<interleaved>} : vector<32xbf16> -> vector<16xf32>
        %get3A_211 = arith.index_cast %add3A_202 : i32 to index
        %get3A_212 = arith.constant 64 : index
        %get3A_213 = tpu.vector_load %arg11[%get3A_211, %get3A_212] {strides = array<i32>} : memref<128x96xbf16, #tpu.memory_space<vmem>>, vector<32xbf16>,
        %unpack3A_214 = tpu.unpack_subelements %get3A_213, 0 {pack_format = #tpu.pack_format<interleaved>} : vector<32xbf16> -> vector<16xf32>
        %unpack3A_215 = tpu.unpack_subelements %get3A_213, 1 {pack_format = #tpu.pack_format<interleaved>} : vector<32xbf16> -> vector<16xf32>
        %broadcast_in_dim3A = arith.constant 0 : i32
        %broadcast_in_dim3A_216 = vector.broadcast %broadcast_in_dim3A : i32 to vector<16xi32>
        %add3A_217 = arith.addi %mul3A_84, %add3A_202 : i32
        %broadcast_in_dim3A_218 = vector.broadcast %add3A_217 : i32 to vector<16xi32>
        %gather3A = tpu.vector_load_idx %arg10[%broadcast_in_dim3A_216, %broadcast_in_dim3A_218] : memref<5x5120xf32, #tpu.memory_space<vmem>>[vector<16xi32>, vector<16xi32>], vector<16xf32>,
        %mul3A_219 = arith.mulf %gather3A, %unpack3A : vector<16xf32>
        %add3A_220 = arith.addf %unpack3A_214, %mul3A_219 : vector<16xf32>
        %broadcast_in_dim3A_221 = arith.constant 1 : i32
        %broadcast_in_dim3A_222 = vector.broadcast %broadcast_in_dim3A_221 : i32 to vector<16xi32>
        %add3A_223 = arith.addi %mul3A_84, %add3A_202 : i32
        %broadcast_in_dim3A_224 = vector.broadcast %add3A_223 : i32 to vector<16xi32>
        %gather3A_225 = tpu.vector_load_idx %arg10[%broadcast_in_dim3A_222, %broadcast_in_dim3A_224] : memref<5x5120xf32, #tpu.memory_space<vmem>>[vector<16xi32>, vector<16xi32>], vector<16xf32>,
        %mul3A_226 = arith.mulf %gather3A_225, %unpack3A_205 : vector<16xf32>
        %add3A_227 = arith.addf %add3A_220, %mul3A_226 : vector<16xf32>
        %broadcast_in_dim3A_228 = arith.constant 2 : i32
        %broadcast_in_dim3A_229 = vector.broadcast %broadcast_in_dim3A_228 : i32 to vector<16xi32>
        %add3A_230 = arith.addi %mul3A_84, %add3A_202 : i32
        %broadcast_in_dim3A_231 = vector.broadcast %add3A_230 : i32 to vector<16xi32>
        %gather3A_232 = tpu.vector_load_idx %arg10[%broadcast_in_dim3A_229, %broadcast_in_dim3A_231] : memref<5x5120xf32, #tpu.memory_space<vmem>>[vector<16xi32>, vector<16xi32>], vector<16xf32>,
        %mul3A_233 = arith.mulf %gather3A_232, %unpack3A_209 : vector<16xf32>
        %add3A_234 = arith.addf %add3A_227, %mul3A_233 : vector<16xf32>
        %broadcast_in_dim3A_235 = arith.constant 3 : i32
        %broadcast_in_dim3A_236 = vector.broadcast %broadcast_in_dim3A_235 : i32 to vector<16xi32>
        %add3A_237 = arith.addi %mul3A_84, %add3A_202 : i32
        %broadcast_in_dim3A_238 = vector.broadcast %add3A_237 : i32 to vector<16xi32>
        %gather3A_239 = tpu.vector_load_idx %arg10[%broadcast_in_dim3A_236, %broadcast_in_dim3A_238] : memref<5x5120xf32, #tpu.memory_space<vmem>>[vector<16xi32>, vector<16xi32>], vector<16xf32>,
        %mul3A_240 = arith.mulf %gather3A_239, %unpack3A_210 : vector<16xf32>
        %add3A_241 = arith.addf %add3A_234, %mul3A_240 : vector<16xf32>
        %swap3A = arith.index_cast %add3A_202 : i32 to index
        %swap3A_242 = arith.constant 0 : index
        %swap3A_243 = tpu.vector_load %arg15[%swap3A, %swap3A_242] {strides = array<i32>} : memref<128x16xf32, #tpu.memory_space<vmem>>, vector<16xf32>,
        tpu.vector_store %arg15[%swap3A, %swap3A_242], %add3A_241 {strides = array<i32>} : memref<128x16xf32, #tpu.memory_space<vmem>>, vector<16xf32>,
        %scan3A_244 = arith.constant 1 : i32
        %scan3A_245 = arith.addi %scan3A_198, %scan3A_244 : i32
        %mul3A_246 = arith.constant 1 : i32
        %mul3A_247 = arith.muli %scan3A_245, %mul3A_246 : i32
        %add3A_248 = arith.constant 0 : i32
        %add3A_249 = arith.addi %add3A_248, %mul3A_247 : i32
        %get3A_250 = arith.index_cast %add3A_249 : i32 to index
        %get3A_251 = arith.constant 0 : index
        %get3A_252 = tpu.vector_load %arg11[%get3A_250, %get3A_251] {strides = array<i32>} : memref<128x96xbf16, #tpu.memory_space<vmem>>, vector<32xbf16>,
        %unpack3A_253 = tpu.unpack_subelements %get3A_252, 0 {pack_format = #tpu.pack_format<interleaved>} : vector<32xbf16> -> vector<16xf32>
        %unpack3A_254 = tpu.unpack_subelements %get3A_252, 1 {pack_format = #tpu.pack_format<interleaved>} : vector<32xbf16> -> vector<16xf32>
        %get3A_255 = arith.index_cast %add3A_249 : i32 to index
        %get3A_256 = arith.constant 32 : index
        %get3A_257 = tpu.vector_load %arg11[%get3A_255, %get3A_256] {strides = array<i32>} : memref<128x96xbf16, #tpu.memory_space<vmem>>, vector<32xbf16>,
        %unpack3A_258 = tpu.unpack_subelements %get3A_257, 0 {pack_format = #tpu.pack_format<interleaved>} : vector<32xbf16> -> vector<16xf32>
        %unpack3A_259 = tpu.unpack_subelements %get3A_257, 1 {pack_format = #tpu.pack_format<interleaved>} : vector<32xbf16> -> vector<16xf32>
        %get3A_260 = arith.index_cast %add3A_249 : i32 to index
        %get3A_261 = arith.constant 64 : index
        %get3A_262 = tpu.vector_load %arg11[%get3A_260, %get3A_261] {strides = array<i32>} : memref<128x96xbf16, #tpu.memory_space<vmem>>, vector<32xbf16>,
        %unpack3A_263 = tpu.unpack_subelements %get3A_262, 0 {pack_format = #tpu.pack_format<interleaved>} : vector<32xbf16> -> vector<16xf32>
        %unpack3A_264 = tpu.unpack_subelements %get3A_262, 1 {pack_format = #tpu.pack_format<interleaved>} : vector<32xbf16> -> vector<16xf32>
        %broadcast_in_dim3A_265 = arith.constant 0 : i32
        %broadcast_in_dim3A_266 = vector.broadcast %broadcast_in_dim3A_265 : i32 to vector<16xi32>
        %add3A_267 = arith.addi %mul3A_84, %add3A_249 : i32
        %broadcast_in_dim3A_268 = vector.broadcast %add3A_267 : i32 to vector<16xi32>
        %gather3A_269 = tpu.vector_load_idx %arg10[%broadcast_in_dim3A_266, %broadcast_in_dim3A_268] : memref<5x5120xf32, #tpu.memory_space<vmem>>[vector<16xi32>, vector<16xi32>], vector<16xf32>,
        %mul3A_270 = arith.mulf %gather3A_269, %unpack3A_253 : vector<16xf32>
        %add3A_271 = arith.addf %unpack3A_263, %mul3A_270 : vector<16xf32>
        %broadcast_in_dim3A_272 = arith.constant 1 : i32
        %broadcast_in_dim3A_273 = vector.broadcast %broadcast_in_dim3A_272 : i32 to vector<16xi32>
        %add3A_274 = arith.addi %mul3A_84, %add3A_249 : i32
        %broadcast_in_dim3A_275 = vector.broadcast %add3A_274 : i32 to vector<16xi32>
        %gather3A_276 = tpu.vector_load_idx %arg10[%broadcast_in_dim3A_273, %broadcast_in_dim3A_275] : memref<5x5120xf32, #tpu.memory_space<vmem>>[vector<16xi32>, vector<16xi32>], vector<16xf32>,
        %mul3A_277 = arith.mulf %gather3A_276, %unpack3A_254 : vector<16xf32>
        %add3A_278 = arith.addf %add3A_271, %mul3A_277 : vector<16xf32>
        %broadcast_in_dim3A_279 = arith.constant 2 : i32
        %broadcast_in_dim3A_280 = vector.broadcast %broadcast_in_dim3A_279 : i32 to vector<16xi32>
        %add3A_281 = arith.addi %mul3A_84, %add3A_249 : i32
        %broadcast_in_dim3A_282 = vector.broadcast %add3A_281 : i32 to vector<16xi32>
        %gather3A_283 = tpu.vector_load_idx %arg10[%broadcast_in_dim3A_280, %broadcast_in_dim3A_282] : memref<5x5120xf32, #tpu.memory_space<vmem>>[vector<16xi32>, vector<16xi32>], vector<16xf32>,
        %mul3A_284 = arith.mulf %gather3A_283, %unpack3A_258 : vector<16xf32>
        %add3A_285 = arith.addf %add3A_278, %mul3A_284 : vector<16xf32>
        %broadcast_in_dim3A_286 = arith.constant 3 : i32
        %broadcast_in_dim3A_287 = vector.broadcast %broadcast_in_dim3A_286 : i32 to vector<16xi32>
        %add3A_288 = arith.addi %mul3A_84, %add3A_249 : i32
        %broadcast_in_dim3A_289 = vector.broadcast %add3A_288 : i32 to vector<16xi32>
        %gather3A_290 = tpu.vector_load_idx %arg10[%broadcast_in_dim3A_287, %broadcast_in_dim3A_289] : memref<5x5120xf32, #tpu.memory_space<vmem>>[vector<16xi32>, vector<16xi32>], vector<16xf32>,
        %mul3A_291 = arith.mulf %gather3A_290, %unpack3A_259 : vector<16xf32>
        %add3A_292 = arith.addf %add3A_285, %mul3A_291 : vector<16xf32>
        %swap3A_293 = arith.index_cast %add3A_249 : i32 to index
        %swap3A_294 = arith.constant 0 : index
        %swap3A_295 = tpu.vector_load %arg15[%swap3A_293, %swap3A_294] {strides = array<i32>} : memref<128x16xf32, #tpu.memory_space<vmem>>, vector<16xf32>,
        tpu.vector_store %arg15[%swap3A_293, %swap3A_294], %add3A_292 {strides = array<i32>} : memref<128x16xf32, #tpu.memory_space<vmem>>, vector<16xf32>,
        %scan3A_296 = arith.constant 2 : i32
        %scan3A_297 = arith.addi %scan3A_198, %scan3A_296 : i32
        %mul3A_298 = arith.constant 1 : i32
        %mul3A_299 = arith.muli %scan3A_297, %mul3A_298 : i32
        %add3A_300 = arith.constant 0 : i32
        %add3A_301 = arith.addi %add3A_300, %mul3A_299 : i32
        %get3A_302 = arith.index_cast %add3A_301 : i32 to index
        %get3A_303 = arith.constant 0 : index
        %get3A_304 = tpu.vector_load %arg11[%get3A_302, %get3A_303] {strides = array<i32>} : memref<128x96xbf16, #tpu.memory_space<vmem>>, vector<32xbf16>,
        %unpack3A_305 = tpu.unpack_subelements %get3A_304, 0 {pack_format = #tpu.pack_format<interleaved>} : vector<32xbf16> -> vector<16xf32>
        %unpack3A_306 = tpu.unpack_subelements %get3A_304, 1 {pack_format = #tpu.pack_format<interleaved>} : vector<32xbf16> -> vector<16xf32>
        %get3A_307 = arith.index_cast %add3A_301 : i32 to index
        %get3A_308 = arith.constant 32 : index
        %get3A_309 = tpu.vector_load %arg11[%get3A_307, %get3A_308] {strides = array<i32>} : memref<128x96xbf16, #tpu.memory_space<vmem>>, vector<32xbf16>,
        %unpack3A_310 = tpu.unpack_subelements %get3A_309, 0 {pack_format = #tpu.pack_format<interleaved>} : vector<32xbf16> -> vector<16xf32>
        %unpack3A_311 = tpu.unpack_subelements %get3A_309, 1 {pack_format = #tpu.pack_format<interleaved>} : vector<32xbf16> -> vector<16xf32>
        %get3A_312 = arith.index_cast %add3A_301 : i32 to index
        %get3A_313 = arith.constant 64 : index
        %get3A_314 = tpu.vector_load %arg11[%get3A_312, %get3A_313] {strides = array<i32>} : memref<128x96xbf16, #tpu.memory_space<vmem>>, vector<32xbf16>,
        %unpack3A_315 = tpu.unpack_subelements %get3A_314, 0 {pack_format = #tpu.pack_format<interleaved>} : vector<32xbf16> -> vector<16xf32>
        %unpack3A_316 = tpu.unpack_subelements %get3A_314, 1 {pack_format = #tpu.pack_format<interleaved>} : vector<32xbf16> -> vector<16xf32>
        %broadcast_in_dim3A_317 = arith.constant 0 : i32
        %broadcast_in_dim3A_318 = vector.broadcast %broadcast_in_dim3A_317 : i32 to vector<16xi32>
        %add3A_319 = arith.addi %mul3A_84, %add3A_301 : i32
        %broadcast_in_dim3A_320 = vector.broadcast %add3A_319 : i32 to vector<16xi32>
        %gather3A_321 = tpu.vector_load_idx %arg10[%broadcast_in_dim3A_318, %broadcast_in_dim3A_320] : memref<5x5120xf32, #tpu.memory_space<vmem>>[vector<16xi32>, vector<16xi32>], vector<16xf32>,
        %mul3A_322 = arith.mulf %gather3A_321, %unpack3A_305 : vector<16xf32>
        %add3A_323 = arith.addf %unpack3A_315, %mul3A_322 : vector<16xf32>
        %broadcast_in_dim3A_324 = arith.constant 1 : i32
        %broadcast_in_dim3A_325 = vector.broadcast %broadcast_in_dim3A_324 : i32 to vector<16xi32>
        %add3A_326 = arith.addi %mul3A_84, %add3A_301 : i32
        %broadcast_in_dim3A_327 = vector.broadcast %add3A_326 : i32 to vector<16xi32>
        %gather3A_328 = tpu.vector_load_idx %arg10[%broadcast_in_dim3A_325, %broadcast_in_dim3A_327] : memref<5x5120xf32, #tpu.memory_space<vmem>>[vector<16xi32>, vector<16xi32>], vector<16xf32>,
        %mul3A_329 = arith.mulf %gather3A_328, %unpack3A_306 : vector<16xf32>
        %add3A_330 = arith.addf %add3A_323, %mul3A_329 : vector<16xf32>
        %broadcast_in_dim3A_331 = arith.constant 2 : i32
        %broadcast_in_dim3A_332 = vector.broadcast %broadcast_in_dim3A_331 : i32 to vector<16xi32>
        %add3A_333 = arith.addi %mul3A_84, %add3A_301 : i32
        %broadcast_in_dim3A_334 = vector.broadcast %add3A_333 : i32 to vector<16xi32>
        %gather3A_335 = tpu.vector_load_idx %arg10[%broadcast_in_dim3A_332, %broadcast_in_dim3A_334] : memref<5x5120xf32, #tpu.memory_space<vmem>>[vector<16xi32>, vector<16xi32>], vector<16xf32>,
        %mul3A_336 = arith.mulf %gather3A_335, %unpack3A_310 : vector<16xf32>
        %add3A_337 = arith.addf %add3A_330, %mul3A_336 : vector<16xf32>
        %broadcast_in_dim3A_338 = arith.constant 3 : i32
        %broadcast_in_dim3A_339 = vector.broadcast %broadcast_in_dim3A_338 : i32 to vector<16xi32>
        %add3A_340 = arith.addi %mul3A_84, %add3A_301 : i32
        %broadcast_in_dim3A_341 = vector.broadcast %add3A_340 : i32 to vector<16xi32>
        %gather3A_342 = tpu.vector_load_idx %arg10[%broadcast_in_dim3A_339, %broadcast_in_dim3A_341] : memref<5x5120xf32, #tpu.memory_space<vmem>>[vector<16xi32>, vector<16xi32>], vector<16xf32>,
        %mul3A_343 = arith.mulf %gather3A_342, %unpack3A_311 : vector<16xf32>
        %add3A_344 = arith.addf %add3A_337, %mul3A_343 : vector<16xf32>
        %swap3A_345 = arith.index_cast %add3A_301 : i32 to index
        %swap3A_346 = arith.constant 0 : index
        %swap3A_347 = tpu.vector_load %arg15[%swap3A_345, %swap3A_346] {strides = array<i32>} : memref<128x16xf32, #tpu.memory_space<vmem>>, vector<16xf32>,
        tpu.vector_store %arg15[%swap3A_345, %swap3A_346], %add3A_344 {strides = array<i32>} : memref<128x16xf32, #tpu.memory_space<vmem>>, vector<16xf32>,
        %scan3A_348 = arith.constant 3 : i32
        %scan3A_349 = arith.addi %scan3A_198, %scan3A_348 : i32
        %mul3A_350 = arith.constant 1 : i32
        %mul3A_351 = arith.muli %scan3A_349, %mul3A_350 : i32
        %add3A_352 = arith.constant 0 : i32
        %add3A_353 = arith.addi %add3A_352, %mul3A_351 : i32
        %get3A_354 = arith.index_cast %add3A_353 : i32 to index
        %get3A_355 = arith.constant 0 : index
        %get3A_356 = tpu.vector_load %arg11[%get3A_354, %get3A_355] {strides = array<i32>} : memref<128x96xbf16, #tpu.memory_space<vmem>>, vector<32xbf16>,
        %unpack3A_357 = tpu.unpack_subelements %get3A_356, 0 {pack_format = #tpu.pack_format<interleaved>} : vector<32xbf16> -> vector<16xf32>
        %unpack3A_358 = tpu.unpack_subelements %get3A_356, 1 {pack_format = #tpu.pack_format<interleaved>} : vector<32xbf16> -> vector<16xf32>
        %get3A_359 = arith.index_cast %add3A_353 : i32 to index
        %get3A_360 = arith.constant 32 : index
        %get3A_361 = tpu.vector_load %arg11[%get3A_359, %get3A_360] {strides = array<i32>} : memref<128x96xbf16, #tpu.memory_space<vmem>>, vector<32xbf16>,
        %unpack3A_362 = tpu.unpack_subelements %get3A_361, 0 {pack_format = #tpu.pack_format<interleaved>} : vector<32xbf16> -> vector<16xf32>
        %unpack3A_363 = tpu.unpack_subelements %get3A_361, 1 {pack_format = #tpu.pack_format<interleaved>} : vector<32xbf16> -> vector<16xf32>
        %get3A_364 = arith.index_cast %add3A_353 : i32 to index
        %get3A_365 = arith.constant 64 : index
        %get3A_366 = tpu.vector_load %arg11[%get3A_364, %get3A_365] {strides = array<i32>} : memref<128x96xbf16, #tpu.memory_space<vmem>>, vector<32xbf16>,
        %unpack3A_367 = tpu.unpack_subelements %get3A_366, 0 {pack_format = #tpu.pack_format<interleaved>} : vector<32xbf16> -> vector<16xf32>
        %unpack3A_368 = tpu.unpack_subelements %get3A_366, 1 {pack_format = #tpu.pack_format<interleaved>} : vector<32xbf16> -> vector<16xf32>
        %broadcast_in_dim3A_369 = arith.constant 0 : i32
        %broadcast_in_dim3A_370 = vector.broadcast %broadcast_in_dim3A_369 : i32 to vector<16xi32>
        %add3A_371 = arith.addi %mul3A_84, %add3A_353 : i32
        %broadcast_in_dim3A_372 = vector.broadcast %add3A_371 : i32 to vector<16xi32>
        %gather3A_373 = tpu.vector_load_idx %arg10[%broadcast_in_dim3A_370, %broadcast_in_dim3A_372] : memref<5x5120xf32, #tpu.memory_space<vmem>>[vector<16xi32>, vector<16xi32>], vector<16xf32>,
        %mul3A_374 = arith.mulf %gather3A_373, %unpack3A_357 : vector<16xf32>
        %add3A_375 = arith.addf %unpack3A_367, %mul3A_374 : vector<16xf32>
        %broadcast_in_dim3A_376 = arith.constant 1 : i32
        %broadcast_in_dim3A_377 = vector.broadcast %broadcast_in_dim3A_376 : i32 to vector<16xi32>
        %add3A_378 = arith.addi %mul3A_84, %add3A_353 : i32
        %broadcast_in_dim3A_379 = vector.broadcast %add3A_378 : i32 to vector<16xi32>
        %gather3A_380 = tpu.vector_load_idx %arg10[%broadcast_in_dim3A_377, %broadcast_in_dim3A_379] : memref<5x5120xf32, #tpu.memory_space<vmem>>[vector<16xi32>, vector<16xi32>], vector<16xf32>,
        %mul3A_381 = arith.mulf %gather3A_380, %unpack3A_358 : vector<16xf32>
        %add3A_382 = arith.addf %add3A_375, %mul3A_381 : vector<16xf32>
        %broadcast_in_dim3A_383 = arith.constant 2 : i32
        %broadcast_in_dim3A_384 = vector.broadcast %broadcast_in_dim3A_383 : i32 to vector<16xi32>
        %add3A_385 = arith.addi %mul3A_84, %add3A_353 : i32
        %broadcast_in_dim3A_386 = vector.broadcast %add3A_385 : i32 to vector<16xi32>
        %gather3A_387 = tpu.vector_load_idx %arg10[%broadcast_in_dim3A_384, %broadcast_in_dim3A_386] : memref<5x5120xf32, #tpu.memory_space<vmem>>[vector<16xi32>, vector<16xi32>], vector<16xf32>,
        %mul3A_388 = arith.mulf %gather3A_387, %unpack3A_362 : vector<16xf32>
        %add3A_389 = arith.addf %add3A_382, %mul3A_388 : vector<16xf32>
        %broadcast_in_dim3A_390 = arith.constant 3 : i32
        %broadcast_in_dim3A_391 = vector.broadcast %broadcast_in_dim3A_390 : i32 to vector<16xi32>
        %add3A_392 = arith.addi %mul3A_84, %add3A_353 : i32
        %broadcast_in_dim3A_393 = vector.broadcast %add3A_392 : i32 to vector<16xi32>
        %gather3A_394 = tpu.vector_load_idx %arg10[%broadcast_in_dim3A_391, %broadcast_in_dim3A_393] : memref<5x5120xf32, #tpu.memory_space<vmem>>[vector<16xi32>, vector<16xi32>], vector<16xf32>,
        %mul3A_395 = arith.mulf %gather3A_394, %unpack3A_363 : vector<16xf32>
        %add3A_396 = arith.addf %add3A_389, %mul3A_395 : vector<16xf32>
        %swap3A_397 = arith.index_cast %add3A_353 : i32 to index
        %swap3A_398 = arith.constant 0 : index
        %swap3A_399 = tpu.vector_load %arg15[%swap3A_397, %swap3A_398] {strides = array<i32>} : memref<128x16xf32, #tpu.memory_space<vmem>>, vector<16xf32>,
        tpu.vector_store %arg15[%swap3A_397, %swap3A_398], %add3A_396 {strides = array<i32>} : memref<128x16xf32, #tpu.memory_space<vmem>>, vector<16xf32>,
      }
      %scan3A_89 = arith.constant 128 : i32
      %dma_start3A_90 = arith.constant 0 : i32
      %dma_start3A_91 = tpu.memref_slice %arg9[%add3A_67, %dma_start3A_90] : memref<40x128xi32, #tpu.memory_space<vmem>> -> memref<1x128xi32, #tpu.memory_space<vmem>>
      %dma_start3A_92 = tpu.memref_squeeze %dma_start3A_91 : memref<1x128xi32, #tpu.memory_space<vmem>> -> memref<128xi32, #tpu.memory_space<vmem>>
      %dma_start3A_93 = arith.constant 0 : i32
      %dma_start3A_94 = arith.constant 0 : i32
      %dma_start3A_95 = tpu.memref_slice %arg19[%dma_start3A_93, %dma_start3A_94] : memref<10240x16xf32, #tpu.memory_space<vmem_shared>> -> memref<10240x16xf32, #tpu.memory_space<vmem_shared>>
      tpu.enqueue_indirect_dma source(%arg15 : memref<128x16xf32, #tpu.memory_space<vmem>>) target(%dma_start3A_95 : memref<10240x16xf32, #tpu.memory_space<vmem_shared>>) offsets(%dma_start3A_92 : memref<128xi32, #tpu.memory_space<vmem>>) semaphore(%arg25 : memref<!tpu.dma_semaphore, #tpu.memory_space<semaphore_mem>>) {add = true}
      %add3A_96 = arith.constant 1 : i32
      %add3A_97 = arith.addi %add3A_65, %add3A_96 : i32
      %add3A_98 = arith.constant 3 : i32
      %add3A_99 = arith.addi %add3A_97, %add3A_98 : i32
      %lt3A_100 = arith.constant 40 : i32
      %lt3A_101 = arith.cmpi slt, %add3A_99, %lt3A_100 : i32
      %convert_element_type3A_102 = arith.extui %lt3A_101 : i1 to i32
      %cond3A_103 = arith.constant 0 : i32
      %cond3A_104 = arith.cmpi ne, %convert_element_type3A_102, %cond3A_103 : i32
      scf.if %cond3A_104 {
        %add3A_198 = arith.constant 3 : i32
        %add3A_199 = arith.addi %add3A_97, %add3A_198 : i32
        %dma_start3A_200 = arith.constant 0 : i32
        %dma_start3A_201 = tpu.memref_slice %arg8[%add3A_199, %dma_start3A_200] : memref<40x128xi32, #tpu.memory_space<vmem>> -> memref<1x128xi32, #tpu.memory_space<vmem>>
        %dma_start3A_202 = tpu.memref_squeeze %dma_start3A_201 : memref<1x128xi32, #tpu.memory_space<vmem>> -> memref<128xi32, #tpu.memory_space<vmem>>
        %dma_start3A_203 = arith.constant 0 : i32
        %dma_start3A_204 = arith.constant 0 : i32
        %dma_start3A_205 = tpu.memref_slice %arg20[%dma_start3A_203, %dma_start3A_204] : memref<10240x96xbf16, #tpu.memory_space<vmem_shared>> -> memref<10240x96xbf16, #tpu.memory_space<vmem_shared>>
        tpu.enqueue_indirect_dma source(%dma_start3A_205 : memref<10240x96xbf16, #tpu.memory_space<vmem_shared>>) target(%arg11 : memref<128x96xbf16, #tpu.memory_space<vmem>>) offsets(%dma_start3A_202 : memref<128xi32, #tpu.memory_space<vmem>>) semaphore(%arg21 : memref<!tpu.dma_semaphore, #tpu.memory_space<semaphore_mem>>)
      } else {
      }
      %dma_wait3A_105 = arith.constant 0 : i32
      %dma_wait3A_106 = arith.constant 0 : i32
      %dma_wait3A_107 = tpu.memref_slice %arg8[%dma_wait3A_105, %dma_wait3A_106] : memref<40x128xi32, #tpu.memory_space<vmem>> -> memref<1x128xi32, #tpu.memory_space<vmem>>
      %dma_wait3A_108 = tpu.memref_squeeze %dma_wait3A_107 : memref<1x128xi32, #tpu.memory_space<vmem>> -> memref<128xi32, #tpu.memory_space<vmem>>
      %dma_wait3A_109 = arith.constant 0 : i32
      %dma_wait3A_110 = arith.constant 0 : i32
      %dma_wait3A_111 = tpu.memref_slice %arg20[%dma_wait3A_109, %dma_wait3A_110] : memref<10240x96xbf16, #tpu.memory_space<vmem_shared>> -> memref<10240x96xbf16, #tpu.memory_space<vmem_shared>>
      tpu.wait_indirect_dma semaphore(%arg22 : memref<!tpu.dma_semaphore, #tpu.memory_space<semaphore_mem>>) src(%dma_wait3A_111 : memref<10240x96xbf16, #tpu.memory_space<vmem_shared>>) dst(%arg12 : memref<128x96xbf16, #tpu.memory_space<vmem>>)
      %gt3A_112 = arith.constant 0 : i32
      %gt3A_113 = arith.cmpi sgt, %add3A_65, %gt3A_112 : i32
      %convert_element_type3A_114 = arith.extui %gt3A_113 : i1 to i32
      %cond3A_115 = arith.constant 0 : i32
      %cond3A_116 = arith.cmpi ne, %convert_element_type3A_114, %cond3A_115 : i32
      scf.if %cond3A_116 {
        %dma_wait3A_198 = arith.constant 0 : i32
        %dma_wait3A_199 = arith.constant 0 : i32
        %dma_wait3A_200 = tpu.memref_slice %arg9[%dma_wait3A_198, %dma_wait3A_199] : memref<40x128xi32, #tpu.memory_space<vmem>> -> memref<1x128xi32, #tpu.memory_space<vmem>>
        %dma_wait3A_201 = tpu.memref_squeeze %dma_wait3A_200 : memref<1x128xi32, #tpu.memory_space<vmem>> -> memref<128xi32, #tpu.memory_space<vmem>>
        %dma_wait3A_202 = arith.constant 0 : i32
        %dma_wait3A_203 = arith.constant 0 : i32
        %dma_wait3A_204 = tpu.memref_slice %arg19[%dma_wait3A_202, %dma_wait3A_203] : memref<10240x16xf32, #tpu.memory_space<vmem_shared>> -> memref<10240x16xf32, #tpu.memory_space<vmem_shared>>
        tpu.wait_indirect_dma semaphore(%arg26 : memref<!tpu.dma_semaphore, #tpu.memory_space<semaphore_mem>>) src(%arg16 : memref<128x16xf32, #tpu.memory_space<vmem>>) dst(%dma_wait3A_204 : memref<10240x16xf32, #tpu.memory_space<vmem_shared>>)
      } else {
      }
      %mul3A_117 = arith.constant 128 : i32
      %mul3A_118 = arith.muli %add3A_97, %mul3A_117 : i32
      %scan3A_119 = arith.constant 0 : i32
      %scan3A_120 = arith.constant 128 : i32
      %scan3A_121 = arith.addi %scan3A_119, %scan3A_120 : i32
      %scan3A_122 = arith.constant 4 : i32
      scf.for %scan3A_198 = %scan3A_119 to %scan3A_121 step %scan3A_122  : i32 {
        %mul3A_199 = arith.constant 1 : i32
        %mul3A_200 = arith.muli %scan3A_198, %mul3A_199 : i32
        %add3A_201 = arith.constant 0 : i32
        %add3A_202 = arith.addi %add3A_201, %mul3A_200 : i32
        %get3A = arith.index_cast %add3A_202 : i32 to index
        %get3A_203 = arith.constant 0 : index
        %get3A_204 = tpu.vector_load %arg12[%get3A, %get3A_203] {strides = array<i32>} : memref<128x96xbf16, #tpu.memory_space<vmem>>, vector<32xbf16>,
        %unpack3A = tpu.unpack_subelements %get3A_204, 0 {pack_format = #tpu.pack_format<interleaved>} : vector<32xbf16> -> vector<16xf32>
        %unpack3A_205 = tpu.unpack_subelements %get3A_204, 1 {pack_format = #tpu.pack_format<interleaved>} : vector<32xbf16> -> vector<16xf32>
        %get3A_206 = arith.index_cast %add3A_202 : i32 to index
        %get3A_207 = arith.constant 32 : index
        %get3A_208 = tpu.vector_load %arg12[%get3A_206, %get3A_207] {strides = array<i32>} : memref<128x96xbf16, #tpu.memory_space<vmem>>, vector<32xbf16>,
        %unpack3A_209 = tpu.unpack_subelements %get3A_208, 0 {pack_format = #tpu.pack_format<interleaved>} : vector<32xbf16> -> vector<16xf32>
        %unpack3A_210 = tpu.unpack_subelements %get3A_208, 1 {pack_format = #tpu.pack_format<interleaved>} : vector<32xbf16> -> vector<16xf32>
        %get3A_211 = arith.index_cast %add3A_202 : i32 to index
        %get3A_212 = arith.constant 64 : index
        %get3A_213 = tpu.vector_load %arg12[%get3A_211, %get3A_212] {strides = array<i32>} : memref<128x96xbf16, #tpu.memory_space<vmem>>, vector<32xbf16>,
        %unpack3A_214 = tpu.unpack_subelements %get3A_213, 0 {pack_format = #tpu.pack_format<interleaved>} : vector<32xbf16> -> vector<16xf32>
        %unpack3A_215 = tpu.unpack_subelements %get3A_213, 1 {pack_format = #tpu.pack_format<interleaved>} : vector<32xbf16> -> vector<16xf32>
        %broadcast_in_dim3A = arith.constant 0 : i32
        %broadcast_in_dim3A_216 = vector.broadcast %broadcast_in_dim3A : i32 to vector<16xi32>
        %add3A_217 = arith.addi %mul3A_118, %add3A_202 : i32
        %broadcast_in_dim3A_218 = vector.broadcast %add3A_217 : i32 to vector<16xi32>
        %gather3A = tpu.vector_load_idx %arg10[%broadcast_in_dim3A_216, %broadcast_in_dim3A_218] : memref<5x5120xf32, #tpu.memory_space<vmem>>[vector<16xi32>, vector<16xi32>], vector<16xf32>,
        %mul3A_219 = arith.mulf %gather3A, %unpack3A : vector<16xf32>
        %add3A_220 = arith.addf %unpack3A_214, %mul3A_219 : vector<16xf32>
        %broadcast_in_dim3A_221 = arith.constant 1 : i32
        %broadcast_in_dim3A_222 = vector.broadcast %broadcast_in_dim3A_221 : i32 to vector<16xi32>
        %add3A_223 = arith.addi %mul3A_118, %add3A_202 : i32
        %broadcast_in_dim3A_224 = vector.broadcast %add3A_223 : i32 to vector<16xi32>
        %gather3A_225 = tpu.vector_load_idx %arg10[%broadcast_in_dim3A_222, %broadcast_in_dim3A_224] : memref<5x5120xf32, #tpu.memory_space<vmem>>[vector<16xi32>, vector<16xi32>], vector<16xf32>,
        %mul3A_226 = arith.mulf %gather3A_225, %unpack3A_205 : vector<16xf32>
        %add3A_227 = arith.addf %add3A_220, %mul3A_226 : vector<16xf32>
        %broadcast_in_dim3A_228 = arith.constant 2 : i32
        %broadcast_in_dim3A_229 = vector.broadcast %broadcast_in_dim3A_228 : i32 to vector<16xi32>
        %add3A_230 = arith.addi %mul3A_118, %add3A_202 : i32
        %broadcast_in_dim3A_231 = vector.broadcast %add3A_230 : i32 to vector<16xi32>
        %gather3A_232 = tpu.vector_load_idx %arg10[%broadcast_in_dim3A_229, %broadcast_in_dim3A_231] : memref<5x5120xf32, #tpu.memory_space<vmem>>[vector<16xi32>, vector<16xi32>], vector<16xf32>,
        %mul3A_233 = arith.mulf %gather3A_232, %unpack3A_209 : vector<16xf32>
        %add3A_234 = arith.addf %add3A_227, %mul3A_233 : vector<16xf32>
        %broadcast_in_dim3A_235 = arith.constant 3 : i32
        %broadcast_in_dim3A_236 = vector.broadcast %broadcast_in_dim3A_235 : i32 to vector<16xi32>
        %add3A_237 = arith.addi %mul3A_118, %add3A_202 : i32
        %broadcast_in_dim3A_238 = vector.broadcast %add3A_237 : i32 to vector<16xi32>
        %gather3A_239 = tpu.vector_load_idx %arg10[%broadcast_in_dim3A_236, %broadcast_in_dim3A_238] : memref<5x5120xf32, #tpu.memory_space<vmem>>[vector<16xi32>, vector<16xi32>], vector<16xf32>,
        %mul3A_240 = arith.mulf %gather3A_239, %unpack3A_210 : vector<16xf32>
        %add3A_241 = arith.addf %add3A_234, %mul3A_240 : vector<16xf32>
        %swap3A = arith.index_cast %add3A_202 : i32 to index
        %swap3A_242 = arith.constant 0 : index
        %swap3A_243 = tpu.vector_load %arg16[%swap3A, %swap3A_242] {strides = array<i32>} : memref<128x16xf32, #tpu.memory_space<vmem>>, vector<16xf32>,
        tpu.vector_store %arg16[%swap3A, %swap3A_242], %add3A_241 {strides = array<i32>} : memref<128x16xf32, #tpu.memory_space<vmem>>, vector<16xf32>,
        %scan3A_244 = arith.constant 1 : i32
        %scan3A_245 = arith.addi %scan3A_198, %scan3A_244 : i32
        %mul3A_246 = arith.constant 1 : i32
        %mul3A_247 = arith.muli %scan3A_245, %mul3A_246 : i32
        %add3A_248 = arith.constant 0 : i32
        %add3A_249 = arith.addi %add3A_248, %mul3A_247 : i32
        %get3A_250 = arith.index_cast %add3A_249 : i32 to index
        %get3A_251 = arith.constant 0 : index
        %get3A_252 = tpu.vector_load %arg12[%get3A_250, %get3A_251] {strides = array<i32>} : memref<128x96xbf16, #tpu.memory_space<vmem>>, vector<32xbf16>,
        %unpack3A_253 = tpu.unpack_subelements %get3A_252, 0 {pack_format = #tpu.pack_format<interleaved>} : vector<32xbf16> -> vector<16xf32>
        %unpack3A_254 = tpu.unpack_subelements %get3A_252, 1 {pack_format = #tpu.pack_format<interleaved>} : vector<32xbf16> -> vector<16xf32>
        %get3A_255 = arith.index_cast %add3A_249 : i32 to index
        %get3A_256 = arith.constant 32 : index
        %get3A_257 = tpu.vector_load %arg12[%get3A_255, %get3A_256] {strides = array<i32>} : memref<128x96xbf16, #tpu.memory_space<vmem>>, vector<32xbf16>,
        %unpack3A_258 = tpu.unpack_subelements %get3A_257, 0 {pack_format = #tpu.pack_format<interleaved>} : vector<32xbf16> -> vector<16xf32>
        %unpack3A_259 = tpu.unpack_subelements %get3A_257, 1 {pack_format = #tpu.pack_format<interleaved>} : vector<32xbf16> -> vector<16xf32>
        %get3A_260 = arith.index_cast %add3A_249 : i32 to index
        %get3A_261 = arith.constant 64 : index
        %get3A_262 = tpu.vector_load %arg12[%get3A_260, %get3A_261] {strides = array<i32>} : memref<128x96xbf16, #tpu.memory_space<vmem>>, vector<32xbf16>,
        %unpack3A_263 = tpu.unpack_subelements %get3A_262, 0 {pack_format = #tpu.pack_format<interleaved>} : vector<32xbf16> -> vector<16xf32>
        %unpack3A_264 = tpu.unpack_subelements %get3A_262, 1 {pack_format = #tpu.pack_format<interleaved>} : vector<32xbf16> -> vector<16xf32>
        %broadcast_in_dim3A_265 = arith.constant 0 : i32
        %broadcast_in_dim3A_266 = vector.broadcast %broadcast_in_dim3A_265 : i32 to vector<16xi32>
        %add3A_267 = arith.addi %mul3A_118, %add3A_249 : i32
        %broadcast_in_dim3A_268 = vector.broadcast %add3A_267 : i32 to vector<16xi32>
        %gather3A_269 = tpu.vector_load_idx %arg10[%broadcast_in_dim3A_266, %broadcast_in_dim3A_268] : memref<5x5120xf32, #tpu.memory_space<vmem>>[vector<16xi32>, vector<16xi32>], vector<16xf32>,
        %mul3A_270 = arith.mulf %gather3A_269, %unpack3A_253 : vector<16xf32>
        %add3A_271 = arith.addf %unpack3A_263, %mul3A_270 : vector<16xf32>
        %broadcast_in_dim3A_272 = arith.constant 1 : i32
        %broadcast_in_dim3A_273 = vector.broadcast %broadcast_in_dim3A_272 : i32 to vector<16xi32>
        %add3A_274 = arith.addi %mul3A_118, %add3A_249 : i32
        %broadcast_in_dim3A_275 = vector.broadcast %add3A_274 : i32 to vector<16xi32>
        %gather3A_276 = tpu.vector_load_idx %arg10[%broadcast_in_dim3A_273, %broadcast_in_dim3A_275] : memref<5x5120xf32, #tpu.memory_space<vmem>>[vector<16xi32>, vector<16xi32>], vector<16xf32>,
        %mul3A_277 = arith.mulf %gather3A_276, %unpack3A_254 : vector<16xf32>
        %add3A_278 = arith.addf %add3A_271, %mul3A_277 : vector<16xf32>
        %broadcast_in_dim3A_279 = arith.constant 2 : i32
        %broadcast_in_dim3A_280 = vector.broadcast %broadcast_in_dim3A_279 : i32 to vector<16xi32>
        %add3A_281 = arith.addi %mul3A_118, %add3A_249 : i32
        %broadcast_in_dim3A_282 = vector.broadcast %add3A_281 : i32 to vector<16xi32>
        %gather3A_283 = tpu.vector_load_idx %arg10[%broadcast_in_dim3A_280, %broadcast_in_dim3A_282] : memref<5x5120xf32, #tpu.memory_space<vmem>>[vector<16xi32>, vector<16xi32>], vector<16xf32>,
        %mul3A_284 = arith.mulf %gather3A_283, %unpack3A_258 : vector<16xf32>
        %add3A_285 = arith.addf %add3A_278, %mul3A_284 : vector<16xf32>
        %broadcast_in_dim3A_286 = arith.constant 3 : i32
        %broadcast_in_dim3A_287 = vector.broadcast %broadcast_in_dim3A_286 : i32 to vector<16xi32>
        %add3A_288 = arith.addi %mul3A_118, %add3A_249 : i32
        %broadcast_in_dim3A_289 = vector.broadcast %add3A_288 : i32 to vector<16xi32>
        %gather3A_290 = tpu.vector_load_idx %arg10[%broadcast_in_dim3A_287, %broadcast_in_dim3A_289] : memref<5x5120xf32, #tpu.memory_space<vmem>>[vector<16xi32>, vector<16xi32>], vector<16xf32>,
        %mul3A_291 = arith.mulf %gather3A_290, %unpack3A_259 : vector<16xf32>
        %add3A_292 = arith.addf %add3A_285, %mul3A_291 : vector<16xf32>
        %swap3A_293 = arith.index_cast %add3A_249 : i32 to index
        %swap3A_294 = arith.constant 0 : index
        %swap3A_295 = tpu.vector_load %arg16[%swap3A_293, %swap3A_294] {strides = array<i32>} : memref<128x16xf32, #tpu.memory_space<vmem>>, vector<16xf32>,
        tpu.vector_store %arg16[%swap3A_293, %swap3A_294], %add3A_292 {strides = array<i32>} : memref<128x16xf32, #tpu.memory_space<vmem>>, vector<16xf32>,
        %scan3A_296 = arith.constant 2 : i32
        %scan3A_297 = arith.addi %scan3A_198, %scan3A_296 : i32
        %mul3A_298 = arith.constant 1 : i32
        %mul3A_299 = arith.muli %scan3A_297, %mul3A_298 : i32
        %add3A_300 = arith.constant 0 : i32
        %add3A_301 = arith.addi %add3A_300, %mul3A_299 : i32
        %get3A_302 = arith.index_cast %add3A_301 : i32 to index
        %get3A_303 = arith.constant 0 : index
        %get3A_304 = tpu.vector_load %arg12[%get3A_302, %get3A_303] {strides = array<i32>} : memref<128x96xbf16, #tpu.memory_space<vmem>>, vector<32xbf16>,
        %unpack3A_305 = tpu.unpack_subelements %get3A_304, 0 {pack_format = #tpu.pack_format<interleaved>} : vector<32xbf16> -> vector<16xf32>
        %unpack3A_306 = tpu.unpack_subelements %get3A_304, 1 {pack_format = #tpu.pack_format<interleaved>} : vector<32xbf16> -> vector<16xf32>
        %get3A_307 = arith.index_cast %add3A_301 : i32 to index
        %get3A_308 = arith.constant 32 : index
        %get3A_309 = tpu.vector_load %arg12[%get3A_307, %get3A_308] {strides = array<i32>} : memref<128x96xbf16, #tpu.memory_space<vmem>>, vector<32xbf16>,
        %unpack3A_310 = tpu.unpack_subelements %get3A_309, 0 {pack_format = #tpu.pack_format<interleaved>} : vector<32xbf16> -> vector<16xf32>
        %unpack3A_311 = tpu.unpack_subelements %get3A_309, 1 {pack_format = #tpu.pack_format<interleaved>} : vector<32xbf16> -> vector<16xf32>
        %get3A_312 = arith.index_cast %add3A_301 : i32 to index
        %get3A_313 = arith.constant 64 : index
        %get3A_314 = tpu.vector_load %arg12[%get3A_312, %get3A_313] {strides = array<i32>} : memref<128x96xbf16, #tpu.memory_space<vmem>>, vector<32xbf16>,
        %unpack3A_315 = tpu.unpack_subelements %get3A_314, 0 {pack_format = #tpu.pack_format<interleaved>} : vector<32xbf16> -> vector<16xf32>
        %unpack3A_316 = tpu.unpack_subelements %get3A_314, 1 {pack_format = #tpu.pack_format<interleaved>} : vector<32xbf16> -> vector<16xf32>
        %broadcast_in_dim3A_317 = arith.constant 0 : i32
        %broadcast_in_dim3A_318 = vector.broadcast %broadcast_in_dim3A_317 : i32 to vector<16xi32>
        %add3A_319 = arith.addi %mul3A_118, %add3A_301 : i32
        %broadcast_in_dim3A_320 = vector.broadcast %add3A_319 : i32 to vector<16xi32>
        %gather3A_321 = tpu.vector_load_idx %arg10[%broadcast_in_dim3A_318, %broadcast_in_dim3A_320] : memref<5x5120xf32, #tpu.memory_space<vmem>>[vector<16xi32>, vector<16xi32>], vector<16xf32>,
        %mul3A_322 = arith.mulf %gather3A_321, %unpack3A_305 : vector<16xf32>
        %add3A_323 = arith.addf %unpack3A_315, %mul3A_322 : vector<16xf32>
        %broadcast_in_dim3A_324 = arith.constant 1 : i32
        %broadcast_in_dim3A_325 = vector.broadcast %broadcast_in_dim3A_324 : i32 to vector<16xi32>
        %add3A_326 = arith.addi %mul3A_118, %add3A_301 : i32
        %broadcast_in_dim3A_327 = vector.broadcast %add3A_326 : i32 to vector<16xi32>
        %gather3A_328 = tpu.vector_load_idx %arg10[%broadcast_in_dim3A_325, %broadcast_in_dim3A_327] : memref<5x5120xf32, #tpu.memory_space<vmem>>[vector<16xi32>, vector<16xi32>], vector<16xf32>,
        %mul3A_329 = arith.mulf %gather3A_328, %unpack3A_306 : vector<16xf32>
        %add3A_330 = arith.addf %add3A_323, %mul3A_329 : vector<16xf32>
        %broadcast_in_dim3A_331 = arith.constant 2 : i32
        %broadcast_in_dim3A_332 = vector.broadcast %broadcast_in_dim3A_331 : i32 to vector<16xi32>
        %add3A_333 = arith.addi %mul3A_118, %add3A_301 : i32
        %broadcast_in_dim3A_334 = vector.broadcast %add3A_333 : i32 to vector<16xi32>
        %gather3A_335 = tpu.vector_load_idx %arg10[%broadcast_in_dim3A_332, %broadcast_in_dim3A_334] : memref<5x5120xf32, #tpu.memory_space<vmem>>[vector<16xi32>, vector<16xi32>], vector<16xf32>,
        %mul3A_336 = arith.mulf %gather3A_335, %unpack3A_310 : vector<16xf32>
        %add3A_337 = arith.addf %add3A_330, %mul3A_336 : vector<16xf32>
        %broadcast_in_dim3A_338 = arith.constant 3 : i32
        %broadcast_in_dim3A_339 = vector.broadcast %broadcast_in_dim3A_338 : i32 to vector<16xi32>
        %add3A_340 = arith.addi %mul3A_118, %add3A_301 : i32
        %broadcast_in_dim3A_341 = vector.broadcast %add3A_340 : i32 to vector<16xi32>
        %gather3A_342 = tpu.vector_load_idx %arg10[%broadcast_in_dim3A_339, %broadcast_in_dim3A_341] : memref<5x5120xf32, #tpu.memory_space<vmem>>[vector<16xi32>, vector<16xi32>], vector<16xf32>,
        %mul3A_343 = arith.mulf %gather3A_342, %unpack3A_311 : vector<16xf32>
        %add3A_344 = arith.addf %add3A_337, %mul3A_343 : vector<16xf32>
        %swap3A_345 = arith.index_cast %add3A_301 : i32 to index
        %swap3A_346 = arith.constant 0 : index
        %swap3A_347 = tpu.vector_load %arg16[%swap3A_345, %swap3A_346] {strides = array<i32>} : memref<128x16xf32, #tpu.memory_space<vmem>>, vector<16xf32>,
        tpu.vector_store %arg16[%swap3A_345, %swap3A_346], %add3A_344 {strides = array<i32>} : memref<128x16xf32, #tpu.memory_space<vmem>>, vector<16xf32>,
        %scan3A_348 = arith.constant 3 : i32
        %scan3A_349 = arith.addi %scan3A_198, %scan3A_348 : i32
        %mul3A_350 = arith.constant 1 : i32
        %mul3A_351 = arith.muli %scan3A_349, %mul3A_350 : i32
        %add3A_352 = arith.constant 0 : i32
        %add3A_353 = arith.addi %add3A_352, %mul3A_351 : i32
        %get3A_354 = arith.index_cast %add3A_353 : i32 to index
        %get3A_355 = arith.constant 0 : index
        %get3A_356 = tpu.vector_load %arg12[%get3A_354, %get3A_355] {strides = array<i32>} : memref<128x96xbf16, #tpu.memory_space<vmem>>, vector<32xbf16>,
        %unpack3A_357 = tpu.unpack_subelements %get3A_356, 0 {pack_format = #tpu.pack_format<interleaved>} : vector<32xbf16> -> vector<16xf32>
        %unpack3A_358 = tpu.unpack_subelements %get3A_356, 1 {pack_format = #tpu.pack_format<interleaved>} : vector<32xbf16> -> vector<16xf32>
        %get3A_359 = arith.index_cast %add3A_353 : i32 to index
        %get3A_360 = arith.constant 32 : index
        %get3A_361 = tpu.vector_load %arg12[%get3A_359, %get3A_360] {strides = array<i32>} : memref<128x96xbf16, #tpu.memory_space<vmem>>, vector<32xbf16>,
        %unpack3A_362 = tpu.unpack_subelements %get3A_361, 0 {pack_format = #tpu.pack_format<interleaved>} : vector<32xbf16> -> vector<16xf32>
        %unpack3A_363 = tpu.unpack_subelements %get3A_361, 1 {pack_format = #tpu.pack_format<interleaved>} : vector<32xbf16> -> vector<16xf32>
        %get3A_364 = arith.index_cast %add3A_353 : i32 to index
        %get3A_365 = arith.constant 64 : index
        %get3A_366 = tpu.vector_load %arg12[%get3A_364, %get3A_365] {strides = array<i32>} : memref<128x96xbf16, #tpu.memory_space<vmem>>, vector<32xbf16>,
        %unpack3A_367 = tpu.unpack_subelements %get3A_366, 0 {pack_format = #tpu.pack_format<interleaved>} : vector<32xbf16> -> vector<16xf32>
        %unpack3A_368 = tpu.unpack_subelements %get3A_366, 1 {pack_format = #tpu.pack_format<interleaved>} : vector<32xbf16> -> vector<16xf32>
        %broadcast_in_dim3A_369 = arith.constant 0 : i32
        %broadcast_in_dim3A_370 = vector.broadcast %broadcast_in_dim3A_369 : i32 to vector<16xi32>
        %add3A_371 = arith.addi %mul3A_118, %add3A_353 : i32
        %broadcast_in_dim3A_372 = vector.broadcast %add3A_371 : i32 to vector<16xi32>
        %gather3A_373 = tpu.vector_load_idx %arg10[%broadcast_in_dim3A_370, %broadcast_in_dim3A_372] : memref<5x5120xf32, #tpu.memory_space<vmem>>[vector<16xi32>, vector<16xi32>], vector<16xf32>,
        %mul3A_374 = arith.mulf %gather3A_373, %unpack3A_357 : vector<16xf32>
        %add3A_375 = arith.addf %unpack3A_367, %mul3A_374 : vector<16xf32>
        %broadcast_in_dim3A_376 = arith.constant 1 : i32
        %broadcast_in_dim3A_377 = vector.broadcast %broadcast_in_dim3A_376 : i32 to vector<16xi32>
        %add3A_378 = arith.addi %mul3A_118, %add3A_353 : i32
        %broadcast_in_dim3A_379 = vector.broadcast %add3A_378 : i32 to vector<16xi32>
        %gather3A_380 = tpu.vector_load_idx %arg10[%broadcast_in_dim3A_377, %broadcast_in_dim3A_379] : memref<5x5120xf32, #tpu.memory_space<vmem>>[vector<16xi32>, vector<16xi32>], vector<16xf32>,
        %mul3A_381 = arith.mulf %gather3A_380, %unpack3A_358 : vector<16xf32>
        %add3A_382 = arith.addf %add3A_375, %mul3A_381 : vector<16xf32>
        %broadcast_in_dim3A_383 = arith.constant 2 : i32
        %broadcast_in_dim3A_384 = vector.broadcast %broadcast_in_dim3A_383 : i32 to vector<16xi32>
        %add3A_385 = arith.addi %mul3A_118, %add3A_353 : i32
        %broadcast_in_dim3A_386 = vector.broadcast %add3A_385 : i32 to vector<16xi32>
        %gather3A_387 = tpu.vector_load_idx %arg10[%broadcast_in_dim3A_384, %broadcast_in_dim3A_386] : memref<5x5120xf32, #tpu.memory_space<vmem>>[vector<16xi32>, vector<16xi32>], vector<16xf32>,
        %mul3A_388 = arith.mulf %gather3A_387, %unpack3A_362 : vector<16xf32>
        %add3A_389 = arith.addf %add3A_382, %mul3A_388 : vector<16xf32>
        %broadcast_in_dim3A_390 = arith.constant 3 : i32
        %broadcast_in_dim3A_391 = vector.broadcast %broadcast_in_dim3A_390 : i32 to vector<16xi32>
        %add3A_392 = arith.addi %mul3A_118, %add3A_353 : i32
        %broadcast_in_dim3A_393 = vector.broadcast %add3A_392 : i32 to vector<16xi32>
        %gather3A_394 = tpu.vector_load_idx %arg10[%broadcast_in_dim3A_391, %broadcast_in_dim3A_393] : memref<5x5120xf32, #tpu.memory_space<vmem>>[vector<16xi32>, vector<16xi32>], vector<16xf32>,
        %mul3A_395 = arith.mulf %gather3A_394, %unpack3A_363 : vector<16xf32>
        %add3A_396 = arith.addf %add3A_389, %mul3A_395 : vector<16xf32>
        %swap3A_397 = arith.index_cast %add3A_353 : i32 to index
        %swap3A_398 = arith.constant 0 : index
        %swap3A_399 = tpu.vector_load %arg16[%swap3A_397, %swap3A_398] {strides = array<i32>} : memref<128x16xf32, #tpu.memory_space<vmem>>, vector<16xf32>,
        tpu.vector_store %arg16[%swap3A_397, %swap3A_398], %add3A_396 {strides = array<i32>} : memref<128x16xf32, #tpu.memory_space<vmem>>, vector<16xf32>,
      }
      %scan3A_123 = arith.constant 128 : i32
      %dma_start3A_124 = arith.constant 0 : i32
      %dma_start3A_125 = tpu.memref_slice %arg9[%add3A_97, %dma_start3A_124] : memref<40x128xi32, #tpu.memory_space<vmem>> -> memref<1x128xi32, #tpu.memory_space<vmem>>
      %dma_start3A_126 = tpu.memref_squeeze %dma_start3A_125 : memref<1x128xi32, #tpu.memory_space<vmem>> -> memref<128xi32, #tpu.memory_space<vmem>>
      %dma_start3A_127 = arith.constant 0 : i32
      %dma_start3A_128 = arith.constant 0 : i32
      %dma_start3A_129 = tpu.memref_slice %arg19[%dma_start3A_127, %dma_start3A_128] : memref<10240x16xf32, #tpu.memory_space<vmem_shared>> -> memref<10240x16xf32, #tpu.memory_space<vmem_shared>>
      tpu.enqueue_indirect_dma source(%arg16 : memref<128x16xf32, #tpu.memory_space<vmem>>) target(%dma_start3A_129 : memref<10240x16xf32, #tpu.memory_space<vmem_shared>>) offsets(%dma_start3A_126 : memref<128xi32, #tpu.memory_space<vmem>>) semaphore(%arg26 : memref<!tpu.dma_semaphore, #tpu.memory_space<semaphore_mem>>) {add = true}
      %add3A_130 = arith.constant 2 : i32
      %add3A_131 = arith.addi %add3A_65, %add3A_130 : i32
      %add3A_132 = arith.constant 3 : i32
      %add3A_133 = arith.addi %add3A_131, %add3A_132 : i32
      %lt3A_134 = arith.constant 40 : i32
      %lt3A_135 = arith.cmpi slt, %add3A_133, %lt3A_134 : i32
      %convert_element_type3A_136 = arith.extui %lt3A_135 : i1 to i32
      %cond3A_137 = arith.constant 0 : i32
      %cond3A_138 = arith.cmpi ne, %convert_element_type3A_136, %cond3A_137 : i32
      scf.if %cond3A_138 {
        %add3A_198 = arith.constant 3 : i32
        %add3A_199 = arith.addi %add3A_131, %add3A_198 : i32
        %dma_start3A_200 = arith.constant 0 : i32
        %dma_start3A_201 = tpu.memref_slice %arg8[%add3A_199, %dma_start3A_200] : memref<40x128xi32, #tpu.memory_space<vmem>> -> memref<1x128xi32, #tpu.memory_space<vmem>>
        %dma_start3A_202 = tpu.memref_squeeze %dma_start3A_201 : memref<1x128xi32, #tpu.memory_space<vmem>> -> memref<128xi32, #tpu.memory_space<vmem>>
        %dma_start3A_203 = arith.constant 0 : i32
        %dma_start3A_204 = arith.constant 0 : i32
        %dma_start3A_205 = tpu.memref_slice %arg20[%dma_start3A_203, %dma_start3A_204] : memref<10240x96xbf16, #tpu.memory_space<vmem_shared>> -> memref<10240x96xbf16, #tpu.memory_space<vmem_shared>>
        tpu.enqueue_indirect_dma source(%dma_start3A_205 : memref<10240x96xbf16, #tpu.memory_space<vmem_shared>>) target(%arg12 : memref<128x96xbf16, #tpu.memory_space<vmem>>) offsets(%dma_start3A_202 : memref<128xi32, #tpu.memory_space<vmem>>) semaphore(%arg22 : memref<!tpu.dma_semaphore, #tpu.memory_space<semaphore_mem>>)
      } else {
      }
      %dma_wait3A_139 = arith.constant 0 : i32
      %dma_wait3A_140 = arith.constant 0 : i32
      %dma_wait3A_141 = tpu.memref_slice %arg8[%dma_wait3A_139, %dma_wait3A_140] : memref<40x128xi32, #tpu.memory_space<vmem>> -> memref<1x128xi32, #tpu.memory_space<vmem>>
      %dma_wait3A_142 = tpu.memref_squeeze %dma_wait3A_141 : memref<1x128xi32, #tpu.memory_space<vmem>> -> memref<128xi32, #tpu.memory_space<vmem>>
      %dma_wait3A_143 = arith.constant 0 : i32
      %dma_wait3A_144 = arith.constant 0 : i32
      %dma_wait3A_145 = tpu.memref_slice %arg20[%dma_wait3A_143, %dma_wait3A_144] : memref<10240x96xbf16, #tpu.memory_space<vmem_shared>> -> memref<10240x96xbf16, #tpu.memory_space<vmem_shared>>
      tpu.wait_indirect_dma semaphore(%arg23 : memref<!tpu.dma_semaphore, #tpu.memory_space<semaphore_mem>>) src(%dma_wait3A_145 : memref<10240x96xbf16, #tpu.memory_space<vmem_shared>>) dst(%arg13 : memref<128x96xbf16, #tpu.memory_space<vmem>>)
      %gt3A_146 = arith.constant 0 : i32
      %gt3A_147 = arith.cmpi sgt, %add3A_65, %gt3A_146 : i32
      %convert_element_type3A_148 = arith.extui %gt3A_147 : i1 to i32
      %cond3A_149 = arith.constant 0 : i32
      %cond3A_150 = arith.cmpi ne, %convert_element_type3A_148, %cond3A_149 : i32
      scf.if %cond3A_150 {
        %dma_wait3A_198 = arith.constant 0 : i32
        %dma_wait3A_199 = arith.constant 0 : i32
        %dma_wait3A_200 = tpu.memref_slice %arg9[%dma_wait3A_198, %dma_wait3A_199] : memref<40x128xi32, #tpu.memory_space<vmem>> -> memref<1x128xi32, #tpu.memory_space<vmem>>
        %dma_wait3A_201 = tpu.memref_squeeze %dma_wait3A_200 : memref<1x128xi32, #tpu.memory_space<vmem>> -> memref<128xi32, #tpu.memory_space<vmem>>
        %dma_wait3A_202 = arith.constant 0 : i32
        %dma_wait3A_203 = arith.constant 0 : i32
        %dma_wait3A_204 = tpu.memref_slice %arg19[%dma_wait3A_202, %dma_wait3A_203] : memref<10240x16xf32, #tpu.memory_space<vmem_shared>> -> memref<10240x16xf32, #tpu.memory_space<vmem_shared>>
        tpu.wait_indirect_dma semaphore(%arg27 : memref<!tpu.dma_semaphore, #tpu.memory_space<semaphore_mem>>) src(%arg17 : memref<128x16xf32, #tpu.memory_space<vmem>>) dst(%dma_wait3A_204 : memref<10240x16xf32, #tpu.memory_space<vmem_shared>>)
      } else {
      }
      %mul3A_151 = arith.constant 128 : i32
      %mul3A_152 = arith.muli %add3A_131, %mul3A_151 : i32
      %scan3A_153 = arith.constant 0 : i32
      %scan3A_154 = arith.constant 128 : i32
      %scan3A_155 = arith.addi %scan3A_153, %scan3A_154 : i32
      %scan3A_156 = arith.constant 4 : i32
      scf.for %scan3A_198 = %scan3A_153 to %scan3A_155 step %scan3A_156  : i32 {
        %mul3A_199 = arith.constant 1 : i32
        %mul3A_200 = arith.muli %scan3A_198, %mul3A_199 : i32
        %add3A_201 = arith.constant 0 : i32
        %add3A_202 = arith.addi %add3A_201, %mul3A_200 : i32
        %get3A = arith.index_cast %add3A_202 : i32 to index
        %get3A_203 = arith.constant 0 : index
        %get3A_204 = tpu.vector_load %arg13[%get3A, %get3A_203] {strides = array<i32>} : memref<128x96xbf16, #tpu.memory_space<vmem>>, vector<32xbf16>,
        %unpack3A = tpu.unpack_subelements %get3A_204, 0 {pack_format = #tpu.pack_format<interleaved>} : vector<32xbf16> -> vector<16xf32>
        %unpack3A_205 = tpu.unpack_subelements %get3A_204, 1 {pack_format = #tpu.pack_format<interleaved>} : vector<32xbf16> -> vector<16xf32>
        %get3A_206 = arith.index_cast %add3A_202 : i32 to index
        %get3A_207 = arith.constant 32 : index
        %get3A_208 = tpu.vector_load %arg13[%get3A_206, %get3A_207] {strides = array<i32>} : memref<128x96xbf16, #tpu.memory_space<vmem>>, vector<32xbf16>,
        %unpack3A_209 = tpu.unpack_subelements %get3A_208, 0 {pack_format = #tpu.pack_format<interleaved>} : vector<32xbf16> -> vector<16xf32>
        %unpack3A_210 = tpu.unpack_subelements %get3A_208, 1 {pack_format = #tpu.pack_format<interleaved>} : vector<32xbf16> -> vector<16xf32>
        %get3A_211 = arith.index_cast %add3A_202 : i32 to index
        %get3A_212 = arith.constant 64 : index
        %get3A_213 = tpu.vector_load %arg13[%get3A_211, %get3A_212] {strides = array<i32>} : memref<128x96xbf16, #tpu.memory_space<vmem>>, vector<32xbf16>,
        %unpack3A_214 = tpu.unpack_subelements %get3A_213, 0 {pack_format = #tpu.pack_format<interleaved>} : vector<32xbf16> -> vector<16xf32>
        %unpack3A_215 = tpu.unpack_subelements %get3A_213, 1 {pack_format = #tpu.pack_format<interleaved>} : vector<32xbf16> -> vector<16xf32>
        %broadcast_in_dim3A = arith.constant 0 : i32
        %broadcast_in_dim3A_216 = vector.broadcast %broadcast_in_dim3A : i32 to vector<16xi32>
        %add3A_217 = arith.addi %mul3A_152, %add3A_202 : i32
        %broadcast_in_dim3A_218 = vector.broadcast %add3A_217 : i32 to vector<16xi32>
        %gather3A = tpu.vector_load_idx %arg10[%broadcast_in_dim3A_216, %broadcast_in_dim3A_218] : memref<5x5120xf32, #tpu.memory_space<vmem>>[vector<16xi32>, vector<16xi32>], vector<16xf32>,
        %mul3A_219 = arith.mulf %gather3A, %unpack3A : vector<16xf32>
        %add3A_220 = arith.addf %unpack3A_214, %mul3A_219 : vector<16xf32>
        %broadcast_in_dim3A_221 = arith.constant 1 : i32
        %broadcast_in_dim3A_222 = vector.broadcast %broadcast_in_dim3A_221 : i32 to vector<16xi32>
        %add3A_223 = arith.addi %mul3A_152, %add3A_202 : i32
        %broadcast_in_dim3A_224 = vector.broadcast %add3A_223 : i32 to vector<16xi32>
        %gather3A_225 = tpu.vector_load_idx %arg10[%broadcast_in_dim3A_222, %broadcast_in_dim3A_224] : memref<5x5120xf32, #tpu.memory_space<vmem>>[vector<16xi32>, vector<16xi32>], vector<16xf32>,
        %mul3A_226 = arith.mulf %gather3A_225, %unpack3A_205 : vector<16xf32>
        %add3A_227 = arith.addf %add3A_220, %mul3A_226 : vector<16xf32>
        %broadcast_in_dim3A_228 = arith.constant 2 : i32
        %broadcast_in_dim3A_229 = vector.broadcast %broadcast_in_dim3A_228 : i32 to vector<16xi32>
        %add3A_230 = arith.addi %mul3A_152, %add3A_202 : i32
        %broadcast_in_dim3A_231 = vector.broadcast %add3A_230 : i32 to vector<16xi32>
        %gather3A_232 = tpu.vector_load_idx %arg10[%broadcast_in_dim3A_229, %broadcast_in_dim3A_231] : memref<5x5120xf32, #tpu.memory_space<vmem>>[vector<16xi32>, vector<16xi32>], vector<16xf32>,
        %mul3A_233 = arith.mulf %gather3A_232, %unpack3A_209 : vector<16xf32>
        %add3A_234 = arith.addf %add3A_227, %mul3A_233 : vector<16xf32>
        %broadcast_in_dim3A_235 = arith.constant 3 : i32
        %broadcast_in_dim3A_236 = vector.broadcast %broadcast_in_dim3A_235 : i32 to vector<16xi32>
        %add3A_237 = arith.addi %mul3A_152, %add3A_202 : i32
        %broadcast_in_dim3A_238 = vector.broadcast %add3A_237 : i32 to vector<16xi32>
        %gather3A_239 = tpu.vector_load_idx %arg10[%broadcast_in_dim3A_236, %broadcast_in_dim3A_238] : memref<5x5120xf32, #tpu.memory_space<vmem>>[vector<16xi32>, vector<16xi32>], vector<16xf32>,
        %mul3A_240 = arith.mulf %gather3A_239, %unpack3A_210 : vector<16xf32>
        %add3A_241 = arith.addf %add3A_234, %mul3A_240 : vector<16xf32>
        %swap3A = arith.index_cast %add3A_202 : i32 to index
        %swap3A_242 = arith.constant 0 : index
        %swap3A_243 = tpu.vector_load %arg17[%swap3A, %swap3A_242] {strides = array<i32>} : memref<128x16xf32, #tpu.memory_space<vmem>>, vector<16xf32>,
        tpu.vector_store %arg17[%swap3A, %swap3A_242], %add3A_241 {strides = array<i32>} : memref<128x16xf32, #tpu.memory_space<vmem>>, vector<16xf32>,
        %scan3A_244 = arith.constant 1 : i32
        %scan3A_245 = arith.addi %scan3A_198, %scan3A_244 : i32
        %mul3A_246 = arith.constant 1 : i32
        %mul3A_247 = arith.muli %scan3A_245, %mul3A_246 : i32
        %add3A_248 = arith.constant 0 : i32
        %add3A_249 = arith.addi %add3A_248, %mul3A_247 : i32
        %get3A_250 = arith.index_cast %add3A_249 : i32 to index
        %get3A_251 = arith.constant 0 : index
        %get3A_252 = tpu.vector_load %arg13[%get3A_250, %get3A_251] {strides = array<i32>} : memref<128x96xbf16, #tpu.memory_space<vmem>>, vector<32xbf16>,
        %unpack3A_253 = tpu.unpack_subelements %get3A_252, 0 {pack_format = #tpu.pack_format<interleaved>} : vector<32xbf16> -> vector<16xf32>
        %unpack3A_254 = tpu.unpack_subelements %get3A_252, 1 {pack_format = #tpu.pack_format<interleaved>} : vector<32xbf16> -> vector<16xf32>
        %get3A_255 = arith.index_cast %add3A_249 : i32 to index
        %get3A_256 = arith.constant 32 : index
        %get3A_257 = tpu.vector_load %arg13[%get3A_255, %get3A_256] {strides = array<i32>} : memref<128x96xbf16, #tpu.memory_space<vmem>>, vector<32xbf16>,
        %unpack3A_258 = tpu.unpack_subelements %get3A_257, 0 {pack_format = #tpu.pack_format<interleaved>} : vector<32xbf16> -> vector<16xf32>
        %unpack3A_259 = tpu.unpack_subelements %get3A_257, 1 {pack_format = #tpu.pack_format<interleaved>} : vector<32xbf16> -> vector<16xf32>
        %get3A_260 = arith.index_cast %add3A_249 : i32 to index
        %get3A_261 = arith.constant 64 : index
        %get3A_262 = tpu.vector_load %arg13[%get3A_260, %get3A_261] {strides = array<i32>} : memref<128x96xbf16, #tpu.memory_space<vmem>>, vector<32xbf16>,
        %unpack3A_263 = tpu.unpack_subelements %get3A_262, 0 {pack_format = #tpu.pack_format<interleaved>} : vector<32xbf16> -> vector<16xf32>
        %unpack3A_264 = tpu.unpack_subelements %get3A_262, 1 {pack_format = #tpu.pack_format<interleaved>} : vector<32xbf16> -> vector<16xf32>
        %broadcast_in_dim3A_265 = arith.constant 0 : i32
        %broadcast_in_dim3A_266 = vector.broadcast %broadcast_in_dim3A_265 : i32 to vector<16xi32>
        %add3A_267 = arith.addi %mul3A_152, %add3A_249 : i32
        %broadcast_in_dim3A_268 = vector.broadcast %add3A_267 : i32 to vector<16xi32>
        %gather3A_269 = tpu.vector_load_idx %arg10[%broadcast_in_dim3A_266, %broadcast_in_dim3A_268] : memref<5x5120xf32, #tpu.memory_space<vmem>>[vector<16xi32>, vector<16xi32>], vector<16xf32>,
        %mul3A_270 = arith.mulf %gather3A_269, %unpack3A_253 : vector<16xf32>
        %add3A_271 = arith.addf %unpack3A_263, %mul3A_270 : vector<16xf32>
        %broadcast_in_dim3A_272 = arith.constant 1 : i32
        %broadcast_in_dim3A_273 = vector.broadcast %broadcast_in_dim3A_272 : i32 to vector<16xi32>
        %add3A_274 = arith.addi %mul3A_152, %add3A_249 : i32
        %broadcast_in_dim3A_275 = vector.broadcast %add3A_274 : i32 to vector<16xi32>
        %gather3A_276 = tpu.vector_load_idx %arg10[%broadcast_in_dim3A_273, %broadcast_in_dim3A_275] : memref<5x5120xf32, #tpu.memory_space<vmem>>[vector<16xi32>, vector<16xi32>], vector<16xf32>,
        %mul3A_277 = arith.mulf %gather3A_276, %unpack3A_254 : vector<16xf32>
        %add3A_278 = arith.addf %add3A_271, %mul3A_277 : vector<16xf32>
        %broadcast_in_dim3A_279 = arith.constant 2 : i32
        %broadcast_in_dim3A_280 = vector.broadcast %broadcast_in_dim3A_279 : i32 to vector<16xi32>
        %add3A_281 = arith.addi %mul3A_152, %add3A_249 : i32
        %broadcast_in_dim3A_282 = vector.broadcast %add3A_281 : i32 to vector<16xi32>
        %gather3A_283 = tpu.vector_load_idx %arg10[%broadcast_in_dim3A_280, %broadcast_in_dim3A_282] : memref<5x5120xf32, #tpu.memory_space<vmem>>[vector<16xi32>, vector<16xi32>], vector<16xf32>,
        %mul3A_284 = arith.mulf %gather3A_283, %unpack3A_258 : vector<16xf32>
        %add3A_285 = arith.addf %add3A_278, %mul3A_284 : vector<16xf32>
        %broadcast_in_dim3A_286 = arith.constant 3 : i32
        %broadcast_in_dim3A_287 = vector.broadcast %broadcast_in_dim3A_286 : i32 to vector<16xi32>
        %add3A_288 = arith.addi %mul3A_152, %add3A_249 : i32
        %broadcast_in_dim3A_289 = vector.broadcast %add3A_288 : i32 to vector<16xi32>
        %gather3A_290 = tpu.vector_load_idx %arg10[%broadcast_in_dim3A_287, %broadcast_in_dim3A_289] : memref<5x5120xf32, #tpu.memory_space<vmem>>[vector<16xi32>, vector<16xi32>], vector<16xf32>,
        %mul3A_291 = arith.mulf %gather3A_290, %unpack3A_259 : vector<16xf32>
        %add3A_292 = arith.addf %add3A_285, %mul3A_291 : vector<16xf32>
        %swap3A_293 = arith.index_cast %add3A_249 : i32 to index
        %swap3A_294 = arith.constant 0 : index
        %swap3A_295 = tpu.vector_load %arg17[%swap3A_293, %swap3A_294] {strides = array<i32>} : memref<128x16xf32, #tpu.memory_space<vmem>>, vector<16xf32>,
        tpu.vector_store %arg17[%swap3A_293, %swap3A_294], %add3A_292 {strides = array<i32>} : memref<128x16xf32, #tpu.memory_space<vmem>>, vector<16xf32>,
        %scan3A_296 = arith.constant 2 : i32
        %scan3A_297 = arith.addi %scan3A_198, %scan3A_296 : i32
        %mul3A_298 = arith.constant 1 : i32
        %mul3A_299 = arith.muli %scan3A_297, %mul3A_298 : i32
        %add3A_300 = arith.constant 0 : i32
        %add3A_301 = arith.addi %add3A_300, %mul3A_299 : i32
        %get3A_302 = arith.index_cast %add3A_301 : i32 to index
        %get3A_303 = arith.constant 0 : index
        %get3A_304 = tpu.vector_load %arg13[%get3A_302, %get3A_303] {strides = array<i32>} : memref<128x96xbf16, #tpu.memory_space<vmem>>, vector<32xbf16>,
        %unpack3A_305 = tpu.unpack_subelements %get3A_304, 0 {pack_format = #tpu.pack_format<interleaved>} : vector<32xbf16> -> vector<16xf32>
        %unpack3A_306 = tpu.unpack_subelements %get3A_304, 1 {pack_format = #tpu.pack_format<interleaved>} : vector<32xbf16> -> vector<16xf32>
        %get3A_307 = arith.index_cast %add3A_301 : i32 to index
        %get3A_308 = arith.constant 32 : index
        %get3A_309 = tpu.vector_load %arg13[%get3A_307, %get3A_308] {strides = array<i32>} : memref<128x96xbf16, #tpu.memory_space<vmem>>, vector<32xbf16>,
        %unpack3A_310 = tpu.unpack_subelements %get3A_309, 0 {pack_format = #tpu.pack_format<interleaved>} : vector<32xbf16> -> vector<16xf32>
        %unpack3A_311 = tpu.unpack_subelements %get3A_309, 1 {pack_format = #tpu.pack_format<interleaved>} : vector<32xbf16> -> vector<16xf32>
        %get3A_312 = arith.index_cast %add3A_301 : i32 to index
        %get3A_313 = arith.constant 64 : index
        %get3A_314 = tpu.vector_load %arg13[%get3A_312, %get3A_313] {strides = array<i32>} : memref<128x96xbf16, #tpu.memory_space<vmem>>, vector<32xbf16>,
        %unpack3A_315 = tpu.unpack_subelements %get3A_314, 0 {pack_format = #tpu.pack_format<interleaved>} : vector<32xbf16> -> vector<16xf32>
        %unpack3A_316 = tpu.unpack_subelements %get3A_314, 1 {pack_format = #tpu.pack_format<interleaved>} : vector<32xbf16> -> vector<16xf32>
        %broadcast_in_dim3A_317 = arith.constant 0 : i32
        %broadcast_in_dim3A_318 = vector.broadcast %broadcast_in_dim3A_317 : i32 to vector<16xi32>
        %add3A_319 = arith.addi %mul3A_152, %add3A_301 : i32
        %broadcast_in_dim3A_320 = vector.broadcast %add3A_319 : i32 to vector<16xi32>
        %gather3A_321 = tpu.vector_load_idx %arg10[%broadcast_in_dim3A_318, %broadcast_in_dim3A_320] : memref<5x5120xf32, #tpu.memory_space<vmem>>[vector<16xi32>, vector<16xi32>], vector<16xf32>,
        %mul3A_322 = arith.mulf %gather3A_321, %unpack3A_305 : vector<16xf32>
        %add3A_323 = arith.addf %unpack3A_315, %mul3A_322 : vector<16xf32>
        %broadcast_in_dim3A_324 = arith.constant 1 : i32
        %broadcast_in_dim3A_325 = vector.broadcast %broadcast_in_dim3A_324 : i32 to vector<16xi32>
        %add3A_326 = arith.addi %mul3A_152, %add3A_301 : i32
        %broadcast_in_dim3A_327 = vector.broadcast %add3A_326 : i32 to vector<16xi32>
        %gather3A_328 = tpu.vector_load_idx %arg10[%broadcast_in_dim3A_325, %broadcast_in_dim3A_327] : memref<5x5120xf32, #tpu.memory_space<vmem>>[vector<16xi32>, vector<16xi32>], vector<16xf32>,
        %mul3A_329 = arith.mulf %gather3A_328, %unpack3A_306 : vector<16xf32>
        %add3A_330 = arith.addf %add3A_323, %mul3A_329 : vector<16xf32>
        %broadcast_in_dim3A_331 = arith.constant 2 : i32
        %broadcast_in_dim3A_332 = vector.broadcast %broadcast_in_dim3A_331 : i32 to vector<16xi32>
        %add3A_333 = arith.addi %mul3A_152, %add3A_301 : i32
        %broadcast_in_dim3A_334 = vector.broadcast %add3A_333 : i32 to vector<16xi32>
        %gather3A_335 = tpu.vector_load_idx %arg10[%broadcast_in_dim3A_332, %broadcast_in_dim3A_334] : memref<5x5120xf32, #tpu.memory_space<vmem>>[vector<16xi32>, vector<16xi32>], vector<16xf32>,
        %mul3A_336 = arith.mulf %gather3A_335, %unpack3A_310 : vector<16xf32>
        %add3A_337 = arith.addf %add3A_330, %mul3A_336 : vector<16xf32>
        %broadcast_in_dim3A_338 = arith.constant 3 : i32
        %broadcast_in_dim3A_339 = vector.broadcast %broadcast_in_dim3A_338 : i32 to vector<16xi32>
        %add3A_340 = arith.addi %mul3A_152, %add3A_301 : i32
        %broadcast_in_dim3A_341 = vector.broadcast %add3A_340 : i32 to vector<16xi32>
        %gather3A_342 = tpu.vector_load_idx %arg10[%broadcast_in_dim3A_339, %broadcast_in_dim3A_341] : memref<5x5120xf32, #tpu.memory_space<vmem>>[vector<16xi32>, vector<16xi32>], vector<16xf32>,
        %mul3A_343 = arith.mulf %gather3A_342, %unpack3A_311 : vector<16xf32>
        %add3A_344 = arith.addf %add3A_337, %mul3A_343 : vector<16xf32>
        %swap3A_345 = arith.index_cast %add3A_301 : i32 to index
        %swap3A_346 = arith.constant 0 : index
        %swap3A_347 = tpu.vector_load %arg17[%swap3A_345, %swap3A_346] {strides = array<i32>} : memref<128x16xf32, #tpu.memory_space<vmem>>, vector<16xf32>,
        tpu.vector_store %arg17[%swap3A_345, %swap3A_346], %add3A_344 {strides = array<i32>} : memref<128x16xf32, #tpu.memory_space<vmem>>, vector<16xf32>,
        %scan3A_348 = arith.constant 3 : i32
        %scan3A_349 = arith.addi %scan3A_198, %scan3A_348 : i32
        %mul3A_350 = arith.constant 1 : i32
        %mul3A_351 = arith.muli %scan3A_349, %mul3A_350 : i32
        %add3A_352 = arith.constant 0 : i32
        %add3A_353 = arith.addi %add3A_352, %mul3A_351 : i32
        %get3A_354 = arith.index_cast %add3A_353 : i32 to index
        %get3A_355 = arith.constant 0 : index
        %get3A_356 = tpu.vector_load %arg13[%get3A_354, %get3A_355] {strides = array<i32>} : memref<128x96xbf16, #tpu.memory_space<vmem>>, vector<32xbf16>,
        %unpack3A_357 = tpu.unpack_subelements %get3A_356, 0 {pack_format = #tpu.pack_format<interleaved>} : vector<32xbf16> -> vector<16xf32>
        %unpack3A_358 = tpu.unpack_subelements %get3A_356, 1 {pack_format = #tpu.pack_format<interleaved>} : vector<32xbf16> -> vector<16xf32>
        %get3A_359 = arith.index_cast %add3A_353 : i32 to index
        %get3A_360 = arith.constant 32 : index
        %get3A_361 = tpu.vector_load %arg13[%get3A_359, %get3A_360] {strides = array<i32>} : memref<128x96xbf16, #tpu.memory_space<vmem>>, vector<32xbf16>,
        %unpack3A_362 = tpu.unpack_subelements %get3A_361, 0 {pack_format = #tpu.pack_format<interleaved>} : vector<32xbf16> -> vector<16xf32>
        %unpack3A_363 = tpu.unpack_subelements %get3A_361, 1 {pack_format = #tpu.pack_format<interleaved>} : vector<32xbf16> -> vector<16xf32>
        %get3A_364 = arith.index_cast %add3A_353 : i32 to index
        %get3A_365 = arith.constant 64 : index
        %get3A_366 = tpu.vector_load %arg13[%get3A_364, %get3A_365] {strides = array<i32>} : memref<128x96xbf16, #tpu.memory_space<vmem>>, vector<32xbf16>,
        %unpack3A_367 = tpu.unpack_subelements %get3A_366, 0 {pack_format = #tpu.pack_format<interleaved>} : vector<32xbf16> -> vector<16xf32>
        %unpack3A_368 = tpu.unpack_subelements %get3A_366, 1 {pack_format = #tpu.pack_format<interleaved>} : vector<32xbf16> -> vector<16xf32>
        %broadcast_in_dim3A_369 = arith.constant 0 : i32
        %broadcast_in_dim3A_370 = vector.broadcast %broadcast_in_dim3A_369 : i32 to vector<16xi32>
        %add3A_371 = arith.addi %mul3A_152, %add3A_353 : i32
        %broadcast_in_dim3A_372 = vector.broadcast %add3A_371 : i32 to vector<16xi32>
        %gather3A_373 = tpu.vector_load_idx %arg10[%broadcast_in_dim3A_370, %broadcast_in_dim3A_372] : memref<5x5120xf32, #tpu.memory_space<vmem>>[vector<16xi32>, vector<16xi32>], vector<16xf32>,
        %mul3A_374 = arith.mulf %gather3A_373, %unpack3A_357 : vector<16xf32>
        %add3A_375 = arith.addf %unpack3A_367, %mul3A_374 : vector<16xf32>
        %broadcast_in_dim3A_376 = arith.constant 1 : i32
        %broadcast_in_dim3A_377 = vector.broadcast %broadcast_in_dim3A_376 : i32 to vector<16xi32>
        %add3A_378 = arith.addi %mul3A_152, %add3A_353 : i32
        %broadcast_in_dim3A_379 = vector.broadcast %add3A_378 : i32 to vector<16xi32>
        %gather3A_380 = tpu.vector_load_idx %arg10[%broadcast_in_dim3A_377, %broadcast_in_dim3A_379] : memref<5x5120xf32, #tpu.memory_space<vmem>>[vector<16xi32>, vector<16xi32>], vector<16xf32>,
        %mul3A_381 = arith.mulf %gather3A_380, %unpack3A_358 : vector<16xf32>
        %add3A_382 = arith.addf %add3A_375, %mul3A_381 : vector<16xf32>
        %broadcast_in_dim3A_383 = arith.constant 2 : i32
        %broadcast_in_dim3A_384 = vector.broadcast %broadcast_in_dim3A_383 : i32 to vector<16xi32>
        %add3A_385 = arith.addi %mul3A_152, %add3A_353 : i32
        %broadcast_in_dim3A_386 = vector.broadcast %add3A_385 : i32 to vector<16xi32>
        %gather3A_387 = tpu.vector_load_idx %arg10[%broadcast_in_dim3A_384, %broadcast_in_dim3A_386] : memref<5x5120xf32, #tpu.memory_space<vmem>>[vector<16xi32>, vector<16xi32>], vector<16xf32>,
        %mul3A_388 = arith.mulf %gather3A_387, %unpack3A_362 : vector<16xf32>
        %add3A_389 = arith.addf %add3A_382, %mul3A_388 : vector<16xf32>
        %broadcast_in_dim3A_390 = arith.constant 3 : i32
        %broadcast_in_dim3A_391 = vector.broadcast %broadcast_in_dim3A_390 : i32 to vector<16xi32>
        %add3A_392 = arith.addi %mul3A_152, %add3A_353 : i32
        %broadcast_in_dim3A_393 = vector.broadcast %add3A_392 : i32 to vector<16xi32>
        %gather3A_394 = tpu.vector_load_idx %arg10[%broadcast_in_dim3A_391, %broadcast_in_dim3A_393] : memref<5x5120xf32, #tpu.memory_space<vmem>>[vector<16xi32>, vector<16xi32>], vector<16xf32>,
        %mul3A_395 = arith.mulf %gather3A_394, %unpack3A_363 : vector<16xf32>
        %add3A_396 = arith.addf %add3A_389, %mul3A_395 : vector<16xf32>
        %swap3A_397 = arith.index_cast %add3A_353 : i32 to index
        %swap3A_398 = arith.constant 0 : index
        %swap3A_399 = tpu.vector_load %arg17[%swap3A_397, %swap3A_398] {strides = array<i32>} : memref<128x16xf32, #tpu.memory_space<vmem>>, vector<16xf32>,
        tpu.vector_store %arg17[%swap3A_397, %swap3A_398], %add3A_396 {strides = array<i32>} : memref<128x16xf32, #tpu.memory_space<vmem>>, vector<16xf32>,
      }
      %scan3A_157 = arith.constant 128 : i32
      %dma_start3A_158 = arith.constant 0 : i32
      %dma_start3A_159 = tpu.memref_slice %arg9[%add3A_131, %dma_start3A_158] : memref<40x128xi32, #tpu.memory_space<vmem>> -> memref<1x128xi32, #tpu.memory_space<vmem>>
      %dma_start3A_160 = tpu.memref_squeeze %dma_start3A_159 : memref<1x128xi32, #tpu.memory_space<vmem>> -> memref<128xi32, #tpu.memory_space<vmem>>
      %dma_start3A_161 = arith.constant 0 : i32
      %dma_start3A_162 = arith.constant 0 : i32
      %dma_start3A_163 = tpu.memref_slice %arg19[%dma_start3A_161, %dma_start3A_162] : memref<10240x16xf32, #tpu.memory_space<vmem_shared>> -> memref<10240x16xf32, #tpu.memory_space<vmem_shared>>
      tpu.enqueue_indirect_dma source(%arg17 : memref<128x16xf32, #tpu.memory_space<vmem>>) target(%dma_start3A_163 : memref<10240x16xf32, #tpu.memory_space<vmem_shared>>) offsets(%dma_start3A_160 : memref<128xi32, #tpu.memory_space<vmem>>) semaphore(%arg27 : memref<!tpu.dma_semaphore, #tpu.memory_space<semaphore_mem>>) {add = true}
      %add3A_164 = arith.constant 3 : i32
      %add3A_165 = arith.addi %add3A_65, %add3A_164 : i32
      %add3A_166 = arith.constant 3 : i32
      %add3A_167 = arith.addi %add3A_165, %add3A_166 : i32
      %lt3A_168 = arith.constant 40 : i32
      %lt3A_169 = arith.cmpi slt, %add3A_167, %lt3A_168 : i32
      %convert_element_type3A_170 = arith.extui %lt3A_169 : i1 to i32
      %cond3A_171 = arith.constant 0 : i32
      %cond3A_172 = arith.cmpi ne, %convert_element_type3A_170, %cond3A_171 : i32
      scf.if %cond3A_172 {
        %add3A_198 = arith.constant 3 : i32
        %add3A_199 = arith.addi %add3A_165, %add3A_198 : i32
        %dma_start3A_200 = arith.constant 0 : i32
        %dma_start3A_201 = tpu.memref_slice %arg8[%add3A_199, %dma_start3A_200] : memref<40x128xi32, #tpu.memory_space<vmem>> -> memref<1x128xi32, #tpu.memory_space<vmem>>
        %dma_start3A_202 = tpu.memref_squeeze %dma_start3A_201 : memref<1x128xi32, #tpu.memory_space<vmem>> -> memref<128xi32, #tpu.memory_space<vmem>>
        %dma_start3A_203 = arith.constant 0 : i32
        %dma_start3A_204 = arith.constant 0 : i32
        %dma_start3A_205 = tpu.memref_slice %arg20[%dma_start3A_203, %dma_start3A_204] : memref<10240x96xbf16, #tpu.memory_space<vmem_shared>> -> memref<10240x96xbf16, #tpu.memory_space<vmem_shared>>
        tpu.enqueue_indirect_dma source(%dma_start3A_205 : memref<10240x96xbf16, #tpu.memory_space<vmem_shared>>) target(%arg13 : memref<128x96xbf16, #tpu.memory_space<vmem>>) offsets(%dma_start3A_202 : memref<128xi32, #tpu.memory_space<vmem>>) semaphore(%arg23 : memref<!tpu.dma_semaphore, #tpu.memory_space<semaphore_mem>>)
      } else {
      }
      %dma_wait3A_173 = arith.constant 0 : i32
      %dma_wait3A_174 = arith.constant 0 : i32
      %dma_wait3A_175 = tpu.memref_slice %arg8[%dma_wait3A_173, %dma_wait3A_174] : memref<40x128xi32, #tpu.memory_space<vmem>> -> memref<1x128xi32, #tpu.memory_space<vmem>>
      %dma_wait3A_176 = tpu.memref_squeeze %dma_wait3A_175 : memref<1x128xi32, #tpu.memory_space<vmem>> -> memref<128xi32, #tpu.memory_space<vmem>>
      %dma_wait3A_177 = arith.constant 0 : i32
      %dma_wait3A_178 = arith.constant 0 : i32
      %dma_wait3A_179 = tpu.memref_slice %arg20[%dma_wait3A_177, %dma_wait3A_178] : memref<10240x96xbf16, #tpu.memory_space<vmem_shared>> -> memref<10240x96xbf16, #tpu.memory_space<vmem_shared>>
      tpu.wait_indirect_dma semaphore(%arg24 : memref<!tpu.dma_semaphore, #tpu.memory_space<semaphore_mem>>) src(%dma_wait3A_179 : memref<10240x96xbf16, #tpu.memory_space<vmem_shared>>) dst(%arg14 : memref<128x96xbf16, #tpu.memory_space<vmem>>)
      %gt3A_180 = arith.constant 0 : i32
      %gt3A_181 = arith.cmpi sgt, %add3A_65, %gt3A_180 : i32
      %convert_element_type3A_182 = arith.extui %gt3A_181 : i1 to i32
      %cond3A_183 = arith.constant 0 : i32
      %cond3A_184 = arith.cmpi ne, %convert_element_type3A_182, %cond3A_183 : i32
      scf.if %cond3A_184 {
        %dma_wait3A_198 = arith.constant 0 : i32
        %dma_wait3A_199 = arith.constant 0 : i32
        %dma_wait3A_200 = tpu.memref_slice %arg9[%dma_wait3A_198, %dma_wait3A_199] : memref<40x128xi32, #tpu.memory_space<vmem>> -> memref<1x128xi32, #tpu.memory_space<vmem>>
        %dma_wait3A_201 = tpu.memref_squeeze %dma_wait3A_200 : memref<1x128xi32, #tpu.memory_space<vmem>> -> memref<128xi32, #tpu.memory_space<vmem>>
        %dma_wait3A_202 = arith.constant 0 : i32
        %dma_wait3A_203 = arith.constant 0 : i32
        %dma_wait3A_204 = tpu.memref_slice %arg19[%dma_wait3A_202, %dma_wait3A_203] : memref<10240x16xf32, #tpu.memory_space<vmem_shared>> -> memref<10240x16xf32, #tpu.memory_space<vmem_shared>>
        tpu.wait_indirect_dma semaphore(%arg28 : memref<!tpu.dma_semaphore, #tpu.memory_space<semaphore_mem>>) src(%arg18 : memref<128x16xf32, #tpu.memory_space<vmem>>) dst(%dma_wait3A_204 : memref<10240x16xf32, #tpu.memory_space<vmem_shared>>)
      } else {
      }
      %mul3A_185 = arith.constant 128 : i32
      %mul3A_186 = arith.muli %add3A_165, %mul3A_185 : i32
      %scan3A_187 = arith.constant 0 : i32
      %scan3A_188 = arith.constant 128 : i32
      %scan3A_189 = arith.addi %scan3A_187, %scan3A_188 : i32
      %scan3A_190 = arith.constant 4 : i32
      scf.for %scan3A_198 = %scan3A_187 to %scan3A_189 step %scan3A_190  : i32 {
        %mul3A_199 = arith.constant 1 : i32
        %mul3A_200 = arith.muli %scan3A_198, %mul3A_199 : i32
        %add3A_201 = arith.constant 0 : i32
        %add3A_202 = arith.addi %add3A_201, %mul3A_200 : i32
        %get3A = arith.index_cast %add3A_202 : i32 to index
        %get3A_203 = arith.constant 0 : index
        %get3A_204 = tpu.vector_load %arg14[%get3A, %get3A_203] {strides = array<i32>} : memref<128x96xbf16, #tpu.memory_space<vmem>>, vector<32xbf16>,
        %unpack3A = tpu.unpack_subelements %get3A_204, 0 {pack_format = #tpu.pack_format<interleaved>} : vector<32xbf16> -> vector<16xf32>
        %unpack3A_205 = tpu.unpack_subelements %get3A_204, 1 {pack_format = #tpu.pack_format<interleaved>} : vector<32xbf16> -> vector<16xf32>
        %get3A_206 = arith.index_cast %add3A_202 : i32 to index
        %get3A_207 = arith.constant 32 : index
        %get3A_208 = tpu.vector_load %arg14[%get3A_206, %get3A_207] {strides = array<i32>} : memref<128x96xbf16, #tpu.memory_space<vmem>>, vector<32xbf16>,
        %unpack3A_209 = tpu.unpack_subelements %get3A_208, 0 {pack_format = #tpu.pack_format<interleaved>} : vector<32xbf16> -> vector<16xf32>
        %unpack3A_210 = tpu.unpack_subelements %get3A_208, 1 {pack_format = #tpu.pack_format<interleaved>} : vector<32xbf16> -> vector<16xf32>
        %get3A_211 = arith.index_cast %add3A_202 : i32 to index
        %get3A_212 = arith.constant 64 : index
        %get3A_213 = tpu.vector_load %arg14[%get3A_211, %get3A_212] {strides = array<i32>} : memref<128x96xbf16, #tpu.memory_space<vmem>>, vector<32xbf16>,
        %unpack3A_214 = tpu.unpack_subelements %get3A_213, 0 {pack_format = #tpu.pack_format<interleaved>} : vector<32xbf16> -> vector<16xf32>
        %unpack3A_215 = tpu.unpack_subelements %get3A_213, 1 {pack_format = #tpu.pack_format<interleaved>} : vector<32xbf16> -> vector<16xf32>
        %broadcast_in_dim3A = arith.constant 0 : i32
        %broadcast_in_dim3A_216 = vector.broadcast %broadcast_in_dim3A : i32 to vector<16xi32>
        %add3A_217 = arith.addi %mul3A_186, %add3A_202 : i32
        %broadcast_in_dim3A_218 = vector.broadcast %add3A_217 : i32 to vector<16xi32>
        %gather3A = tpu.vector_load_idx %arg10[%broadcast_in_dim3A_216, %broadcast_in_dim3A_218] : memref<5x5120xf32, #tpu.memory_space<vmem>>[vector<16xi32>, vector<16xi32>], vector<16xf32>,
        %mul3A_219 = arith.mulf %gather3A, %unpack3A : vector<16xf32>
        %add3A_220 = arith.addf %unpack3A_214, %mul3A_219 : vector<16xf32>
        %broadcast_in_dim3A_221 = arith.constant 1 : i32
        %broadcast_in_dim3A_222 = vector.broadcast %broadcast_in_dim3A_221 : i32 to vector<16xi32>
        %add3A_223 = arith.addi %mul3A_186, %add3A_202 : i32
        %broadcast_in_dim3A_224 = vector.broadcast %add3A_223 : i32 to vector<16xi32>
        %gather3A_225 = tpu.vector_load_idx %arg10[%broadcast_in_dim3A_222, %broadcast_in_dim3A_224] : memref<5x5120xf32, #tpu.memory_space<vmem>>[vector<16xi32>, vector<16xi32>], vector<16xf32>,
        %mul3A_226 = arith.mulf %gather3A_225, %unpack3A_205 : vector<16xf32>
        %add3A_227 = arith.addf %add3A_220, %mul3A_226 : vector<16xf32>
        %broadcast_in_dim3A_228 = arith.constant 2 : i32
        %broadcast_in_dim3A_229 = vector.broadcast %broadcast_in_dim3A_228 : i32 to vector<16xi32>
        %add3A_230 = arith.addi %mul3A_186, %add3A_202 : i32
        %broadcast_in_dim3A_231 = vector.broadcast %add3A_230 : i32 to vector<16xi32>
        %gather3A_232 = tpu.vector_load_idx %arg10[%broadcast_in_dim3A_229, %broadcast_in_dim3A_231] : memref<5x5120xf32, #tpu.memory_space<vmem>>[vector<16xi32>, vector<16xi32>], vector<16xf32>,
        %mul3A_233 = arith.mulf %gather3A_232, %unpack3A_209 : vector<16xf32>
        %add3A_234 = arith.addf %add3A_227, %mul3A_233 : vector<16xf32>
        %broadcast_in_dim3A_235 = arith.constant 3 : i32
        %broadcast_in_dim3A_236 = vector.broadcast %broadcast_in_dim3A_235 : i32 to vector<16xi32>
        %add3A_237 = arith.addi %mul3A_186, %add3A_202 : i32
        %broadcast_in_dim3A_238 = vector.broadcast %add3A_237 : i32 to vector<16xi32>
        %gather3A_239 = tpu.vector_load_idx %arg10[%broadcast_in_dim3A_236, %broadcast_in_dim3A_238] : memref<5x5120xf32, #tpu.memory_space<vmem>>[vector<16xi32>, vector<16xi32>], vector<16xf32>,
        %mul3A_240 = arith.mulf %gather3A_239, %unpack3A_210 : vector<16xf32>
        %add3A_241 = arith.addf %add3A_234, %mul3A_240 : vector<16xf32>
        %swap3A = arith.index_cast %add3A_202 : i32 to index
        %swap3A_242 = arith.constant 0 : index
        %swap3A_243 = tpu.vector_load %arg18[%swap3A, %swap3A_242] {strides = array<i32>} : memref<128x16xf32, #tpu.memory_space<vmem>>, vector<16xf32>,
        tpu.vector_store %arg18[%swap3A, %swap3A_242], %add3A_241 {strides = array<i32>} : memref<128x16xf32, #tpu.memory_space<vmem>>, vector<16xf32>,
        %scan3A_244 = arith.constant 1 : i32
        %scan3A_245 = arith.addi %scan3A_198, %scan3A_244 : i32
        %mul3A_246 = arith.constant 1 : i32
        %mul3A_247 = arith.muli %scan3A_245, %mul3A_246 : i32
        %add3A_248 = arith.constant 0 : i32
        %add3A_249 = arith.addi %add3A_248, %mul3A_247 : i32
        %get3A_250 = arith.index_cast %add3A_249 : i32 to index
        %get3A_251 = arith.constant 0 : index
        %get3A_252 = tpu.vector_load %arg14[%get3A_250, %get3A_251] {strides = array<i32>} : memref<128x96xbf16, #tpu.memory_space<vmem>>, vector<32xbf16>,
        %unpack3A_253 = tpu.unpack_subelements %get3A_252, 0 {pack_format = #tpu.pack_format<interleaved>} : vector<32xbf16> -> vector<16xf32>
        %unpack3A_254 = tpu.unpack_subelements %get3A_252, 1 {pack_format = #tpu.pack_format<interleaved>} : vector<32xbf16> -> vector<16xf32>
        %get3A_255 = arith.index_cast %add3A_249 : i32 to index
        %get3A_256 = arith.constant 32 : index
        %get3A_257 = tpu.vector_load %arg14[%get3A_255, %get3A_256] {strides = array<i32>} : memref<128x96xbf16, #tpu.memory_space<vmem>>, vector<32xbf16>,
        %unpack3A_258 = tpu.unpack_subelements %get3A_257, 0 {pack_format = #tpu.pack_format<interleaved>} : vector<32xbf16> -> vector<16xf32>
        %unpack3A_259 = tpu.unpack_subelements %get3A_257, 1 {pack_format = #tpu.pack_format<interleaved>} : vector<32xbf16> -> vector<16xf32>
        %get3A_260 = arith.index_cast %add3A_249 : i32 to index
        %get3A_261 = arith.constant 64 : index
        %get3A_262 = tpu.vector_load %arg14[%get3A_260, %get3A_261] {strides = array<i32>} : memref<128x96xbf16, #tpu.memory_space<vmem>>, vector<32xbf16>,
        %unpack3A_263 = tpu.unpack_subelements %get3A_262, 0 {pack_format = #tpu.pack_format<interleaved>} : vector<32xbf16> -> vector<16xf32>
        %unpack3A_264 = tpu.unpack_subelements %get3A_262, 1 {pack_format = #tpu.pack_format<interleaved>} : vector<32xbf16> -> vector<16xf32>
        %broadcast_in_dim3A_265 = arith.constant 0 : i32
        %broadcast_in_dim3A_266 = vector.broadcast %broadcast_in_dim3A_265 : i32 to vector<16xi32>
        %add3A_267 = arith.addi %mul3A_186, %add3A_249 : i32
        %broadcast_in_dim3A_268 = vector.broadcast %add3A_267 : i32 to vector<16xi32>
        %gather3A_269 = tpu.vector_load_idx %arg10[%broadcast_in_dim3A_266, %broadcast_in_dim3A_268] : memref<5x5120xf32, #tpu.memory_space<vmem>>[vector<16xi32>, vector<16xi32>], vector<16xf32>,
        %mul3A_270 = arith.mulf %gather3A_269, %unpack3A_253 : vector<16xf32>
        %add3A_271 = arith.addf %unpack3A_263, %mul3A_270 : vector<16xf32>
        %broadcast_in_dim3A_272 = arith.constant 1 : i32
        %broadcast_in_dim3A_273 = vector.broadcast %broadcast_in_dim3A_272 : i32 to vector<16xi32>
        %add3A_274 = arith.addi %mul3A_186, %add3A_249 : i32
        %broadcast_in_dim3A_275 = vector.broadcast %add3A_274 : i32 to vector<16xi32>
        %gather3A_276 = tpu.vector_load_idx %arg10[%broadcast_in_dim3A_273, %broadcast_in_dim3A_275] : memref<5x5120xf32, #tpu.memory_space<vmem>>[vector<16xi32>, vector<16xi32>], vector<16xf32>,
        %mul3A_277 = arith.mulf %gather3A_276, %unpack3A_254 : vector<16xf32>
        %add3A_278 = arith.addf %add3A_271, %mul3A_277 : vector<16xf32>
        %broadcast_in_dim3A_279 = arith.constant 2 : i32
        %broadcast_in_dim3A_280 = vector.broadcast %broadcast_in_dim3A_279 : i32 to vector<16xi32>
        %add3A_281 = arith.addi %mul3A_186, %add3A_249 : i32
        %broadcast_in_dim3A_282 = vector.broadcast %add3A_281 : i32 to vector<16xi32>
        %gather3A_283 = tpu.vector_load_idx %arg10[%broadcast_in_dim3A_280, %broadcast_in_dim3A_282] : memref<5x5120xf32, #tpu.memory_space<vmem>>[vector<16xi32>, vector<16xi32>], vector<16xf32>,
        %mul3A_284 = arith.mulf %gather3A_283, %unpack3A_258 : vector<16xf32>
        %add3A_285 = arith.addf %add3A_278, %mul3A_284 : vector<16xf32>
        %broadcast_in_dim3A_286 = arith.constant 3 : i32
        %broadcast_in_dim3A_287 = vector.broadcast %broadcast_in_dim3A_286 : i32 to vector<16xi32>
        %add3A_288 = arith.addi %mul3A_186, %add3A_249 : i32
        %broadcast_in_dim3A_289 = vector.broadcast %add3A_288 : i32 to vector<16xi32>
        %gather3A_290 = tpu.vector_load_idx %arg10[%broadcast_in_dim3A_287, %broadcast_in_dim3A_289] : memref<5x5120xf32, #tpu.memory_space<vmem>>[vector<16xi32>, vector<16xi32>], vector<16xf32>,
        %mul3A_291 = arith.mulf %gather3A_290, %unpack3A_259 : vector<16xf32>
        %add3A_292 = arith.addf %add3A_285, %mul3A_291 : vector<16xf32>
        %swap3A_293 = arith.index_cast %add3A_249 : i32 to index
        %swap3A_294 = arith.constant 0 : index
        %swap3A_295 = tpu.vector_load %arg18[%swap3A_293, %swap3A_294] {strides = array<i32>} : memref<128x16xf32, #tpu.memory_space<vmem>>, vector<16xf32>,
        tpu.vector_store %arg18[%swap3A_293, %swap3A_294], %add3A_292 {strides = array<i32>} : memref<128x16xf32, #tpu.memory_space<vmem>>, vector<16xf32>,
        %scan3A_296 = arith.constant 2 : i32
        %scan3A_297 = arith.addi %scan3A_198, %scan3A_296 : i32
        %mul3A_298 = arith.constant 1 : i32
        %mul3A_299 = arith.muli %scan3A_297, %mul3A_298 : i32
        %add3A_300 = arith.constant 0 : i32
        %add3A_301 = arith.addi %add3A_300, %mul3A_299 : i32
        %get3A_302 = arith.index_cast %add3A_301 : i32 to index
        %get3A_303 = arith.constant 0 : index
        %get3A_304 = tpu.vector_load %arg14[%get3A_302, %get3A_303] {strides = array<i32>} : memref<128x96xbf16, #tpu.memory_space<vmem>>, vector<32xbf16>,
        %unpack3A_305 = tpu.unpack_subelements %get3A_304, 0 {pack_format = #tpu.pack_format<interleaved>} : vector<32xbf16> -> vector<16xf32>
        %unpack3A_306 = tpu.unpack_subelements %get3A_304, 1 {pack_format = #tpu.pack_format<interleaved>} : vector<32xbf16> -> vector<16xf32>
        %get3A_307 = arith.index_cast %add3A_301 : i32 to index
        %get3A_308 = arith.constant 32 : index
        %get3A_309 = tpu.vector_load %arg14[%get3A_307, %get3A_308] {strides = array<i32>} : memref<128x96xbf16, #tpu.memory_space<vmem>>, vector<32xbf16>,
        %unpack3A_310 = tpu.unpack_subelements %get3A_309, 0 {pack_format = #tpu.pack_format<interleaved>} : vector<32xbf16> -> vector<16xf32>
        %unpack3A_311 = tpu.unpack_subelements %get3A_309, 1 {pack_format = #tpu.pack_format<interleaved>} : vector<32xbf16> -> vector<16xf32>
        %get3A_312 = arith.index_cast %add3A_301 : i32 to index
        %get3A_313 = arith.constant 64 : index
        %get3A_314 = tpu.vector_load %arg14[%get3A_312, %get3A_313] {strides = array<i32>} : memref<128x96xbf16, #tpu.memory_space<vmem>>, vector<32xbf16>,
        %unpack3A_315 = tpu.unpack_subelements %get3A_314, 0 {pack_format = #tpu.pack_format<interleaved>} : vector<32xbf16> -> vector<16xf32>
        %unpack3A_316 = tpu.unpack_subelements %get3A_314, 1 {pack_format = #tpu.pack_format<interleaved>} : vector<32xbf16> -> vector<16xf32>
        %broadcast_in_dim3A_317 = arith.constant 0 : i32
        %broadcast_in_dim3A_318 = vector.broadcast %broadcast_in_dim3A_317 : i32 to vector<16xi32>
        %add3A_319 = arith.addi %mul3A_186, %add3A_301 : i32
        %broadcast_in_dim3A_320 = vector.broadcast %add3A_319 : i32 to vector<16xi32>
        %gather3A_321 = tpu.vector_load_idx %arg10[%broadcast_in_dim3A_318, %broadcast_in_dim3A_320] : memref<5x5120xf32, #tpu.memory_space<vmem>>[vector<16xi32>, vector<16xi32>], vector<16xf32>,
        %mul3A_322 = arith.mulf %gather3A_321, %unpack3A_305 : vector<16xf32>
        %add3A_323 = arith.addf %unpack3A_315, %mul3A_322 : vector<16xf32>
        %broadcast_in_dim3A_324 = arith.constant 1 : i32
        %broadcast_in_dim3A_325 = vector.broadcast %broadcast_in_dim3A_324 : i32 to vector<16xi32>
        %add3A_326 = arith.addi %mul3A_186, %add3A_301 : i32
        %broadcast_in_dim3A_327 = vector.broadcast %add3A_326 : i32 to vector<16xi32>
        %gather3A_328 = tpu.vector_load_idx %arg10[%broadcast_in_dim3A_325, %broadcast_in_dim3A_327] : memref<5x5120xf32, #tpu.memory_space<vmem>>[vector<16xi32>, vector<16xi32>], vector<16xf32>,
        %mul3A_329 = arith.mulf %gather3A_328, %unpack3A_306 : vector<16xf32>
        %add3A_330 = arith.addf %add3A_323, %mul3A_329 : vector<16xf32>
        %broadcast_in_dim3A_331 = arith.constant 2 : i32
        %broadcast_in_dim3A_332 = vector.broadcast %broadcast_in_dim3A_331 : i32 to vector<16xi32>
        %add3A_333 = arith.addi %mul3A_186, %add3A_301 : i32
        %broadcast_in_dim3A_334 = vector.broadcast %add3A_333 : i32 to vector<16xi32>
        %gather3A_335 = tpu.vector_load_idx %arg10[%broadcast_in_dim3A_332, %broadcast_in_dim3A_334] : memref<5x5120xf32, #tpu.memory_space<vmem>>[vector<16xi32>, vector<16xi32>], vector<16xf32>,
        %mul3A_336 = arith.mulf %gather3A_335, %unpack3A_310 : vector<16xf32>
        %add3A_337 = arith.addf %add3A_330, %mul3A_336 : vector<16xf32>
        %broadcast_in_dim3A_338 = arith.constant 3 : i32
        %broadcast_in_dim3A_339 = vector.broadcast %broadcast_in_dim3A_338 : i32 to vector<16xi32>
        %add3A_340 = arith.addi %mul3A_186, %add3A_301 : i32
        %broadcast_in_dim3A_341 = vector.broadcast %add3A_340 : i32 to vector<16xi32>
        %gather3A_342 = tpu.vector_load_idx %arg10[%broadcast_in_dim3A_339, %broadcast_in_dim3A_341] : memref<5x5120xf32, #tpu.memory_space<vmem>>[vector<16xi32>, vector<16xi32>], vector<16xf32>,
        %mul3A_343 = arith.mulf %gather3A_342, %unpack3A_311 : vector<16xf32>
        %add3A_344 = arith.addf %add3A_337, %mul3A_343 : vector<16xf32>
        %swap3A_345 = arith.index_cast %add3A_301 : i32 to index
        %swap3A_346 = arith.constant 0 : index
        %swap3A_347 = tpu.vector_load %arg18[%swap3A_345, %swap3A_346] {strides = array<i32>} : memref<128x16xf32, #tpu.memory_space<vmem>>, vector<16xf32>,
        tpu.vector_store %arg18[%swap3A_345, %swap3A_346], %add3A_344 {strides = array<i32>} : memref<128x16xf32, #tpu.memory_space<vmem>>, vector<16xf32>,
        %scan3A_348 = arith.constant 3 : i32
        %scan3A_349 = arith.addi %scan3A_198, %scan3A_348 : i32
        %mul3A_350 = arith.constant 1 : i32
        %mul3A_351 = arith.muli %scan3A_349, %mul3A_350 : i32
        %add3A_352 = arith.constant 0 : i32
        %add3A_353 = arith.addi %add3A_352, %mul3A_351 : i32
        %get3A_354 = arith.index_cast %add3A_353 : i32 to index
        %get3A_355 = arith.constant 0 : index
        %get3A_356 = tpu.vector_load %arg14[%get3A_354, %get3A_355] {strides = array<i32>} : memref<128x96xbf16, #tpu.memory_space<vmem>>, vector<32xbf16>,
        %unpack3A_357 = tpu.unpack_subelements %get3A_356, 0 {pack_format = #tpu.pack_format<interleaved>} : vector<32xbf16> -> vector<16xf32>
        %unpack3A_358 = tpu.unpack_subelements %get3A_356, 1 {pack_format = #tpu.pack_format<interleaved>} : vector<32xbf16> -> vector<16xf32>
        %get3A_359 = arith.index_cast %add3A_353 : i32 to index
        %get3A_360 = arith.constant 32 : index
        %get3A_361 = tpu.vector_load %arg14[%get3A_359, %get3A_360] {strides = array<i32>} : memref<128x96xbf16, #tpu.memory_space<vmem>>, vector<32xbf16>,
        %unpack3A_362 = tpu.unpack_subelements %get3A_361, 0 {pack_format = #tpu.pack_format<interleaved>} : vector<32xbf16> -> vector<16xf32>
        %unpack3A_363 = tpu.unpack_subelements %get3A_361, 1 {pack_format = #tpu.pack_format<interleaved>} : vector<32xbf16> -> vector<16xf32>
        %get3A_364 = arith.index_cast %add3A_353 : i32 to index
        %get3A_365 = arith.constant 64 : index
        %get3A_366 = tpu.vector_load %arg14[%get3A_364, %get3A_365] {strides = array<i32>} : memref<128x96xbf16, #tpu.memory_space<vmem>>, vector<32xbf16>,
        %unpack3A_367 = tpu.unpack_subelements %get3A_366, 0 {pack_format = #tpu.pack_format<interleaved>} : vector<32xbf16> -> vector<16xf32>
        %unpack3A_368 = tpu.unpack_subelements %get3A_366, 1 {pack_format = #tpu.pack_format<interleaved>} : vector<32xbf16> -> vector<16xf32>
        %broadcast_in_dim3A_369 = arith.constant 0 : i32
        %broadcast_in_dim3A_370 = vector.broadcast %broadcast_in_dim3A_369 : i32 to vector<16xi32>
        %add3A_371 = arith.addi %mul3A_186, %add3A_353 : i32
        %broadcast_in_dim3A_372 = vector.broadcast %add3A_371 : i32 to vector<16xi32>
        %gather3A_373 = tpu.vector_load_idx %arg10[%broadcast_in_dim3A_370, %broadcast_in_dim3A_372] : memref<5x5120xf32, #tpu.memory_space<vmem>>[vector<16xi32>, vector<16xi32>], vector<16xf32>,
        %mul3A_374 = arith.mulf %gather3A_373, %unpack3A_357 : vector<16xf32>
        %add3A_375 = arith.addf %unpack3A_367, %mul3A_374 : vector<16xf32>
        %broadcast_in_dim3A_376 = arith.constant 1 : i32
        %broadcast_in_dim3A_377 = vector.broadcast %broadcast_in_dim3A_376 : i32 to vector<16xi32>
        %add3A_378 = arith.addi %mul3A_186, %add3A_353 : i32
        %broadcast_in_dim3A_379 = vector.broadcast %add3A_378 : i32 to vector<16xi32>
        %gather3A_380 = tpu.vector_load_idx %arg10[%broadcast_in_dim3A_377, %broadcast_in_dim3A_379] : memref<5x5120xf32, #tpu.memory_space<vmem>>[vector<16xi32>, vector<16xi32>], vector<16xf32>,
        %mul3A_381 = arith.mulf %gather3A_380, %unpack3A_358 : vector<16xf32>
        %add3A_382 = arith.addf %add3A_375, %mul3A_381 : vector<16xf32>
        %broadcast_in_dim3A_383 = arith.constant 2 : i32
        %broadcast_in_dim3A_384 = vector.broadcast %broadcast_in_dim3A_383 : i32 to vector<16xi32>
        %add3A_385 = arith.addi %mul3A_186, %add3A_353 : i32
        %broadcast_in_dim3A_386 = vector.broadcast %add3A_385 : i32 to vector<16xi32>
        %gather3A_387 = tpu.vector_load_idx %arg10[%broadcast_in_dim3A_384, %broadcast_in_dim3A_386] : memref<5x5120xf32, #tpu.memory_space<vmem>>[vector<16xi32>, vector<16xi32>], vector<16xf32>,
        %mul3A_388 = arith.mulf %gather3A_387, %unpack3A_362 : vector<16xf32>
        %add3A_389 = arith.addf %add3A_382, %mul3A_388 : vector<16xf32>
        %broadcast_in_dim3A_390 = arith.constant 3 : i32
        %broadcast_in_dim3A_391 = vector.broadcast %broadcast_in_dim3A_390 : i32 to vector<16xi32>
        %add3A_392 = arith.addi %mul3A_186, %add3A_353 : i32
        %broadcast_in_dim3A_393 = vector.broadcast %add3A_392 : i32 to vector<16xi32>
        %gather3A_394 = tpu.vector_load_idx %arg10[%broadcast_in_dim3A_391, %broadcast_in_dim3A_393] : memref<5x5120xf32, #tpu.memory_space<vmem>>[vector<16xi32>, vector<16xi32>], vector<16xf32>,
        %mul3A_395 = arith.mulf %gather3A_394, %unpack3A_363 : vector<16xf32>
        %add3A_396 = arith.addf %add3A_389, %mul3A_395 : vector<16xf32>
        %swap3A_397 = arith.index_cast %add3A_353 : i32 to index
        %swap3A_398 = arith.constant 0 : index
        %swap3A_399 = tpu.vector_load %arg18[%swap3A_397, %swap3A_398] {strides = array<i32>} : memref<128x16xf32, #tpu.memory_space<vmem>>, vector<16xf32>,
        tpu.vector_store %arg18[%swap3A_397, %swap3A_398], %add3A_396 {strides = array<i32>} : memref<128x16xf32, #tpu.memory_space<vmem>>, vector<16xf32>,
      }
      %scan3A_191 = arith.constant 128 : i32
      %dma_start3A_192 = arith.constant 0 : i32
      %dma_start3A_193 = tpu.memref_slice %arg9[%add3A_165, %dma_start3A_192] : memref<40x128xi32, #tpu.memory_space<vmem>> -> memref<1x128xi32, #tpu.memory_space<vmem>>
      %dma_start3A_194 = tpu.memref_squeeze %dma_start3A_193 : memref<1x128xi32, #tpu.memory_space<vmem>> -> memref<128xi32, #tpu.memory_space<vmem>>
      %dma_start3A_195 = arith.constant 0 : i32
      %dma_start3A_196 = arith.constant 0 : i32
      %dma_start3A_197 = tpu.memref_slice %arg19[%dma_start3A_195, %dma_start3A_196] : memref<10240x16xf32, #tpu.memory_space<vmem_shared>> -> memref<10240x16xf32, #tpu.memory_space<vmem_shared>>
      tpu.enqueue_indirect_dma source(%arg18 : memref<128x16xf32, #tpu.memory_space<vmem>>) target(%dma_start3A_197 : memref<10240x16xf32, #tpu.memory_space<vmem_shared>>) offsets(%dma_start3A_194 : memref<128xi32, #tpu.memory_space<vmem>>) semaphore(%arg28 : memref<!tpu.dma_semaphore, #tpu.memory_space<semaphore_mem>>) {add = true}
    }
    %scan3A_32 = arith.constant 10 : i32
    %dma_wait3A = arith.constant 0 : i32
    %dma_wait3A_33 = arith.constant 0 : i32
    %dma_wait3A_34 = tpu.memref_slice %arg9[%dma_wait3A, %dma_wait3A_33] : memref<40x128xi32, #tpu.memory_space<vmem>> -> memref<1x128xi32, #tpu.memory_space<vmem>>
    %dma_wait3A_35 = tpu.memref_squeeze %dma_wait3A_34 : memref<1x128xi32, #tpu.memory_space<vmem>> -> memref<128xi32, #tpu.memory_space<vmem>>
    %dma_wait3A_36 = arith.constant 0 : i32
    %dma_wait3A_37 = arith.constant 0 : i32
    %dma_wait3A_38 = tpu.memref_slice %arg19[%dma_wait3A_36, %dma_wait3A_37] : memref<10240x16xf32, #tpu.memory_space<vmem_shared>> -> memref<10240x16xf32, #tpu.memory_space<vmem_shared>>
    tpu.wait_indirect_dma semaphore(%arg25 : memref<!tpu.dma_semaphore, #tpu.memory_space<semaphore_mem>>) src(%arg15 : memref<128x16xf32, #tpu.memory_space<vmem>>) dst(%dma_wait3A_38 : memref<10240x16xf32, #tpu.memory_space<vmem_shared>>)
    %dma_wait3A_39 = arith.constant 0 : i32
    %dma_wait3A_40 = arith.constant 0 : i32
    %dma_wait3A_41 = tpu.memref_slice %arg9[%dma_wait3A_39, %dma_wait3A_40] : memref<40x128xi32, #tpu.memory_space<vmem>> -> memref<1x128xi32, #tpu.memory_space<vmem>>
    %dma_wait3A_42 = tpu.memref_squeeze %dma_wait3A_41 : memref<1x128xi32, #tpu.memory_space<vmem>> -> memref<128xi32, #tpu.memory_space<vmem>>
    %dma_wait3A_43 = arith.constant 0 : i32
    %dma_wait3A_44 = arith.constant 0 : i32
    %dma_wait3A_45 = tpu.memref_slice %arg19[%dma_wait3A_43, %dma_wait3A_44] : memref<10240x16xf32, #tpu.memory_space<vmem_shared>> -> memref<10240x16xf32, #tpu.memory_space<vmem_shared>>
    tpu.wait_indirect_dma semaphore(%arg26 : memref<!tpu.dma_semaphore, #tpu.memory_space<semaphore_mem>>) src(%arg16 : memref<128x16xf32, #tpu.memory_space<vmem>>) dst(%dma_wait3A_45 : memref<10240x16xf32, #tpu.memory_space<vmem_shared>>)
    %dma_wait3A_46 = arith.constant 0 : i32
    %dma_wait3A_47 = arith.constant 0 : i32
    %dma_wait3A_48 = tpu.memref_slice %arg9[%dma_wait3A_46, %dma_wait3A_47] : memref<40x128xi32, #tpu.memory_space<vmem>> -> memref<1x128xi32, #tpu.memory_space<vmem>>
    %dma_wait3A_49 = tpu.memref_squeeze %dma_wait3A_48 : memref<1x128xi32, #tpu.memory_space<vmem>> -> memref<128xi32, #tpu.memory_space<vmem>>
    %dma_wait3A_50 = arith.constant 0 : i32
    %dma_wait3A_51 = arith.constant 0 : i32
    %dma_wait3A_52 = tpu.memref_slice %arg19[%dma_wait3A_50, %dma_wait3A_51] : memref<10240x16xf32, #tpu.memory_space<vmem_shared>> -> memref<10240x16xf32, #tpu.memory_space<vmem_shared>>
    tpu.wait_indirect_dma semaphore(%arg27 : memref<!tpu.dma_semaphore, #tpu.memory_space<semaphore_mem>>) src(%arg17 : memref<128x16xf32, #tpu.memory_space<vmem>>) dst(%dma_wait3A_52 : memref<10240x16xf32, #tpu.memory_space<vmem_shared>>)
    %dma_wait3A_53 = arith.constant 0 : i32
    %dma_wait3A_54 = arith.constant 0 : i32
    %dma_wait3A_55 = tpu.memref_slice %arg9[%dma_wait3A_53, %dma_wait3A_54] : memref<40x128xi32, #tpu.memory_space<vmem>> -> memref<1x128xi32, #tpu.memory_space<vmem>>
    %dma_wait3A_56 = tpu.memref_squeeze %dma_wait3A_55 : memref<1x128xi32, #tpu.memory_space<vmem>> -> memref<128xi32, #tpu.memory_space<vmem>>
    %dma_wait3A_57 = arith.constant 0 : i32
    %dma_wait3A_58 = arith.constant 0 : i32
    %dma_wait3A_59 = tpu.memref_slice %arg19[%dma_wait3A_57, %dma_wait3A_58] : memref<10240x16xf32, #tpu.memory_space<vmem_shared>> -> memref<10240x16xf32, #tpu.memory_space<vmem_shared>>
    tpu.wait_indirect_dma semaphore(%arg28 : memref<!tpu.dma_semaphore, #tpu.memory_space<semaphore_mem>>) src(%arg18 : memref<128x16xf32, #tpu.memory_space<vmem>>) dst(%dma_wait3A_59 : memref<10240x16xf32, #tpu.memory_space<vmem_shared>>)
    %barrier3A_60 = arith.constant 0 : index
    tpu.barrier barrier_id(%barrier3A_60)
    "tpu.region"() ({
      %run_scoped3A = tpu.sem_alloc : memref<!tpu.dma_semaphore, #tpu.memory_space<semaphore_mem>>
      %dma_start3A_61 = arith.constant 0 : i32
      %dma_start3A_62 = tpu.memref_slice %arg7[%arg0, %mul3A_2, %dma_start3A_61] : memref<2x10240x16xf32, #tpu.memory_space<hbm>> -> memref<1x640x16xf32, #tpu.memory_space<hbm>>
      %dma_start3A_63 = tpu.memref_squeeze %dma_start3A_62 : memref<1x640x16xf32, #tpu.memory_space<hbm>> -> memref<640x16xf32, #tpu.memory_space<hbm>>
      %dma_start3A_64 = arith.constant 0 : i32
      %dma_start3A_65 = tpu.memref_slice %arg19[%mul3A_2, %dma_start3A_64] : memref<10240x16xf32, #tpu.memory_space<vmem_shared>> -> memref<640x16xf32, #tpu.memory_space<vmem_shared>>
      tpu.enqueue_dma source(%dma_start3A_65 : memref<640x16xf32, #tpu.memory_space<vmem_shared>>) target(%dma_start3A_63 : memref<640x16xf32, #tpu.memory_space<hbm>>) target_semaphore(%run_scoped3A : memref<!tpu.dma_semaphore, #tpu.memory_space<semaphore_mem>>)
      %dma_wait3A_66 = arith.constant 0 : i32
      %dma_wait3A_67 = tpu.memref_slice %arg7[%arg0, %mul3A_2, %dma_wait3A_66] : memref<2x10240x16xf32, #tpu.memory_space<hbm>> -> memref<1x640x16xf32, #tpu.memory_space<hbm>>
      %dma_wait3A_68 = tpu.memref_squeeze %dma_wait3A_67 : memref<1x640x16xf32, #tpu.memory_space<hbm>> -> memref<640x16xf32, #tpu.memory_space<hbm>>
      %dma_wait3A_69 = arith.constant 0 : i32
      %dma_wait3A_70 = tpu.memref_slice %arg19[%mul3A_2, %dma_wait3A_69] : memref<10240x16xf32, #tpu.memory_space<vmem_shared>> -> memref<640x16xf32, #tpu.memory_space<vmem_shared>>
      tpu.wait_dma2 semaphore(%run_scoped3A : memref<!tpu.dma_semaphore, #tpu.memory_space<semaphore_mem>>) src(%dma_wait3A_70 : memref<640x16xf32, #tpu.memory_space<vmem_shared>>) dst(%dma_wait3A_68 : memref<640x16xf32, #tpu.memory_space<hbm>>)
      tpu.yield
    }) : () -> ()
    return
  }
}

module attributes {stable_mosaic.version = 14 : i64} {
  func.func @_pre_body(%arg0: memref<10240x128xf32, #tpu.memory_space<vmem>>, %arg1: memref<128x96xf32, #tpu.memory_space<vmem>>, %arg2: memref<128x32xf32, #tpu.memory_space<vmem>>, %arg3: memref<1x32xf32, #tpu.memory_space<vmem>>, %arg4: memref<10240x96xbf16, #tpu.memory_space<vmem>>, %arg5: memref<10240x32xf32, #tpu.memory_space<vmem>>) attributes {dimension_semantics = [], scalar_prefetch = 0 : i64, scratch_operands = 0 : i64, tpu.core_type = #tpu.core_type<tc>} {
    %get3A = arith.constant 0 : index
    %get3A_0 = arith.constant 0 : index
    %get3A_1 = vector.load %arg0[%get3A, %get3A_0] : memref<10240x128xf32, #tpu.memory_space<vmem>>, vector<10240x128xf32>
    %get3A_2 = arith.constant 0 : index
    %get3A_3 = arith.constant 0 : index
    %get3A_4 = vector.load %arg1[%get3A_2, %get3A_3] : memref<128x96xf32, #tpu.memory_space<vmem>>, vector<128x96xf32>
    %dot_general3A = arith.constant dense<0.000000e+00> : vector<10240x96xf32>
    %dot_general3A_5 = tpu.matmul %get3A_1, %get3A_4, %dot_general3A {dimension_numbers = #tpu.dot_dimension_numbers<[1], [0], [0], [1], [0, 0, 1, 1], [], []>, precision = #tpu.contract_precision<fp32>, transpose_lhs_hint = false} : vector<10240x128xf32>, vector<128x96xf32>, vector<10240x96xf32> -> vector<10240x96xf32>
    %convert_element_type3A = arith.truncf %dot_general3A_5 : vector<10240x96xf32> to vector<10240x96xbf16>
    %swap3A = arith.constant 0 : index
    %swap3A_6 = arith.constant 0 : index
    %swap3A_7 = vector.load %arg4[%swap3A, %swap3A_6] : memref<10240x96xbf16, #tpu.memory_space<vmem>>, vector<10240x96xbf16>
    tpu.vector_store %arg4[%swap3A, %swap3A_6], %convert_element_type3A {strides = array<i32>} : memref<10240x96xbf16, #tpu.memory_space<vmem>>, vector<10240x96xbf16>,
    %get3A_8 = arith.constant 0 : index
    %get3A_9 = arith.constant 0 : index
    %get3A_10 = vector.load %arg2[%get3A_8, %get3A_9] : memref<128x32xf32, #tpu.memory_space<vmem>>, vector<128x32xf32>
    %dot_general3A_11 = arith.constant dense<0.000000e+00> : vector<10240x32xf32>
    %dot_general3A_12 = tpu.matmul %get3A_1, %get3A_10, %dot_general3A_11 {dimension_numbers = #tpu.dot_dimension_numbers<[1], [0], [0], [1], [0, 0, 1, 1], [], []>, precision = #tpu.contract_precision<fp32>, transpose_lhs_hint = false} : vector<10240x128xf32>, vector<128x32xf32>, vector<10240x32xf32> -> vector<10240x32xf32>
    %get3A_13 = arith.constant 0 : index
    %get3A_14 = arith.constant 0 : index
    %get3A_15 = vector.load %arg3[%get3A_13, %get3A_14] : memref<1x32xf32, #tpu.memory_space<vmem>>, vector<1x32xf32>
    %add3A = vector.broadcast %get3A_15 : vector<1x32xf32> to vector<10240x32xf32>
    %add3A_16 = arith.addf %dot_general3A_12, %add3A : vector<10240x32xf32>
    %swap3A_17 = arith.constant 0 : index
    %swap3A_18 = arith.constant 0 : index
    %swap3A_19 = vector.load %arg5[%swap3A_17, %swap3A_18] : memref<10240x32xf32, #tpu.memory_space<vmem>>, vector<10240x32xf32>
    tpu.vector_store %arg5[%swap3A_17, %swap3A_18], %add3A_16 {strides = array<i32>} : memref<10240x32xf32, #tpu.memory_space<vmem>>, vector<10240x32xf32>,
    return
  }
}

module attributes {stable_mosaic.version = 14 : i64} {
  func.func @_post_body(%arg0: memref<2x10240x16xf32, #tpu.memory_space<vmem>>, %arg1: memref<10240x32xf32, #tpu.memory_space<vmem>>, %arg2: memref<1x16xf32, #tpu.memory_space<vmem>>, %arg3: memref<1x16xf32, #tpu.memory_space<vmem>>, %arg4: memref<10000x16xf32, #tpu.memory_space<vmem>>) attributes {dimension_semantics = [], scalar_prefetch = 0 : i64, scratch_operands = 0 : i64, tpu.core_type = #tpu.core_type<tc>} {
    %get3A = arith.constant 0 : index
    %get3A_0 = arith.constant 0 : index
    %get3A_1 = arith.constant 0 : index
    %get3A_2 = vector.load %arg0[%get3A, %get3A_0, %get3A_1] : memref<2x10240x16xf32, #tpu.memory_space<vmem>>, vector<1x10000x16xf32>
    %get3A_3 = vector.shape_cast %get3A_2 : vector<1x10000x16xf32> to vector<10000x16xf32>
    %get3A_4 = arith.constant 1 : index
    %get3A_5 = arith.constant 0 : index
    %get3A_6 = arith.constant 0 : index
    %get3A_7 = vector.load %arg0[%get3A_4, %get3A_5, %get3A_6] : memref<2x10240x16xf32, #tpu.memory_space<vmem>>, vector<1x10000x16xf32>
    %get3A_8 = vector.shape_cast %get3A_7 : vector<1x10000x16xf32> to vector<10000x16xf32>
    %add3A = arith.addf %get3A_3, %get3A_8 : vector<10000x16xf32>
    %get3A_9 = arith.constant 0 : index
    %get3A_10 = arith.constant 0 : index
    %get3A_11 = vector.load %arg1[%get3A_9, %get3A_10] : memref<10240x32xf32, #tpu.memory_space<vmem>>, vector<10000x16xf32>
    %add3A_12 = arith.addf %add3A, %get3A_11 : vector<10000x16xf32>
    %reduce_sum3A = arith.constant dense<0.000000e+00> : vector<16xf32>
    %reduce_sum3A_13 = vector.multi_reduction <add>, %add3A_12, %reduce_sum3A [0] : vector<10000x16xf32> to vector<16xf32>
    %broadcast_in_dim3A = vector.shape_cast %reduce_sum3A_13 : vector<16xf32> to vector<1x16xf32>
    %div3A = arith.constant 1.000000e+04 : f32
    %div3A_14 = vector.broadcast %div3A : f32 to vector<1x16xf32>
    %div3A_15 = arith.divf %broadcast_in_dim3A, %div3A_14 : vector<1x16xf32>
    %sub3A = vector.broadcast %div3A_15 : vector<1x16xf32> to vector<10000x16xf32>
    %sub3A_16 = arith.subf %add3A_12, %sub3A : vector<10000x16xf32>
    %mul3A = arith.mulf %sub3A_16, %sub3A_16 : vector<10000x16xf32>
    %reduce_sum3A_17 = arith.constant dense<0.000000e+00> : vector<16xf32>
    %reduce_sum3A_18 = vector.multi_reduction <add>, %mul3A, %reduce_sum3A_17 [0] : vector<10000x16xf32> to vector<16xf32>
    %broadcast_in_dim3A_19 = vector.shape_cast %reduce_sum3A_18 : vector<16xf32> to vector<1x16xf32>
    %div3A_20 = arith.constant 1.000000e+04 : f32
    %div3A_21 = vector.broadcast %div3A_20 : f32 to vector<1x16xf32>
    %div3A_22 = arith.divf %broadcast_in_dim3A_19, %div3A_21 : vector<1x16xf32>
    %add3A_23 = arith.constant 9.99999974E-6 : f32
    %add3A_24 = vector.broadcast %add3A_23 : f32 to vector<1x16xf32>
    %add3A_25 = arith.addf %div3A_22, %add3A_24 : vector<1x16xf32>
    %rsqrt3A = math.rsqrt %add3A_25 : vector<1x16xf32>
    %mul3A_26 = vector.broadcast %rsqrt3A : vector<1x16xf32> to vector<10000x16xf32>
    %mul3A_27 = arith.mulf %sub3A_16, %mul3A_26 : vector<10000x16xf32>
    %get3A_28 = arith.constant 0 : index
    %get3A_29 = arith.constant 0 : index
    %get3A_30 = vector.load %arg2[%get3A_28, %get3A_29] : memref<1x16xf32, #tpu.memory_space<vmem>>, vector<1x16xf32>
    %mul3A_31 = vector.broadcast %get3A_30 : vector<1x16xf32> to vector<10000x16xf32>
    %mul3A_32 = arith.mulf %mul3A_27, %mul3A_31 : vector<10000x16xf32>
    %get3A_33 = arith.constant 0 : index
    %get3A_34 = arith.constant 0 : index
    %get3A_35 = vector.load %arg3[%get3A_33, %get3A_34] : memref<1x16xf32, #tpu.memory_space<vmem>>, vector<1x16xf32>
    %add3A_36 = vector.broadcast %get3A_35 : vector<1x16xf32> to vector<10000x16xf32>
    %add3A_37 = arith.addf %mul3A_32, %add3A_36 : vector<10000x16xf32>
    %ge3A = arith.constant 0.000000e+00 : f32
    %ge3A_38 = vector.broadcast %ge3A : f32 to vector<10000x16xf32>
    %ge3A_39 = arith.cmpf oge, %add3A_37, %ge3A_38 : vector<10000x16xf32>
    %mul3A_40 = arith.constant 0.00999999977 : f32
    %mul3A_41 = vector.broadcast %mul3A_40 : f32 to vector<10000x16xf32>
    %mul3A_42 = arith.mulf %mul3A_41, %add3A_37 : vector<10000x16xf32>
    %select_n3A = arith.select %ge3A_39, %add3A_37, %mul3A_42 : vector<10000x16xi1>, vector<10000x16xf32>
    %get3A_43 = arith.constant 0 : index
    %get3A_44 = arith.constant 16 : index
    %get3A_45 = vector.load %arg1[%get3A_43, %get3A_44] : memref<10240x32xf32, #tpu.memory_space<vmem>>, vector<10000x16xf32>
    %add3A_46 = arith.addf %select_n3A, %get3A_45 : vector<10000x16xf32>
    %swap3A = arith.constant 0 : index
    %swap3A_47 = arith.constant 0 : index
    %swap3A_48 = vector.load %arg4[%swap3A, %swap3A_47] : memref<10000x16xf32, #tpu.memory_space<vmem>>, vector<10000x16xf32>
    tpu.vector_store %arg4[%swap3A, %swap3A_47], %add3A_46 {strides = array<i32>} : memref<10000x16xf32, #tpu.memory_space<vmem>>, vector<10000x16xf32>,
    return
  }
}

</mosaic_0001>

<sc_bundles>
// kernel: kernel.5.cloned.1.call-start
scs
__scs_entry_jumppad:
0x0: {  	(pc) =	sbr.rel $0x88, $3  }
0x1: {  	(tag) =	ssettag $0x0;
	lr =	simm.s32 $0x1  }
0x2: {  	[smem:$0x3F97] =	sst lr;
	_ =	strace $0xD0000000  }
0x3: {  	_ = 	snop  }
0x4: {  	_ = 	snop  }
0x5: {  	_ = 	snop  }
0x6: {  	_ = 	snop  }
0x7: {  	_ = 	snop  }
__scs_overlays_trampoline_lowered:
0x8: {  	[smem:$0x3FA6] =	sst s0  }
0x9: {  	[smem:$0x3FA7] =	sst s1  }
0xa: {  	[smem:$0x3FA8] =	sst s2  }
0xb: {  	[smem:$0x3FA9] =	sst s3  }
0xc: {  	[smem:$0x3FAA] =	sst s4  }
0xd: {  	[smem:$0x3FAB] =	sst s5  }
0xe: {  	[smem:$0x3FAC] =	sst s6  }
0xf: {  	[smem:$0x3FAD] =	sst s7  }
0x10: {  	[smem:$0x3FAE] =	sst s8  }
0x11: {  	[smem:$0x3FAF] =	sst s9;
	s0 =	simm.s32 @!p0 $0x0  }
0x12: {  	s1 =	sld [smem:$0x3F95];
	s0 =	simm.s32 @p0 $0x1  }
0x13: {  	[smem:$0x3FB0] =	sst s0;
	s0 =	simm.s32 @!p1 $0x0  }
0x14: {  	s2 =	sld [smem:$0x3F94];
	s0 =	simm.s32 @p1 $0x1  }
0x15: {  	[smem:$0x3FB1] =	sst s0;
	s0 =	simm.s32 @!p2 $0x0  }
0x16: {  	s3 =	sld [smem:$0x3FDB];
	s0 =	simm.s32 @p2 $0x1  }
0x17: {  	s4 =	simm.s32 $0x1BF5;
	[smem:$0x3FB3] =	sst s0  }
0x18: {  	s0 =	sld [smem:$0x3F96];
	_ =	swait.ge [sflag:s4], $0x0  }
0x19: {  	s7 =	sld [smem:$0x3F97]  }
0x1a: {  	s8 =	sadd.s32 $0xFFFFE003, lr  }
0x1b: {  	s9 =	sadd.s32 $0xFFFFFEF7, lr;
	s5 =	simm.s32 $0xFFFFFFFF;
	p2 =	slt.u32 s8, $0xFFFFF086  }
0x1c: {  	p1 =	slt.u32 s9, $0xF7A;
	s5 =	simm.s32 @!p2 $0x0  }
0x1d: {  	s5 =	simm.s32 @p1 $0x1;
	p0 =	seq.s32 s7, s2  }
0x1e: {  	s7 =	smul.u32 @!p0 $0xF7A, s2;
	p2 =	seq.s32 @!p0 s5, $0x0  }
0x1f: {  	s9 =	smul.u32 $0xF7A, s1;
	s8 =	simm.s32 @!p0 $0x1BF5;
	p2 =	por !p2, p0  }
0x20: {  	[sflag:s8] =	ssyncset.s32 @!p0 $0xFFFFF086;
	s6 =	sadd.s32 @!p0 s3, s7;
	s7 =	simm.s32 @!p0 $0x108  }
0x21: {  	s3 =	sadd.s32 s3, s9;
	s6 =	sadd.s32 @!p0 $0x88, s6;
	s7 =	simm.s32 @p2 $0x1082  }
0x22: {  	[simem:s7], [sflag:s8] =	dma.local @!p0 [hbm:s6], $0xF7A  }
0x23: {  	s9 =	sor.u32 $0xD0000000, s2;
	s6 =	simm.s32 $0x108;
	_ =	swait.ge @!p0 [sflag:s8], $0x0  }
0x24: {  	s3 =	sadd.s32 $0x88, s3;
	s6 =	simm.s32 @!p1 $0x1082;
	[sflag:s4] =	ssyncset.s32 $0xFFFFF086  }
0x25: {  	[simem:s6], [sflag:s4] =	dma.local [hbm:s3], $0xF7A  }
0x26: {  	[smem:$0x3F97] =	sst s1;
	(tag) =	ssettag s2;
	_ =	strace s9  }
0x27: {  	s1 =	sld [smem:$0x3FA7]  }
0x28: {  	s2 =	sld [smem:$0x3FA8]  }
0x29: {  	s4 =	sld [smem:$0x3FAA]  }
0x2a: {  	p0 =	seq.s32 s5, $0x0;
	s5 =	sld [smem:$0x3FAB]  }
0x2b: {  	s6 =	sld [smem:$0x3FAC]  }
0x2c: {  	s7 =	sld [smem:$0x3FAD]  }
0x2d: {  	s3 =	simm.s32 $0x108;
	s8 =	sld [smem:$0x3FAE]  }
0x2e: {  	s3 =	simm.s32 @!p0 $0x1082;
	s9 =	sld [smem:$0x3FAF]  }
0x2f: {  	lr =	sadd.s32 s0, s3;
	s0 =	sld [smem:$0x3FA6]  }
0x30: {  	s3 =	sld [smem:$0x3FA9]  }
0x31: {  	[smem:$0x3FB2] =	sst s10  }
0x32: {  	s10 =	sld [smem:$0x3FB0];
	_ =	sdelay $0x3  }
0x33: {  	p0 =	seq.s32 s10, $0x1;
	s10 =	sld [smem:$0x3FB2];
	_ =	sdelay $0x3  }
0x34: {  	[smem:$0x3FB2] =	sst s10  }
0x35: {  	s10 =	sld [smem:$0x3FB1];
	_ =	sdelay $0x3  }
0x36: {  	p1 =	seq.s32 s10, $0x1;
	s10 =	sld [smem:$0x3FB2];
	_ =	sdelay $0x3  }
0x37: {  	[smem:$0x3FB2] =	sst s10  }
0x38: {  	s10 =	sld [smem:$0x3FB3]  }
0x39: {  	_ = 	snop;
	(pc) =	sbr.ind lr, $3  }
0x3a: {  	_ = 	snop  }
0x3b: {  	_ = 	snop  }
0x3c: {  	p2 =	seq.s32 s10, $0x1;
	s10 =	sld [smem:$0x3FB2]  }
0x3d: {  	_ =	shalt  }
0x3e: {  	_ =	shalt  }
0x3f: {  	_ =	shalt  }
0x40: {  	_ =	shalt  }
0x41: {  	_ =	shalt  }
0x42: {  	_ =	shalt  }
0x43: {  	_ =	shalt  }
0x44: {  	_ =	shalt  }
0x45: {  	_ =	shalt  }
0x46: {  	_ =	shalt  }
0x47: {  	_ =	shalt  }
0x48: {  	_ =	shalt  }
0x49: {  	_ =	shalt  }
0x4a: {  	_ =	shalt  }
0x4b: {  	_ =	shalt  }
0x4c: {  	_ =	shalt  }
0x4d: {  	_ =	shalt  }
0x4e: {  	_ =	shalt  }
0x4f: {  	_ =	shalt  }
0x50: {  	_ =	shalt  }
0x51: {  	_ =	shalt  }
0x52: {  	_ =	shalt  }
0x53: {  	_ =	shalt  }
0x54: {  	_ =	shalt  }
0x55: {  	_ =	shalt  }
0x56: {  	_ =	shalt  }
0x57: {  	_ =	shalt  }
0x58: {  	_ =	shalt  }
0x59: {  	_ =	shalt  }
0x5a: {  	_ =	shalt  }
0x5b: {  	_ =	shalt  }
0x5c: {  	_ =	shalt  }
0x5d: {  	_ =	shalt  }
0x5e: {  	_ =	shalt  }
0x5f: {  	_ =	shalt  }
0x60: {  	_ =	shalt  }
0x61: {  	_ =	shalt  }
0x62: {  	_ =	shalt  }
0x63: {  	_ =	shalt  }
0x64: {  	_ =	shalt  }
0x65: {  	_ =	shalt  }
0x66: {  	_ =	shalt  }
0x67: {  	_ =	shalt  }
0x68: {  	_ =	shalt  }
0x69: {  	_ =	shalt  }
0x6a: {  	_ =	shalt  }
0x6b: {  	_ =	shalt  }
0x6c: {  	_ =	shalt  }
0x6d: {  	_ =	shalt  }
0x6e: {  	_ =	shalt  }
0x6f: {  	_ =	shalt  }
0x70: {  	_ =	shalt  }
0x71: {  	_ =	shalt  }
0x72: {  	_ =	shalt  }
0x73: {  	_ =	shalt  }
0x74: {  	_ =	shalt  }
0x75: {  	_ =	shalt  }
0x76: {  	_ =	shalt  }
0x77: {  	_ =	shalt  }
0x78: {  	_ =	shalt  }
0x79: {  	_ =	shalt  }
0x7a: {  	_ =	shalt  }
0x7b: {  	_ =	shalt  }
0x7c: {  	_ =	shalt  }
0x7d: {  	_ =	shalt  }
0x7e: {  	_ =	shalt  }
0x7f: {  	_ =	shalt  }
0x80: {  	_ =	shalt  }
0x81: {  	_ =	shalt  }
0x82: {  	_ =	shalt  }
0x83: {  	_ =	shalt  }
0x84: {  	_ =	shalt  }
0x85: {  	_ =	shalt  }
0x86: {  	_ =	shalt  }
0x87: {  	_ =	shalt  }
.Lfunc_end0:
.L_simem_size_0:
called_computation_lowered:
.L_overlay_start_0:
0x88: {  	s2 =	sld [smem:$0x3FD9]  }
0x89: {  	s3 =	sld [smem:$0x3FFE];
	_ =	sdelay $0x1  }
0x8a: {  	s1 =	srdreg.scid  }
0x8b: {  	s0 =	sand.u32 $0x1, s1  }
0x8c: {  	s16 =	sshll.u32 s0, $0xA;
	s2 =	sadd.s32 s3, s2  }
0x8d: {  	s2 =	sadd.s32 s2, s16  }
0x8e: {  	[smem:$0x3FBE] =	sst s2  }
0x8f: {  	_ = 	snop  }
0x90: {  	(tm) =	ssettm $0x1  }
0x91: {  	s17 =	sld [smem:$0x3FFB];
	_ =	sdelay $0x3  }
0x92: {  	_ =	strace s17  }
0x93: {  	s2 =	sld [smem:$0x3FFC];
	_ =	sdelay $0x3  }
0x94: {  	_ =	strace s2  }
0x95: {  	s2 =	sld [smem:$0x3FFD];
	_ =	sdelay $0x3  }
0x96: {  	_ =	strace s2  }
0x97: {  	_ =	strace $0x8FFFFFFF  }
0x98: {  	s18 =	sld [smem:$0x3FDB];
	_ =	sdelay $0x1  }
0x99: {  	s19 =	simm.s32 $_scs_section_size  }
0x9a: {  	s4 =	simm.s32 $_size__tile_overlayer_lowered;
	s5 =	simm.s32 $_tile_overlayer_lowered  }
0x9b: {  	s22 =	simm.s32 $0x1BFF;
	s21 =	sshll.u32 s5, $0x1;
	s2 =	sadd.s32 s19, s18  }
0x9c: {  	s6 =	simm.s32 $0x0;
	s20 =	sshll.u32 s4, $0x1;
	s4 =	sadd.s32 s21, s2  }
0x9d: {  	[timem:s6], [sflag:s22] =	dma.local [hbm:s4], s20  }
0x9e: {  	_ =	swait.ge [sflag:s22], s20  }
0x9f: {  	s3 =	ssub.s32 $0x0, s20;
	[sflag:s22] =	ssyncset.done $0x0  }
0xa0: {  	[sflag:s22] =	ssyncadd.s32 s3;
	_ =	sdelay $0x1  }
0xa1: {  	s23 =	simm.s32 $0x1B8B  }
0xa2: {  	_ =	swait.ge [sflag:s23], $0x1  }
0xa3: {  	[sflag:s23] =	ssyncset.done $0x0  }
0xa4: {  	s25 =	simm.s32 $0x1B8E;
	s24 =	sld [smem:$0x3FFE];
	[sflag:s23] =	ssyncadd.s32 $0xFFFFFFFF  }
0xa5: {  	s26 =	simm.s32 $execute0_lowered;
	[smem:$0x3FD2] =	sst s25  }
0xa6: {  	s4 =	sshll.u32 s26, $0x1;
	_ =	strace $0x80000046;
	[dreg:$0x1] =	wrdreg $0xFFFFFFFF  }
0xa7: {  	s28 =	simm.s32 $_size_execute0_lowered;
	s2 =	sadd.s32 s2, s4;
	[dreg:$0x0] =	wrdreg $0x0  }
0xa8: {  	s4 =	sshll.u32 s28, $0x1;
	[dreg:$0x2] =	wrdreg s2  }
0xa9: {  	[dreg:$0x3] =	wrdreg s4  }
0xaa: {  	[dreg:$0x4] =	wrdreg $0xC0  }
0xab: {  	_ =	task [dreg:s6], $0x5FFFF  }
0xac: {  	[dreg:$0x1] =	wrdreg $0xFFFFFFFF  }
0xad: {  	[dreg:$0x0] =	wrdreg $0x60  }
0xae: {  	[dreg:$0x2] =	wrdreg s24  }
0xaf: {  	[dreg:$0x3] =	wrdreg $0x10C000  }
0xb0: {  	[dreg:$0x4] =	wrdreg $0x134000  }
0xb1: {  	[dreg:$0x5] =	wrdreg $0x9  }
0xb2: {  	_ =	task.clear_ibuf [dreg:s6], $0x6FFFF;
	_ =	strace $0x90000046  }
0xb3: {  	s29 =	simm.s32 $0x9;
	_ =	strace $0x80000048  }
0xb4: {  	_ =	swait.ge [sflag:s29], $0x1  }
0xb5: {  	[sflag:s29] =	ssyncadd.s32 $0xFFFFFFFF  }
0xb6: {  	_ =	strace $0x90000048  }
0xb7: {  	_ =	sfence  }
0xb8: {  	s30 =	sld [smem:$0x0];
	_ =	sdelay $0x2  }
0xb9: {  	s31 =	sshll.u32 s1, $0xD;
	s1 =	sshrl.u32 s1, $0x2  }
0xba: {  	s3 =	sand.u32 $0x4000, s31;
	s1 =	sadd.s32 s1, s30  }
0xbb: {  	s0 =	sor.u32 s3, s0;
	s1 =	sshll.u32 s1, $0x11  }
0xbc: {  	s0 =	sor.u32 s1, s0  }
0xbd: {  	s0 =	sadd.s32 $0x8F2B, s0  }
0xbe: {  	[sflag:s0] =	ssyncadd.remote.s32 $0x1  }
0xbf: {  	_ =	sfence.sel $0xFFFF  }
0xc0: {  	[dreg:$0x0] =	wrdreg $0xFFFFFFFF;
	(pc) =	sbr.abs _section_cstart, $3  }
0xc1: {  	[dreg:$0x1] =	wrdreg $0xFFFFFFFF  }
0xc2: {  	_ =	task.clear_ibuf [dreg:s6], $0x2FFFF;
	_ =	strace $0x9FFFFFFF  }
0xc3: {  	(tm) =	ssettm $0x7FFFFFFF  }
tec
execute0_lowered:
.L_overlay_start_1:
0x0: {  	(tag) =	ssettag $0x1  }
0x1: {  	s0 =	srdreg.scid;
	s1 =	rddreg [dreg:$0x0]  }
0x2: {  	s11 =	stileid.u32;
	s2 =	rddreg [dreg:$0x1]  }
0x3: {  	s7 =	simm.s32 $0x0;
	s14 =	simm.s32 $0x9;
	s18 =	simm.s32 $0x2800  }
0x4: {  	s19 =	simm.s32 $0x80;
	s28 =	simm.s32 $0x2;
	s29 =	simm.s32 $0x6  }
0x5: {  	s30 =	simm.s32 $0xF400;
	s31 =	simm.s32 $0x3;
	s4 =	smul.u32 $0xF000, s11  }
0x6: {  	s17 =	simm.s32 $0x4;
	s0 =	sand.u32 $0x1, s0;
	s6 =	smul.u32 $0x2800, s11  }
0x7: {  	[smem:$0x7FF] =	sst s7;
	s23 =	sshll.u32 s11, $0x6;
	s3 =	sshll.u32 s0, $0x4  }
0x8: {  	s8 =	smul.u32 $0x28000, s0;
	s0 =	ssub.s32 $0x2, s0;
	s5 =	sor.u32 s11, s3  }
0x9: {  	s3 =	rddreg [dreg:$0x2];
	s21 =	sshrl.u32 s4, $0x4;
	_ =	strace $0x80000047  }
0xa: {  	s9 =	sshrl.u32 s6, $0x3;
	s10 =	sshrl.u32 s0, $0x1;
	s4 =	sshrl.u32 s4, $0x1  }
0xb: {  	s5 =	smul.u32 $0x280, s5;
	s7 =	sadd.s32 s21, s1;
	s9 =	sadd.s32 s9, s1  }
0xc: {  	s8 =	sadd.s32 s6, s8;
	s0 =	ssub.s32 s0, s10;
	s22 =	sadd.s32 $0x32A00, s9  }
0xd: {  	s4 =	sadd.s32 s4, s3;
	s7 =	sadd.s32 $0xA00, s7;
	[dreg:$0x4] =	wrdreg s22  }
0xe: {  	s8 =	sshrl.u32 s8, $0x3;
	s0 =	smax.u32 s0, $0x1;
	[dreg:$0x6] =	wrdreg s7  }
0xf: {  	s26 =	sshrl.u32 s4, $0x3;
	s5 =	sadd.s32 s5, s1;
	[dreg:$0xb] =	wrdreg s0  }
0x10: {  	s1 =	sadd.s32 s8, s1;
	s8 =	sor.u32 $0x1C09, s23;
	[dreg:$0xd] =	wrdreg s26  }
0x11: {  	s16 =	simm.s32 $0x10400;
	s24 =	sadd.s32 $0x2DA00, s5;
	[dreg:$0x5] =	wrdreg s8  }
0x12: {  	s6 =	sadd.s32 s6, s2;
	s25 =	sadd.s32 $0x28A00, s5;
	[dreg:$0x7] =	wrdreg s24  }
0x13: {  	s23 =	simm.s32 $0xBC00;
	s5 =	sadd.s32 $0xFA00, s5;
	[dreg:$0x8] =	wrdreg s25  }
0x14: {  	s26 =	simm.s32 $0xEC00;
	s1 =	sadd.s32 $0x37A00, s1;
	[dreg:$0x9] =	wrdreg s5  }
0x15: {  	s0 =	simm.s32 $0xFC00;
	s22 =	simm.s32 $0x8;
	[dreg:$0xa] =	wrdreg s1  }
0x16: {  	s5 =	sshrl.u32 s6, $0x3;
	s24 =	simm.s32 $0xD400;
	s25 =	simm.s32 $0x1  }
0x17: {  	s1 =	simm.s32 $0x7;
	s6 =	simm.s32 $0x0;
	[dreg:$0xc] =	wrdreg s5  }
.LBB2_1:
0x18: {  	[dreg:$0xe] =	wrdreg s6  }
0x19: {  	s4 =	rddreg [dreg:$0x4]  }
0x1a: {  	[spmem:s5], [sflag:s8] =	dma.local [hbm:s4], $0x500  }
0x1b: {  	_ =	swait.ge [sflag:s14], $0x500  }
0x1c: {  	[sflag:s14] =	ssyncset.done $0x0;
	s6 =	rddreg [dreg:$0x6]  }
0x1d: {  	s7 =	rddreg [dreg:$0xd];
	[sflag:s14] =	ssyncadd.s32 $0xFFFFFB00  }
0x1e: {  	[spmem:s7], [sflag:s8] =	dma.local [hbm:s6], $0xF00  }
0x1f: {  	_ =	swait.ge [sflag:s14], $0xF00  }
0x20: {  	[sflag:s14] =	ssyncset.done $0x0  }
0x21: {  	s9 =	simm.s32 $0x0;
	s10 =	rddreg [dreg:$0x7];
	[sflag:s14] =	ssyncadd.s32 $0xFFFFF100  }
0x22: {  	[tilespmem:s9], [sflag:$0x9] =	stream.linear.gather [hbm4b:s10+s9], $0x1400, $0x38;
	[tilespmem:$0x1AC00] =	vst v63  }
0x23: {  	_ =	swait.ge [sflag:s14], $0x1400  }
0x24: {  	[sflag:s14] =	ssyncset.done $0x0  }
0x25: {  	s12 =	simm.s32 $0x1400;
	s11 =	rddreg [dreg:$0x8];
	[sflag:s14] =	ssyncadd.s32 $0xFFFFEC00  }
0x26: {  	[tilespmem:s12], [sflag:$0x9] =	stream.linear.gather [hbm4b:s11+s9], $0x1400, $0x38;
	[tilespmem:$0x1AC00] =	vst v63  }
0x27: {  	_ =	swait.ge [sflag:s14], $0x1400  }
0x28: {  	[sflag:s14] =	ssyncset.done $0x0  }
0x29: {  	s7 =	simm.s32 $0x28000;
	s13 =	rddreg [dreg:$0x9];
	[sflag:s14] =	ssyncadd.s32 $0xFFFFEC00  }
0x2a: {  	[tilespmem:s18], [sflag:$0x9] =	stream.strided.gather [hbm4b:s13+s12], $0x6400, s7, s12, $0x38;
	[tilespmem:$0x1AC00] =	vst v63  }
0x2b: {  	_ =	swait.ge [sflag:s14], $0x6400  }
0x2c: {  	[sflag:s14] =	ssyncset.done $0x0  }
0x2d: {  	[sflag:s14] =	ssyncadd.s32 $0xFFFF9C00  }
0x2e: {  	s15 =	simm.s32 $0x8C00;
	[bflag:$0x0] =	sbarrier.arrive $0xFFFF  }
0x2f: {  	[tilespmem:s15], [sflag:$0x1] =	stream.indirect.gather [spmem:s3], $0x30, s9, s19, $0xb8;
	[tilespmem:$0x1AC00] =	vst v63  }
0x30: {  	s20 =	simm.s32 $0xA400  }
0x31: {  	[tilespmem:s20], [sflag:$0x2] =	stream.indirect.gather [spmem:s3], $0x30, s19, s19, $0xb8;
	[tilespmem:$0x1AC00] =	vst v63  }
0x32: {  	s21 =	simm.s32 $0x100;
	s8 =	simm.s32 $0x0;
	s9 =	simm.s32 $0x0  }
0x33: {  	[tilespmem:s23], [sflag:$0x3] =	stream.indirect.gather [spmem:s3], $0x30, s21, s19, $0xb8;
	[tilespmem:$0x1AC00] =	vst v63  }
.LBB2_2:
0x34: {  	s4 =	sshllo.u32 s9, $0x2  }
0x35: {  	s10 =	sshll.u32 s4, $0x7  }
0x36: {  	s4 =	sand.u32 $0x3FFFFF80, s10  }
0x37: {  	[tilespmem:s24], [sflag:$0x4] =	stream.indirect.gather [spmem:s3], $0x30, s4, s19, $0xb8;
	[tilespmem:$0x1AC00] =	vst v63  }
0x38: {  	s5 =	sadd.s32 $0xFFFFFFFC, s8;
	_ =	swait.ge [sflag:s25], $0x1800  }
0x39: {  	p0 =	seq.s32 s9, $0x0;
	s13 =	sadd.s32 $0x4, s5;
	[sflag:s25] =	ssyncset.done $0x0  }
0x3a: {  	s6 =	simm.s32 @!p0 $0x5;
	v0 =	vmov s13;
	[sflag:s25] =	ssyncadd.s32 $0xFFFFE800  }
0x3b: {  	v1 =	vand.u32 $0x1E7C, v0;
	_ =	swait.ge @!p0 [sflag:s6], $0x800  }
0x3c: {  	v2 =	vadd.s32 $0x1400, v1;
	[sflag:s6] =	ssyncset.done @!p0 $0x0  }
0x3d: {  	s15 =	simm.s32 $0x8C60;
	[sflag:s6] =	ssyncadd.s32 @!p0 $0xFFFFF800  }
0x3e: {  	v3 =	vadd.s32 $0x2800, v1;
	v4 =	vld [tilespmem:s15+$0xFFFFFFA0]  }
0x3f: {  	v0 =	vld.idx.msk [tilespmem:v0+s18+$0x0], $0xffff  }
0x40: {  	v1 =	vadd.s32 $0x3C00, v1;
	v5 =	vld [tilespmem:s15+$0xFFFFFFC0]  }
0x41: {  	v2 =	vld.idx.msk [tilespmem:v2+s18+$0x0], $0xffff  }
0x42: {  	v6 =	vld [tilespmem:s15+$0xFFFFFFB0]  }
0x43: {  	v3 =	vld.idx.msk [tilespmem:v3+s18+$0x0], $0xffff;
	v7 =	vunpack.i.l.bf16.f32 v4  }
0x44: {  	v0 =	vmul.f32 v0, v7  }
0x45: {  	v1 =	vld.idx.msk [tilespmem:v1+s18+$0x0], $0xffff;
	v4 =	vunpack.i.u.bf16.f32 v4;
	v5 =	vunpack.i.l.bf16.f32 v5  }
0x46: {  	v2 =	vmul.f32 v2, v4;
	v0 =	vadd.f32 v0, v5  }
0x47: {  	v49 =	vunpack.i.l.bf16.f32 v6  }
0x48: {  	v0 =	vadd.f32 v2, v0;
	v2 =	vmul.f32 v3, v49  }
0x49: {  	v3 =	vunpack.i.u.bf16.f32 v6  }
0x4a: {  	s20 =	sadd.s32 $0x5, s5;
	v1 =	vmul.f32 v1, v3;
	v0 =	vadd.f32 v2, v0  }
0x4b: {  	v2 =	vmov s20  }
0x4c: {  	v3 =	vand.u32 $0x1E7D, v2;
	v0 =	vadd.f32 v1, v0  }
0x4d: {  	s11 =	simm.s32 $0xEC20;
	v1 =	vadd.s32 $0x1400, v3  }
0x4e: {  	[tilespmem:s11+$0xFFFFFFE0] =	vst v0  }
0x4f: {  	v0 =	vadd.s32 $0x2800, v3;
	v50 =	vld [tilespmem:s15+$0xFFFFFFD0]  }
0x50: {  	v2 =	vld.idx.msk [tilespmem:v2+s18+$0x0], $0xffff  }
0x51: {  	v3 =	vadd.s32 $0x3C00, v3;
	v51 =	vld [tilespmem:s15+$0xFFFFFFF0]  }
0x52: {  	v1 =	vld.idx.msk [tilespmem:v1+s18+$0x0], $0xffff  }
0x53: {  	v52 =	vld [tilespmem:s15+$0xFFFFFFE0]  }
0x54: {  	v0 =	vld.idx.msk [tilespmem:v0+s18+$0x0], $0xffff;
	v53 =	vunpack.i.l.bf16.f32 v50  }
0x55: {  	v2 =	vmul.f32 v2, v53  }
0x56: {  	v3 =	vld.idx.msk [tilespmem:v3+s18+$0x0], $0xffff;
	v4 =	vunpack.i.u.bf16.f32 v50;
	v5 =	vunpack.i.l.bf16.f32 v51  }
0x57: {  	v1 =	vmul.f32 v1, v4;
	v2 =	vadd.f32 v2, v5  }
0x58: {  	v54 =	vunpack.i.l.bf16.f32 v52  }
0x59: {  	v0 =	vmul.f32 v0, v54;
	v1 =	vadd.f32 v1, v2  }
0x5a: {  	v2 =	vunpack.i.u.bf16.f32 v52  }
0x5b: {  	s21 =	sadd.s32 $0x6, s5;
	v0 =	vadd.f32 v0, v1;
	v1 =	vmul.f32 v3, v2  }
0x5c: {  	v2 =	vmov s21  }
0x5d: {  	v3 =	vand.u32 $0x1E7E, v2;
	v0 =	vadd.f32 v1, v0  }
0x5e: {  	v1 =	vadd.s32 $0x1400, v3  }
0x5f: {  	[tilespmem:s11+$0xFFFFFFF0] =	vst v0  }
0x60: {  	v0 =	vadd.s32 $0x2800, v3;
	v55 =	vld [tilespmem:s15+$0x0]  }
0x61: {  	v2 =	vld.idx.msk [tilespmem:v2+s18+$0x0], $0xffff  }
0x62: {  	v3 =	vadd.s32 $0x3C00, v3;
	v56 =	vld [tilespmem:s15+$0x20]  }
0x63: {  	v1 =	vld.idx.msk [tilespmem:v1+s18+$0x0], $0xffff  }
0x64: {  	v57 =	vld [tilespmem:s15+$0x10]  }
0x65: {  	v0 =	vld.idx.msk [tilespmem:v0+s18+$0x0], $0xffff;
	v58 =	vunpack.i.l.bf16.f32 v55  }
0x66: {  	v2 =	vmul.f32 v2, v58  }
0x67: {  	v3 =	vld.idx.msk [tilespmem:v3+s18+$0x0], $0xffff;
	v4 =	vunpack.i.u.bf16.f32 v55;
	v5 =	vunpack.i.l.bf16.f32 v56  }
0x68: {  	v1 =	vmul.f32 v1, v4;
	v2 =	vadd.f32 v2, v5  }
0x69: {  	v59 =	vunpack.i.l.bf16.f32 v57  }
0x6a: {  	v0 =	vmul.f32 v0, v59;
	v1 =	vadd.f32 v1, v2  }
0x6b: {  	v2 =	vunpack.i.u.bf16.f32 v57  }
0x6c: {  	s5 =	sadd.s32 $0x7, s5;
	v0 =	vadd.f32 v0, v1;
	v1 =	vmul.f32 v3, v2  }
0x6d: {  	v2 =	vmov s5  }
0x6e: {  	v0 =	vadd.f32 v1, v0  }
0x6f: {  	v1 =	vand.u32 $0x1E7F, v2  }
0x70: {  	v3 =	vadd.s32 $0x1400, v1;
	[tilespmem:s11+$0x0] =	vst v0  }
0x71: {  	v60 =	vadd.s32 $0x2800, v1;
	v0 =	vld [tilespmem:s15+$0x30]  }
0x72: {  	v1 =	vadd.s32 $0x3C00, v1;
	v2 =	vld.idx.msk [tilespmem:v2+s18+$0x0], $0xffff  }
0x73: {  	v61 =	vld [tilespmem:s15+$0x50]  }
0x74: {  	v62 =	vld [tilespmem:s15+$0x40]  }
0x75: {  	v3 =	vld.idx.msk [tilespmem:v3+s18+$0x0], $0xffff  }
0x76: {  	v4 =	vld.idx.msk [tilespmem:v60+s18+$0x0], $0xffff  }
0x77: {  	v8 =	vld.idx.msk [tilespmem:v1+s18+$0x0], $0xffff;
	v63 =	vunpack.i.l.bf16.f32 v0  }
0x78: {  	v1 =	vmul.f32 v2, v63  }
0x79: {  	v0 =	vunpack.i.u.bf16.f32 v0;
	v2 =	vunpack.i.l.bf16.f32 v61  }
0x7a: {  	v1 =	vadd.f32 v1, v2;
	v0 =	vmul.f32 v3, v0  }
0x7b: {  	s12 =	sshll.u32 s9, $0x9;
	s13 =	simm.s32 $0x4;
	v2 =	vunpack.i.l.bf16.f32 v62;
	v3 =	vunpack.i.u.bf16.f32 v62  }
0x7c: {  	s4 =	simm.s32 $0x8D20;
	s6 =	simm.s32 $0xEC20;
	s5 =	sadd.s32 $0x0, s8;
	v2 =	vmul.f32 v4, v2;
	v1 =	vadd.f32 v0, v1;
	v0 =	vmul.f32 v8, v3  }
.LBB2_3:
0x7d: {  	s15 =	sadd.s32 $0x4, s5  }
0x7e: {  	s11 =	sadd.s32 $0x40, s11;
	s7 =	smov.u32 s13;
	s13 =	sadd.s32 $0x4, s13  }
0x7f: {  	v1 =	vadd.f32 v2, v1;
	p1 =	slt.u32 s13, $0x7C;
	v3 =	vmov s15  }
0x80: {  	v2 =	vand.u32 $0x1E7C, v3  }
0x81: {  	v0 =	vadd.f32 v0, v1;
	v4 =	vadd.s32 $0x1400, v2;
	v5 =	vadd.s32 $0x2800, v2  }
0x82: {  	v1 =	vadd.s32 $0x3C00, v2  }
0x83: {  	[tilespmem:s6+$0x10] =	vst v0;
	s6 =	smov.u32 s11  }
0x84: {  	v0 =	vld.idx.msk [tilespmem:v3+s18+$0x0], $0xffff  }
0x85: {  	v2 =	vld [tilespmem:s4+$0xFFFFFFA0]  }
0x86: {  	v3 =	vld.idx.msk [tilespmem:v4+s18+$0x0], $0xffff  }
0x87: {  	v4 =	vld [tilespmem:s4+$0xFFFFFFC0]  }
0x88: {  	v5 =	vld.idx.msk [tilespmem:v5+s18+$0x0], $0xffff  }
0x89: {  	v6 =	vld [tilespmem:s4+$0xFFFFFFB0]  }
0x8a: {  	v7 =	vunpack.i.u.bf16.f32 v2;
	v2 =	vunpack.i.l.bf16.f32 v2  }
0x8b: {  	v0 =	vmul.f32 v0, v2;
	v1 =	vld.idx.msk [tilespmem:v1+s18+$0x0], $0xffff  }
0x8c: {  	v3 =	vmul.f32 v3, v7;
	v2 =	vunpack.i.l.bf16.f32 v4  }
0x8d: {  	v0 =	vadd.f32 v0, v2  }
0x8e: {  	v2 =	vunpack.i.l.bf16.f32 v6  }
0x8f: {  	v0 =	vadd.f32 v3, v0;
	v2 =	vmul.f32 v5, v2  }
0x90: {  	s15 =	sadd.s32 $0x5, s5;
	v3 =	vunpack.i.u.bf16.f32 v6  }
0x91: {  	v1 =	vmul.f32 v1, v3;
	v0 =	vadd.f32 v2, v0;
	v2 =	vmov s15  }
0x92: {  	v3 =	vand.u32 $0x1E7D, v2  }
0x93: {  	v0 =	vadd.f32 v1, v0;
	v1 =	vadd.s32 $0x1400, v3;
	_ =	sdelay $0x1  }
0x94: {  	[tilespmem:s11+$0xFFFFFFE0] =	vst v0;
	v0 =	vadd.s32 $0x2800, v3  }
0x95: {  	v4 =	vld [tilespmem:s4+$0xFFFFFFD0]  }
0x96: {  	v2 =	vld.idx.msk [tilespmem:v2+s18+$0x0], $0xffff  }
0x97: {  	v3 =	vadd.s32 $0x3C00, v3;
	v1 =	vld.idx.msk [tilespmem:v1+s18+$0x0], $0xffff  }
0x98: {  	v5 =	vld [tilespmem:s4+$0xFFFFFFF0]  }
0x99: {  	v0 =	vld.idx.msk [tilespmem:v0+s18+$0x0], $0xffff  }
0x9a: {  	v6 =	vunpack.i.u.bf16.f32 v4;
	v7 =	vld [tilespmem:s4+$0xFFFFFFE0]  }
0x9b: {  	v4 =	vunpack.i.l.bf16.f32 v4  }
0x9c: {  	v2 =	vmul.f32 v2, v4;
	v3 =	vld.idx.msk [tilespmem:v3+s18+$0x0], $0xffff  }
0x9d: {  	v1 =	vmul.f32 v1, v6;
	v4 =	vunpack.i.l.bf16.f32 v5  }
0x9e: {  	v2 =	vadd.f32 v2, v4  }
0x9f: {  	v4 =	vunpack.i.u.bf16.f32 v7;
	v5 =	vunpack.i.l.bf16.f32 v7  }
0xa0: {  	v1 =	vadd.f32 v1, v2;
	v0 =	vmul.f32 v0, v5  }
0xa1: {  	s15 =	sadd.s32 $0x6, s5  }
0xa2: {  	v2 =	vmov s15;
	v0 =	vadd.f32 v0, v1;
	v1 =	vmul.f32 v3, v4  }
0xa3: {  	v3 =	vand.u32 $0x1E7E, v2  }
0xa4: {  	v0 =	vadd.f32 v1, v0;
	v1 =	vadd.s32 $0x1400, v3;
	_ =	sdelay $0x1  }
0xa5: {  	[tilespmem:s11+$0xFFFFFFF0] =	vst v0;
	v0 =	vadd.s32 $0x2800, v3  }
0xa6: {  	v4 =	vld [tilespmem:s4+$0x0]  }
0xa7: {  	v2 =	vld.idx.msk [tilespmem:v2+s18+$0x0], $0xffff  }
0xa8: {  	v3 =	vadd.s32 $0x3C00, v3;
	v1 =	vld.idx.msk [tilespmem:v1+s18+$0x0], $0xffff  }
0xa9: {  	v5 =	vld [tilespmem:s4+$0x20]  }
0xaa: {  	v0 =	vld.idx.msk [tilespmem:v0+s18+$0x0], $0xffff  }
0xab: {  	v6 =	vunpack.i.l.bf16.f32 v4;
	v7 =	vld [tilespmem:s4+$0x10];
	_ =	sdelay $0x1  }
0xac: {  	v2 =	vmul.f32 v2, v6;
	v3 =	vld.idx.msk [tilespmem:v3+s18+$0x0], $0xffff  }
0xad: {  	v4 =	vunpack.i.u.bf16.f32 v4;
	v5 =	vunpack.i.l.bf16.f32 v5  }
0xae: {  	v1 =	vmul.f32 v1, v4;
	v2 =	vadd.f32 v2, v5  }
0xaf: {  	v4 =	vunpack.i.u.bf16.f32 v7;
	v5 =	vunpack.i.l.bf16.f32 v7  }
0xb0: {  	v1 =	vadd.f32 v1, v2;
	v0 =	vmul.f32 v0, v5;
	_ =	sdelay $0x1  }
0xb1: {  	s5 =	sadd.s32 $0x7, s5;
	v0 =	vadd.f32 v0, v1;
	v1 =	vmul.f32 v3, v4  }
0xb2: {  	v2 =	vmov s5  }
0xb3: {  	v0 =	vadd.f32 v1, v0;
	v1 =	vand.u32 $0x1E7F, v2  }
0xb4: {  	v3 =	vadd.s32 $0x1400, v1  }
0xb5: {  	[tilespmem:s11+$0x0] =	vst v0  }
0xb6: {  	v4 =	vadd.s32 $0x2800, v1;
	v0 =	vld [tilespmem:s4+$0x30]  }
0xb7: {  	v1 =	vadd.s32 $0x3C00, v1;
	v2 =	vld.idx.msk [tilespmem:v2+s18+$0x0], $0xffff  }
0xb8: {  	v5 =	vld [tilespmem:s4+$0x50]  }
0xb9: {  	v3 =	vld.idx.msk [tilespmem:v3+s18+$0x0], $0xffff  }
0xba: {  	v6 =	vld [tilespmem:s4+$0x40]  }
0xbb: {  	v7 =	vunpack.i.u.bf16.f32 v0;
	v0 =	vunpack.i.l.bf16.f32 v0;
	v4 =	vld.idx.msk [tilespmem:v4+s18+$0x0], $0xffff  }
0xbc: {  	v8 =	vld.idx.msk [tilespmem:v1+s18+$0x0], $0xffff  }
0xbd: {  	v0 =	vmul.f32 v2, v0  }
.Ltmp0:
0xbe: {  	v1 =	vunpack.i.l.bf16.f32 v5;
	(pc) =	sbr.rel @p1 .LBB2_3-.Ltmp0, $4  }
0xbf: {  	v0 =	vadd.f32 v0, v1;
	v1 =	vmul.f32 v3, v7;
	v2 =	vunpack.i.l.bf16.f32 v6  }
0xc0: {  	v3 =	vunpack.i.u.bf16.f32 v6  }
0xc1: {  	v1 =	vadd.f32 v1, v0;
	v2 =	vmul.f32 v4, v2  }
0xc2: {  	s5 =	sadd.s32 s7, s8;
	s4 =	sadd.s32 $0xC0, s4;
	v0 =	vmul.f32 v8, v3  }
0xc3: {  	s7 =	sadd.s32 $0x4, s5;
	v1 =	vadd.f32 v2, v1  }
0xc4: {  	v26 =	vmov s7  }
0xc5: {  	v3 =	vand.u32 $0x1E7C, v26;
	v0 =	vadd.f32 v0, v1  }
0xc6: {  	v27 =	vadd.s32 $0x1400, v3  }
0xc7: {  	[tilespmem:s6+$0x10] =	vst v0  }
0xc8: {  	v28 =	vadd.s32 $0x2800, v3;
	v4 =	vld [tilespmem:s4+$0xFFFFFFA0]  }
0xc9: {  	v2 =	vld.idx.msk [tilespmem:v26+s18+$0x0], $0xffff  }
0xca: {  	v3 =	vadd.s32 $0x3C00, v3;
	v5 =	vld [tilespmem:s4+$0xFFFFFFC0]  }
0xcb: {  	v1 =	vld.idx.msk [tilespmem:v27+s18+$0x0], $0xffff  }
0xcc: {  	v6 =	vld [tilespmem:s4+$0xFFFFFFB0]  }
0xcd: {  	v0 =	vld.idx.msk [tilespmem:v28+s18+$0x0], $0xffff;
	v7 =	vunpack.i.l.bf16.f32 v4  }
0xce: {  	v2 =	vmul.f32 v2, v7  }
0xcf: {  	v3 =	vld.idx.msk [tilespmem:v3+s18+$0x0], $0xffff;
	v4 =	vunpack.i.u.bf16.f32 v4;
	v5 =	vunpack.i.l.bf16.f32 v5  }
0xd0: {  	v1 =	vmul.f32 v1, v4;
	v2 =	vadd.f32 v2, v5  }
0xd1: {  	v29 =	vunpack.i.l.bf16.f32 v6  }
0xd2: {  	v0 =	vmul.f32 v0, v29;
	v1 =	vadd.f32 v1, v2  }
0xd3: {  	v30 =	vunpack.i.u.bf16.f32 v6  }
0xd4: {  	s7 =	sadd.s32 $0x5, s5;
	v31 =	vmul.f32 v3, v30;
	v0 =	vadd.f32 v0, v1  }
0xd5: {  	v32 =	vmov s7  }
0xd6: {  	v33 =	vand.u32 $0x1E7D, v32;
	v0 =	vadd.f32 v31, v0  }
0xd7: {  	s13 =	sadd.s32 $0x40, s11;
	v34 =	vadd.s32 $0x1400, v33  }
0xd8: {  	[tilespmem:s13+$0xFFFFFFE0] =	vst v0  }
0xd9: {  	v35 =	vadd.s32 $0x2800, v33;
	v36 =	vld [tilespmem:s4+$0xFFFFFFD0]  }
0xda: {  	v2 =	vld.idx.msk [tilespmem:v32+s18+$0x0], $0xffff  }
0xdb: {  	v3 =	vadd.s32 $0x3C00, v33;
	v37 =	vld [tilespmem:s4+$0xFFFFFFF0]  }
0xdc: {  	v1 =	vld.idx.msk [tilespmem:v34+s18+$0x0], $0xffff  }
0xdd: {  	v38 =	vld [tilespmem:s4+$0xFFFFFFE0]  }
0xde: {  	v0 =	vld.idx.msk [tilespmem:v35+s18+$0x0], $0xffff;
	v39 =	vunpack.i.l.bf16.f32 v36  }
0xdf: {  	v2 =	vmul.f32 v2, v39  }
0xe0: {  	v3 =	vld.idx.msk [tilespmem:v3+s18+$0x0], $0xffff;
	v4 =	vunpack.i.u.bf16.f32 v36;
	v5 =	vunpack.i.l.bf16.f32 v37  }
0xe1: {  	v1 =	vmul.f32 v1, v4;
	v2 =	vadd.f32 v2, v5  }
0xe2: {  	v40 =	vunpack.i.l.bf16.f32 v38  }
0xe3: {  	v0 =	vmul.f32 v0, v40;
	v1 =	vadd.f32 v1, v2  }
0xe4: {  	v41 =	vunpack.i.u.bf16.f32 v38  }
0xe5: {  	s15 =	sadd.s32 $0x6, s5;
	v42 =	vmul.f32 v3, v41;
	v0 =	vadd.f32 v0, v1  }
0xe6: {  	v43 =	vmov s15  }
0xe7: {  	v44 =	vand.u32 $0x1E7E, v43;
	v0 =	vadd.f32 v42, v0  }
0xe8: {  	v45 =	vadd.s32 $0x1400, v44  }
0xe9: {  	[tilespmem:s13+$0xFFFFFFF0] =	vst v0  }
0xea: {  	v46 =	vadd.s32 $0x2800, v44;
	v47 =	vld [tilespmem:s4+$0x0]  }
0xeb: {  	v2 =	vld.idx.msk [tilespmem:v43+s18+$0x0], $0xffff  }
0xec: {  	v3 =	vadd.s32 $0x3C00, v44;
	v48 =	vld [tilespmem:s4+$0x20]  }
0xed: {  	v1 =	vld.idx.msk [tilespmem:v45+s18+$0x0], $0xffff  }
0xee: {  	v49 =	vld [tilespmem:s4+$0x10]  }
0xef: {  	v0 =	vld.idx.msk [tilespmem:v46+s18+$0x0], $0xffff;
	v50 =	vunpack.i.l.bf16.f32 v47  }
0xf0: {  	v2 =	vmul.f32 v2, v50  }
0xf1: {  	v3 =	vld.idx.msk [tilespmem:v3+s18+$0x0], $0xffff;
	v4 =	vunpack.i.u.bf16.f32 v47;
	v5 =	vunpack.i.l.bf16.f32 v48  }
0xf2: {  	v1 =	vmul.f32 v1, v4;
	v2 =	vadd.f32 v2, v5  }
0xf3: {  	v51 =	vunpack.i.l.bf16.f32 v49  }
0xf4: {  	v0 =	vmul.f32 v0, v51;
	v1 =	vadd.f32 v1, v2  }
0xf5: {  	v52 =	vunpack.i.u.bf16.f32 v49  }
0xf6: {  	s20 =	sadd.s32 $0x7, s5;
	v53 =	vmul.f32 v3, v52;
	v0 =	vadd.f32 v0, v1  }
0xf7: {  	v54 =	vmov s20  }
0xf8: {  	v55 =	vand.u32 $0x1E7F, v54;
	v0 =	vadd.f32 v53, v0  }
0xf9: {  	v56 =	vadd.s32 $0x1400, v55  }
0xfa: {  	[tilespmem:s13+$0x0] =	vst v0  }
0xfb: {  	v57 =	vadd.s32 $0x2800, v55;
	v0 =	vld [tilespmem:s4+$0x30]  }
0xfc: {  	v2 =	vld.idx.msk [tilespmem:v54+s18+$0x0], $0xffff  }
0xfd: {  	v1 =	vadd.s32 $0x3C00, v55;
	v58 =	vld [tilespmem:s4+$0x50]  }
0xfe: {  	v3 =	vld.idx.msk [tilespmem:v56+s18+$0x0], $0xffff  }
0xff: {  	v59 =	vld [tilespmem:s4+$0x40]  }
0x100: {  	v4 =	vld.idx.msk [tilespmem:v57+s18+$0x0], $0xffff;
	v60 =	vunpack.i.l.bf16.f32 v0  }
0x101: {  	v2 =	vmul.f32 v2, v60  }
0x102: {  	v1 =	vld.idx.msk [tilespmem:v1+s18+$0x0], $0xffff;
	v0 =	vunpack.i.u.bf16.f32 v0;
	v5 =	vunpack.i.l.bf16.f32 v58  }
0x103: {  	v0 =	vmul.f32 v3, v0;
	v2 =	vadd.f32 v2, v5  }
0x104: {  	v61 =	vunpack.i.l.bf16.f32 v59  }
0x105: {  	v62 =	vmul.f32 v4, v61;
	v0 =	vadd.f32 v0, v2  }
0x106: {  	v63 =	vunpack.i.u.bf16.f32 v59  }
0x107: {  	p1 =	sne.s32 s9, $0x9;
	v1 =	vmul.f32 v1, v63;
	v0 =	vadd.f32 v62, v0  }
.Ltmp1:
0x108: {  	_ = 	snop;
	(pc) =	sbr.rel @p1 .LBB2_6-.Ltmp1, $4  }
0x109: {  	s21 =	sshll.u32 s9, $0xB;
	v0 =	vadd.f32 v1, v0  }
0x10a: {  	s11 =	sshrl.u32 s21, $0x2  }
0x10b: {  	s4 =	sadd.s32 $0x1400, s11;
	[tilespmem:s13+$0x10] =	vst v0  }
0x10c: {  	[spmem:s2] =	stream.indirect.scatter.add.f32 [tilespmem:s26], [sflag:$0x5], $0x10, s4, s19, $0xb8;
	[tilespmem:$0x1AC00] =	vst v63  }
.Ltmp2:
0x10d: {  	(pc) =	sbr.rel .LBB2_7-.Ltmp2, $4  }
0x10e: {  	_ = 	snop  }
0x10f: {  	_ =	swait.ge [sflag:s28], $0x1800  }
0x110: {  	[sflag:s28] =	ssyncset.done $0x0  }
0x111: {  	[sflag:s28] =	ssyncadd.s32 $0xFFFFE800  }
.LBB2_6:
.Ltmp3:
0x112: {  	s4 =	sadd.s32 $0x200, s11;
	s5 =	simm.s32 $0x8C00;
	(pc) =	sbr.rel @p0 .LBB2_8-.Ltmp3, $4  }
0x113: {  	[tilespmem:s5], [sflag:$0x1] =	stream.indirect.gather [spmem:s3], $0x30, s4, s19, $0xb8;
	[tilespmem:$0x1AC00] =	vst v63  }
0x114: {  	_ =	swait.ge [sflag:s28], $0x1800  }
0x115: {  	[sflag:s28] =	ssyncset.done $0x0  }
0x116: {  	[sflag:s28] =	ssyncadd.s32 $0xFFFFE800  }
.LBB2_7:
0x117: {  	_ =	swait.ge [sflag:s29], $0x800  }
0x118: {  	[sflag:s29] =	ssyncset.done $0x0  }
0x119: {  	[sflag:s29] =	ssyncadd.s32 $0xFFFFF800  }
.LBB2_8:
0x11a: {  	s6 =	sadd.s32 $0xFFFFFFFC, s8  }
0x11b: {  	s4 =	sadd.s32 $0x84, s6  }
0x11c: {  	v0 =	vmov s4  }
0x11d: {  	v1 =	vand.u32 $0x1EFC, v0  }
0x11e: {  	v2 =	vadd.s32 $0x1400, v1  }
0x11f: {  	s5 =	simm.s32 $0xA460  }
0x120: {  	v4 =	vld [tilespmem:s5+$0xFFFFFFA0];
	v3 =	vadd.s32 $0x2800, v1  }
0x121: {  	v0 =	vld.idx.msk [tilespmem:v0+s18+$0x0], $0xffff  }
0x122: {  	v5 =	vld [tilespmem:s5+$0xFFFFFFC0];
	v1 =	vadd.s32 $0x3C00, v1  }
0x123: {  	v2 =	vld.idx.msk [tilespmem:v2+s18+$0x0], $0xffff  }
0x124: {  	v6 =	vld [tilespmem:s5+$0xFFFFFFB0]  }
0x125: {  	v7 =	vunpack.i.l.bf16.f32 v4;
	v3 =	vld.idx.msk [tilespmem:v3+s18+$0x0], $0xffff  }
0x126: {  	v0 =	vmul.f32 v0, v7  }
0x127: {  	v4 =	vunpack.i.u.bf16.f32 v4;
	v5 =	vunpack.i.l.bf16.f32 v5;
	v1 =	vld.idx.msk [tilespmem:v1+s18+$0x0], $0xffff  }
0x128: {  	v2 =	vmul.f32 v2, v4;
	v0 =	vadd.f32 v0, v5  }
0x129: {  	v49 =	vunpack.i.l.bf16.f32 v6  }
0x12a: {  	v0 =	vadd.f32 v2, v0;
	v2 =	vmul.f32 v3, v49  }
0x12b: {  	v3 =	vunpack.i.u.bf16.f32 v6  }
0x12c: {  	s21 =	sadd.s32 $0x85, s6;
	v1 =	vmul.f32 v1, v3;
	v0 =	vadd.f32 v2, v0  }
0x12d: {  	v2 =	vmov s21  }
0x12e: {  	v3 =	vand.u32 $0x1EFD, v2;
	v0 =	vadd.f32 v1, v0  }
0x12f: {  	s4 =	simm.s32 $0xF420;
	v1 =	vadd.s32 $0x1400, v3  }
0x130: {  	[tilespmem:s4+$0xFFFFFFE0] =	vst v0  }
0x131: {  	v0 =	vadd.s32 $0x2800, v3;
	v50 =	vld [tilespmem:s5+$0xFFFFFFD0]  }
0x132: {  	v2 =	vld.idx.msk [tilespmem:v2+s18+$0x0], $0xffff  }
0x133: {  	v3 =	vadd.s32 $0x3C00, v3;
	v51 =	vld [tilespmem:s5+$0xFFFFFFF0]  }
0x134: {  	v1 =	vld.idx.msk [tilespmem:v1+s18+$0x0], $0xffff  }
0x135: {  	v52 =	vld [tilespmem:s5+$0xFFFFFFE0]  }
0x136: {  	v0 =	vld.idx.msk [tilespmem:v0+s18+$0x0], $0xffff;
	v53 =	vunpack.i.l.bf16.f32 v50  }
0x137: {  	v2 =	vmul.f32 v2, v53  }
0x138: {  	v3 =	vld.idx.msk [tilespmem:v3+s18+$0x0], $0xffff;
	v4 =	vunpack.i.u.bf16.f32 v50;
	v5 =	vunpack.i.l.bf16.f32 v51  }
0x139: {  	v1 =	vmul.f32 v1, v4;
	v2 =	vadd.f32 v2, v5  }
0x13a: {  	v54 =	vunpack.i.l.bf16.f32 v52  }
0x13b: {  	v0 =	vmul.f32 v0, v54;
	v1 =	vadd.f32 v1, v2  }
0x13c: {  	v2 =	vunpack.i.u.bf16.f32 v52  }
0x13d: {  	s7 =	sadd.s32 $0x86, s6;
	v0 =	vadd.f32 v0, v1;
	v1 =	vmul.f32 v3, v2  }
0x13e: {  	v2 =	vmov s7  }
0x13f: {  	v3 =	vand.u32 $0x1EFE, v2;
	v0 =	vadd.f32 v1, v0  }
0x140: {  	v1 =	vadd.s32 $0x1400, v3  }
0x141: {  	[tilespmem:s4+$0xFFFFFFF0] =	vst v0  }
0x142: {  	v0 =	vadd.s32 $0x2800, v3;
	v55 =	vld [tilespmem:s5+$0x0]  }
0x143: {  	v2 =	vld.idx.msk [tilespmem:v2+s18+$0x0], $0xffff  }
0x144: {  	v3 =	vadd.s32 $0x3C00, v3;
	v56 =	vld [tilespmem:s5+$0x20]  }
0x145: {  	v1 =	vld.idx.msk [tilespmem:v1+s18+$0x0], $0xffff  }
0x146: {  	v57 =	vld [tilespmem:s5+$0x10]  }
0x147: {  	v0 =	vld.idx.msk [tilespmem:v0+s18+$0x0], $0xffff;
	v58 =	vunpack.i.l.bf16.f32 v55  }
0x148: {  	v2 =	vmul.f32 v2, v58  }
0x149: {  	v3 =	vld.idx.msk [tilespmem:v3+s18+$0x0], $0xffff;
	v4 =	vunpack.i.u.bf16.f32 v55;
	v5 =	vunpack.i.l.bf16.f32 v56  }
0x14a: {  	v1 =	vmul.f32 v1, v4;
	v2 =	vadd.f32 v2, v5  }
0x14b: {  	v59 =	vunpack.i.l.bf16.f32 v57  }
0x14c: {  	v0 =	vmul.f32 v0, v59;
	v1 =	vadd.f32 v1, v2  }
0x14d: {  	v2 =	vunpack.i.u.bf16.f32 v57  }
0x14e: {  	s6 =	sadd.s32 $0x87, s6;
	v0 =	vadd.f32 v0, v1;
	v1 =	vmul.f32 v3, v2  }
0x14f: {  	v2 =	vmov s6  }
0x150: {  	v0 =	vadd.f32 v1, v0  }
0x151: {  	v1 =	vand.u32 $0x1EFF, v2  }
0x152: {  	v3 =	vadd.s32 $0x1400, v1;
	[tilespmem:s4+$0x0] =	vst v0  }
0x153: {  	v60 =	vadd.s32 $0x2800, v1;
	v0 =	vld [tilespmem:s5+$0x30]  }
0x154: {  	v1 =	vadd.s32 $0x3C00, v1;
	v2 =	vld.idx.msk [tilespmem:v2+s18+$0x0], $0xffff  }
0x155: {  	v61 =	vld [tilespmem:s5+$0x50]  }
0x156: {  	v62 =	vld [tilespmem:s5+$0x40]  }
0x157: {  	v3 =	vld.idx.msk [tilespmem:v3+s18+$0x0], $0xffff  }
0x158: {  	v4 =	vld.idx.msk [tilespmem:v60+s18+$0x0], $0xffff  }
0x159: {  	v8 =	vld.idx.msk [tilespmem:v1+s18+$0x0], $0xffff;
	v63 =	vunpack.i.l.bf16.f32 v0  }
0x15a: {  	v1 =	vmul.f32 v2, v63  }
0x15b: {  	v0 =	vunpack.i.u.bf16.f32 v0;
	v2 =	vunpack.i.l.bf16.f32 v61  }
0x15c: {  	v1 =	vadd.f32 v1, v2;
	v0 =	vmul.f32 v3, v0  }
0x15d: {  	s15 =	sor.u32 $0x80, s12;
	s13 =	sadd.s32 $0x0, s8;
	v2 =	vunpack.i.l.bf16.f32 v62;
	v3 =	vunpack.i.u.bf16.f32 v62  }
0x15e: {  	s7 =	simm.s32 $0xF420;
	s6 =	simm.s32 $0x4;
	s5 =	simm.s32 $0xA520;
	v2 =	vmul.f32 v4, v2;
	v1 =	vadd.f32 v0, v1;
	v0 =	vmul.f32 v8, v3  }
.LBB2_9:
0x15f: {  	s21 =	sadd.s32 $0x84, s13  }
0x160: {  	s4 =	sadd.s32 $0x40, s4;
	s20 =	smov.u32 s6;
	s6 =	sadd.s32 $0x4, s6  }
0x161: {  	v1 =	vadd.f32 v2, v1;
	p2 =	slt.u32 s6, $0x7C;
	v3 =	vmov s21  }
0x162: {  	v2 =	vand.u32 $0x1EFC, v3  }
0x163: {  	v0 =	vadd.f32 v0, v1;
	v4 =	vadd.s32 $0x1400, v2;
	v5 =	vadd.s32 $0x2800, v2  }
0x164: {  	v1 =	vadd.s32 $0x3C00, v2  }
0x165: {  	[tilespmem:s7+$0x10] =	vst v0;
	s7 =	smov.u32 s4  }
0x166: {  	v0 =	vld.idx.msk [tilespmem:v3+s18+$0x0], $0xffff  }
0x167: {  	v2 =	vld [tilespmem:s5+$0xFFFFFFA0]  }
0x168: {  	v3 =	vld.idx.msk [tilespmem:v4+s18+$0x0], $0xffff  }
0x169: {  	v4 =	vld [tilespmem:s5+$0xFFFFFFC0]  }
0x16a: {  	v5 =	vld.idx.msk [tilespmem:v5+s18+$0x0], $0xffff  }
0x16b: {  	v6 =	vld [tilespmem:s5+$0xFFFFFFB0]  }
0x16c: {  	v7 =	vunpack.i.u.bf16.f32 v2;
	v2 =	vunpack.i.l.bf16.f32 v2  }
0x16d: {  	v0 =	vmul.f32 v0, v2;
	v1 =	vld.idx.msk [tilespmem:v1+s18+$0x0], $0xffff  }
0x16e: {  	v3 =	vmul.f32 v3, v7;
	v2 =	vunpack.i.l.bf16.f32 v4  }
0x16f: {  	v0 =	vadd.f32 v0, v2  }
0x170: {  	v2 =	vunpack.i.l.bf16.f32 v6  }
0x171: {  	v0 =	vadd.f32 v3, v0;
	v2 =	vmul.f32 v5, v2  }
0x172: {  	s21 =	sadd.s32 $0x85, s13;
	v3 =	vunpack.i.u.bf16.f32 v6  }
0x173: {  	v1 =	vmul.f32 v1, v3;
	v0 =	vadd.f32 v2, v0;
	v2 =	vmov s21  }
0x174: {  	v3 =	vand.u32 $0x1EFD, v2  }
0x175: {  	v0 =	vadd.f32 v1, v0;
	v1 =	vadd.s32 $0x1400, v3;
	_ =	sdelay $0x1  }
0x176: {  	[tilespmem:s4+$0xFFFFFFE0] =	vst v0;
	v0 =	vadd.s32 $0x2800, v3  }
0x177: {  	v4 =	vld [tilespmem:s5+$0xFFFFFFD0]  }
0x178: {  	v2 =	vld.idx.msk [tilespmem:v2+s18+$0x0], $0xffff  }
0x179: {  	v3 =	vadd.s32 $0x3C00, v3;
	v1 =	vld.idx.msk [tilespmem:v1+s18+$0x0], $0xffff  }
0x17a: {  	v5 =	vld [tilespmem:s5+$0xFFFFFFF0]  }
0x17b: {  	v0 =	vld.idx.msk [tilespmem:v0+s18+$0x0], $0xffff  }
0x17c: {  	v6 =	vunpack.i.u.bf16.f32 v4;
	v7 =	vld [tilespmem:s5+$0xFFFFFFE0]  }
0x17d: {  	v4 =	vunpack.i.l.bf16.f32 v4  }
0x17e: {  	v2 =	vmul.f32 v2, v4;
	v3 =	vld.idx.msk [tilespmem:v3+s18+$0x0], $0xffff  }
0x17f: {  	v1 =	vmul.f32 v1, v6;
	v4 =	vunpack.i.l.bf16.f32 v5  }
0x180: {  	v2 =	vadd.f32 v2, v4  }
0x181: {  	v4 =	vunpack.i.u.bf16.f32 v7;
	v5 =	vunpack.i.l.bf16.f32 v7  }
0x182: {  	v1 =	vadd.f32 v1, v2;
	v0 =	vmul.f32 v0, v5  }
0x183: {  	s21 =	sadd.s32 $0x86, s13  }
0x184: {  	v2 =	vmov s21;
	v0 =	vadd.f32 v0, v1;
	v1 =	vmul.f32 v3, v4  }
0x185: {  	v3 =	vand.u32 $0x1EFE, v2  }
0x186: {  	v0 =	vadd.f32 v1, v0;
	v1 =	vadd.s32 $0x1400, v3;
	_ =	sdelay $0x1  }
0x187: {  	[tilespmem:s4+$0xFFFFFFF0] =	vst v0;
	v0 =	vadd.s32 $0x2800, v3  }
0x188: {  	v4 =	vld [tilespmem:s5+$0x0]  }
0x189: {  	v2 =	vld.idx.msk [tilespmem:v2+s18+$0x0], $0xffff  }
0x18a: {  	v3 =	vadd.s32 $0x3C00, v3;
	v1 =	vld.idx.msk [tilespmem:v1+s18+$0x0], $0xffff  }
0x18b: {  	v5 =	vld [tilespmem:s5+$0x20]  }
0x18c: {  	v0 =	vld.idx.msk [tilespmem:v0+s18+$0x0], $0xffff  }
0x18d: {  	v6 =	vunpack.i.l.bf16.f32 v4;
	v7 =	vld [tilespmem:s5+$0x10];
	_ =	sdelay $0x1  }
0x18e: {  	v2 =	vmul.f32 v2, v6;
	v3 =	vld.idx.msk [tilespmem:v3+s18+$0x0], $0xffff  }
0x18f: {  	v4 =	vunpack.i.u.bf16.f32 v4;
	v5 =	vunpack.i.l.bf16.f32 v5  }
0x190: {  	v1 =	vmul.f32 v1, v4;
	v2 =	vadd.f32 v2, v5  }
0x191: {  	v4 =	vunpack.i.u.bf16.f32 v7;
	v5 =	vunpack.i.l.bf16.f32 v7  }
0x192: {  	v1 =	vadd.f32 v1, v2;
	v0 =	vmul.f32 v0, v5;
	_ =	sdelay $0x1  }
0x193: {  	s13 =	sadd.s32 $0x87, s13;
	v0 =	vadd.f32 v0, v1;
	v1 =	vmul.f32 v3, v4  }
0x194: {  	v2 =	vmov s13  }
0x195: {  	v0 =	vadd.f32 v1, v0;
	v1 =	vand.u32 $0x1EFF, v2  }
0x196: {  	v3 =	vadd.s32 $0x1400, v1  }
0x197: {  	[tilespmem:s4+$0x0] =	vst v0  }
0x198: {  	v4 =	vadd.s32 $0x2800, v1;
	v0 =	vld [tilespmem:s5+$0x30]  }
0x199: {  	v1 =	vadd.s32 $0x3C00, v1;
	v2 =	vld.idx.msk [tilespmem:v2+s18+$0x0], $0xffff  }
0x19a: {  	v5 =	vld [tilespmem:s5+$0x50]  }
0x19b: {  	v3 =	vld.idx.msk [tilespmem:v3+s18+$0x0], $0xffff  }
0x19c: {  	v6 =	vld [tilespmem:s5+$0x40]  }
0x19d: {  	v7 =	vunpack.i.u.bf16.f32 v0;
	v0 =	vunpack.i.l.bf16.f32 v0;
	v4 =	vld.idx.msk [tilespmem:v4+s18+$0x0], $0xffff  }
0x19e: {  	v8 =	vld.idx.msk [tilespmem:v1+s18+$0x0], $0xffff  }
0x19f: {  	v0 =	vmul.f32 v2, v0  }
.Ltmp4:
0x1a0: {  	v1 =	vunpack.i.l.bf16.f32 v5;
	(pc) =	sbr.rel @p2 .LBB2_9-.Ltmp4, $4  }
0x1a1: {  	v0 =	vadd.f32 v0, v1;
	v1 =	vmul.f32 v3, v7;
	v2 =	vunpack.i.l.bf16.f32 v6  }
0x1a2: {  	v3 =	vunpack.i.u.bf16.f32 v6  }
0x1a3: {  	v1 =	vadd.f32 v1, v0;
	v2 =	vmul.f32 v4, v2  }
0x1a4: {  	s13 =	sadd.s32 s20, s8;
	s5 =	sadd.s32 $0xC0, s5;
	v0 =	vmul.f32 v8, v3  }
0x1a5: {  	s6 =	sadd.s32 $0x84, s13;
	v1 =	vadd.f32 v2, v1  }
0x1a6: {  	v26 =	vmov s6  }
0x1a7: {  	v3 =	vand.u32 $0x1EFC, v26;
	v0 =	vadd.f32 v0, v1  }
0x1a8: {  	v27 =	vadd.s32 $0x1400, v3  }
0x1a9: {  	[tilespmem:s7+$0x10] =	vst v0  }
0x1aa: {  	v28 =	vadd.s32 $0x2800, v3;
	v4 =	vld [tilespmem:s5+$0xFFFFFFA0]  }
0x1ab: {  	v2 =	vld.idx.msk [tilespmem:v26+s18+$0x0], $0xffff  }
0x1ac: {  	v3 =	vadd.s32 $0x3C00, v3;
	v5 =	vld [tilespmem:s5+$0xFFFFFFC0]  }
0x1ad: {  	v1 =	vld.idx.msk [tilespmem:v27+s18+$0x0], $0xffff  }
0x1ae: {  	v6 =	vld [tilespmem:s5+$0xFFFFFFB0]  }
0x1af: {  	v0 =	vld.idx.msk [tilespmem:v28+s18+$0x0], $0xffff;
	v7 =	vunpack.i.l.bf16.f32 v4  }
0x1b0: {  	v2 =	vmul.f32 v2, v7  }
0x1b1: {  	v3 =	vld.idx.msk [tilespmem:v3+s18+$0x0], $0xffff;
	v4 =	vunpack.i.u.bf16.f32 v4;
	v5 =	vunpack.i.l.bf16.f32 v5  }
0x1b2: {  	v1 =	vmul.f32 v1, v4;
	v2 =	vadd.f32 v2, v5  }
0x1b3: {  	v29 =	vunpack.i.l.bf16.f32 v6  }
0x1b4: {  	v0 =	vmul.f32 v0, v29;
	v1 =	vadd.f32 v1, v2  }
0x1b5: {  	v30 =	vunpack.i.u.bf16.f32 v6  }
0x1b6: {  	s21 =	sadd.s32 $0x85, s13;
	v31 =	vmul.f32 v3, v30;
	v0 =	vadd.f32 v0, v1  }
0x1b7: {  	v32 =	vmov s21  }
0x1b8: {  	v33 =	vand.u32 $0x1EFD, v32;
	v0 =	vadd.f32 v31, v0  }
0x1b9: {  	s4 =	sadd.s32 $0x40, s4;
	v34 =	vadd.s32 $0x1400, v33  }
0x1ba: {  	[tilespmem:s4+$0xFFFFFFE0] =	vst v0  }
0x1bb: {  	v35 =	vadd.s32 $0x2800, v33;
	v36 =	vld [tilespmem:s5+$0xFFFFFFD0]  }
0x1bc: {  	v2 =	vld.idx.msk [tilespmem:v32+s18+$0x0], $0xffff  }
0x1bd: {  	v3 =	vadd.s32 $0x3C00, v33;
	v37 =	vld [tilespmem:s5+$0xFFFFFFF0]  }
0x1be: {  	v1 =	vld.idx.msk [tilespmem:v34+s18+$0x0], $0xffff  }
0x1bf: {  	v38 =	vld [tilespmem:s5+$0xFFFFFFE0]  }
0x1c0: {  	v0 =	vld.idx.msk [tilespmem:v35+s18+$0x0], $0xffff;
	v39 =	vunpack.i.l.bf16.f32 v36  }
0x1c1: {  	v2 =	vmul.f32 v2, v39  }
0x1c2: {  	v3 =	vld.idx.msk [tilespmem:v3+s18+$0x0], $0xffff;
	v4 =	vunpack.i.u.bf16.f32 v36;
	v5 =	vunpack.i.l.bf16.f32 v37  }
0x1c3: {  	v1 =	vmul.f32 v1, v4;
	v2 =	vadd.f32 v2, v5  }
0x1c4: {  	v40 =	vunpack.i.l.bf16.f32 v38  }
0x1c5: {  	v0 =	vmul.f32 v0, v40;
	v1 =	vadd.f32 v1, v2  }
0x1c6: {  	v41 =	vunpack.i.u.bf16.f32 v38  }
0x1c7: {  	s7 =	sadd.s32 $0x86, s13;
	v42 =	vmul.f32 v3, v41;
	v0 =	vadd.f32 v0, v1  }
0x1c8: {  	v43 =	vmov s7  }
0x1c9: {  	v44 =	vand.u32 $0x1EFE, v43;
	v0 =	vadd.f32 v42, v0  }
0x1ca: {  	v45 =	vadd.s32 $0x1400, v44  }
0x1cb: {  	[tilespmem:s4+$0xFFFFFFF0] =	vst v0  }
0x1cc: {  	v46 =	vadd.s32 $0x2800, v44;
	v47 =	vld [tilespmem:s5+$0x0]  }
0x1cd: {  	v2 =	vld.idx.msk [tilespmem:v43+s18+$0x0], $0xffff  }
0x1ce: {  	v3 =	vadd.s32 $0x3C00, v44;
	v48 =	vld [tilespmem:s5+$0x20]  }
0x1cf: {  	v1 =	vld.idx.msk [tilespmem:v45+s18+$0x0], $0xffff  }
0x1d0: {  	v49 =	vld [tilespmem:s5+$0x10]  }
0x1d1: {  	v0 =	vld.idx.msk [tilespmem:v46+s18+$0x0], $0xffff;
	v50 =	vunpack.i.l.bf16.f32 v47  }
0x1d2: {  	v2 =	vmul.f32 v2, v50  }
0x1d3: {  	v3 =	vld.idx.msk [tilespmem:v3+s18+$0x0], $0xffff;
	v4 =	vunpack.i.u.bf16.f32 v47;
	v5 =	vunpack.i.l.bf16.f32 v48  }
0x1d4: {  	v1 =	vmul.f32 v1, v4;
	v2 =	vadd.f32 v2, v5  }
0x1d5: {  	v51 =	vunpack.i.l.bf16.f32 v49  }
0x1d6: {  	v0 =	vmul.f32 v0, v51;
	v1 =	vadd.f32 v1, v2  }
0x1d7: {  	v52 =	vunpack.i.u.bf16.f32 v49  }
0x1d8: {  	s20 =	sadd.s32 $0x87, s13;
	v53 =	vmul.f32 v3, v52;
	v0 =	vadd.f32 v0, v1  }
0x1d9: {  	v54 =	vmov s20  }
0x1da: {  	v55 =	vand.u32 $0x1EFF, v54;
	v0 =	vadd.f32 v53, v0  }
0x1db: {  	v56 =	vadd.s32 $0x1400, v55  }
0x1dc: {  	[tilespmem:s4+$0x0] =	vst v0  }
0x1dd: {  	v57 =	vadd.s32 $0x2800, v55;
	v0 =	vld [tilespmem:s5+$0x30]  }
0x1de: {  	v2 =	vld.idx.msk [tilespmem:v54+s18+$0x0], $0xffff  }
0x1df: {  	v1 =	vadd.s32 $0x3C00, v55;
	v58 =	vld [tilespmem:s5+$0x50]  }
0x1e0: {  	v3 =	vld.idx.msk [tilespmem:v56+s18+$0x0], $0xffff  }
0x1e1: {  	v59 =	vld [tilespmem:s5+$0x40]  }
0x1e2: {  	v4 =	vld.idx.msk [tilespmem:v57+s18+$0x0], $0xffff;
	v60 =	vunpack.i.l.bf16.f32 v0  }
0x1e3: {  	v2 =	vmul.f32 v2, v60  }
0x1e4: {  	v1 =	vld.idx.msk [tilespmem:v1+s18+$0x0], $0xffff;
	v0 =	vunpack.i.u.bf16.f32 v0;
	v5 =	vunpack.i.l.bf16.f32 v58  }
0x1e5: {  	v0 =	vmul.f32 v3, v0;
	v2 =	vadd.f32 v2, v5  }
0x1e6: {  	v61 =	vunpack.i.l.bf16.f32 v59  }
0x1e7: {  	v62 =	vmul.f32 v4, v61;
	v0 =	vadd.f32 v0, v2  }
0x1e8: {  	v63 =	vunpack.i.u.bf16.f32 v59  }
0x1e9: {  	v1 =	vmul.f32 v1, v63;
	v0 =	vadd.f32 v62, v0  }
.Ltmp5:
0x1ea: {  	_ = 	snop;
	(pc) =	sbr.rel @p1 .LBB2_12-.Ltmp5, $3  }
0x1eb: {  	v0 =	vadd.f32 v1, v0;
	_ =	sdelay $0x1  }
0x1ec: {  	s21 =	sadd.s32 $0x1400, s15;
	[tilespmem:s4+$0x10] =	vst v0  }
0x1ed: {  	[spmem:s2] =	stream.indirect.scatter.add.f32 [tilespmem:s30], [sflag:$0x6], $0x10, s21, s19, $0xb8;
	[tilespmem:$0x1AC00] =	vst v63  }
.Ltmp6:
0x1ee: {  	(pc) =	sbr.rel .LBB2_13-.Ltmp6, $4  }
0x1ef: {  	_ = 	snop  }
0x1f0: {  	_ =	swait.ge [sflag:s31], $0x1800  }
0x1f1: {  	[sflag:s31] =	ssyncset.done $0x0  }
0x1f2: {  	[sflag:s31] =	ssyncadd.s32 $0xFFFFE800  }
.LBB2_12:
.Ltmp7:
0x1f3: {  	s4 =	sadd.s32 $0x280, s11;
	s5 =	simm.s32 $0xA400;
	(pc) =	sbr.rel @p0 .LBB2_14-.Ltmp7, $4  }
0x1f4: {  	[tilespmem:s5], [sflag:$0x2] =	stream.indirect.gather [spmem:s3], $0x30, s4, s19, $0xb8;
	[tilespmem:$0x1AC00] =	vst v63  }
0x1f5: {  	_ =	swait.ge [sflag:s31], $0x1800  }
0x1f6: {  	[sflag:s31] =	ssyncset.done $0x0  }
0x1f7: {  	[sflag:s31] =	ssyncadd.s32 $0xFFFFE800  }
.LBB2_13:
0x1f8: {  	_ =	swait.ge [sflag:s1], $0x800  }
0x1f9: {  	[sflag:s1] =	ssyncset.done $0x0  }
0x1fa: {  	[sflag:s1] =	ssyncadd.s32 $0xFFFFF800  }
.LBB2_14:
0x1fb: {  	s6 =	sadd.s32 $0xFFFFFFFC, s8  }
0x1fc: {  	s4 =	sadd.s32 $0x104, s6  }
0x1fd: {  	v0 =	vmov s4  }
0x1fe: {  	v1 =	vand.u32 $0x1F7C, v0  }
0x1ff: {  	v2 =	vadd.s32 $0x1400, v1  }
0x200: {  	s5 =	simm.s32 $0xBC60  }
0x201: {  	v4 =	vld [tilespmem:s5+$0xFFFFFFA0];
	v3 =	vadd.s32 $0x2800, v1  }
0x202: {  	v0 =	vld.idx.msk [tilespmem:v0+s18+$0x0], $0xffff  }
0x203: {  	v5 =	vld [tilespmem:s5+$0xFFFFFFC0];
	v1 =	vadd.s32 $0x3C00, v1  }
0x204: {  	v2 =	vld.idx.msk [tilespmem:v2+s18+$0x0], $0xffff  }
0x205: {  	v6 =	vld [tilespmem:s5+$0xFFFFFFB0]  }
0x206: {  	v7 =	vunpack.i.l.bf16.f32 v4;
	v3 =	vld.idx.msk [tilespmem:v3+s18+$0x0], $0xffff  }
0x207: {  	v0 =	vmul.f32 v0, v7  }
0x208: {  	v4 =	vunpack.i.u.bf16.f32 v4;
	v5 =	vunpack.i.l.bf16.f32 v5;
	v1 =	vld.idx.msk [tilespmem:v1+s18+$0x0], $0xffff  }
0x209: {  	v2 =	vmul.f32 v2, v4;
	v0 =	vadd.f32 v0, v5  }
0x20a: {  	v49 =	vunpack.i.l.bf16.f32 v6  }
0x20b: {  	v0 =	vadd.f32 v2, v0;
	v2 =	vmul.f32 v3, v49  }
0x20c: {  	v3 =	vunpack.i.u.bf16.f32 v6  }
0x20d: {  	s21 =	sadd.s32 $0x105, s6;
	v1 =	vmul.f32 v1, v3;
	v0 =	vadd.f32 v2, v0  }
0x20e: {  	v2 =	vmov s21  }
0x20f: {  	v3 =	vand.u32 $0x1F7D, v2;
	v0 =	vadd.f32 v1, v0  }
0x210: {  	s4 =	simm.s32 $0xFC20;
	v1 =	vadd.s32 $0x1400, v3  }
0x211: {  	[tilespmem:s4+$0xFFFFFFE0] =	vst v0  }
0x212: {  	v0 =	vadd.s32 $0x2800, v3;
	v50 =	vld [tilespmem:s5+$0xFFFFFFD0]  }
0x213: {  	v2 =	vld.idx.msk [tilespmem:v2+s18+$0x0], $0xffff  }
0x214: {  	v3 =	vadd.s32 $0x3C00, v3;
	v51 =	vld [tilespmem:s5+$0xFFFFFFF0]  }
0x215: {  	v1 =	vld.idx.msk [tilespmem:v1+s18+$0x0], $0xffff  }
0x216: {  	v52 =	vld [tilespmem:s5+$0xFFFFFFE0]  }
0x217: {  	v0 =	vld.idx.msk [tilespmem:v0+s18+$0x0], $0xffff;
	v53 =	vunpack.i.l.bf16.f32 v50  }
0x218: {  	v2 =	vmul.f32 v2, v53  }
0x219: {  	v3 =	vld.idx.msk [tilespmem:v3+s18+$0x0], $0xffff;
	v4 =	vunpack.i.u.bf16.f32 v50;
	v5 =	vunpack.i.l.bf16.f32 v51  }
0x21a: {  	v1 =	vmul.f32 v1, v4;
	v2 =	vadd.f32 v2, v5  }
0x21b: {  	v54 =	vunpack.i.l.bf16.f32 v52  }
0x21c: {  	v0 =	vmul.f32 v0, v54;
	v1 =	vadd.f32 v1, v2  }
0x21d: {  	v2 =	vunpack.i.u.bf16.f32 v52  }
0x21e: {  	s7 =	sadd.s32 $0x106, s6;
	v0 =	vadd.f32 v0, v1;
	v1 =	vmul.f32 v3, v2  }
0x21f: {  	v2 =	vmov s7  }
0x220: {  	v3 =	vand.u32 $0x1F7E, v2;
	v0 =	vadd.f32 v1, v0  }
0x221: {  	v1 =	vadd.s32 $0x1400, v3  }
0x222: {  	[tilespmem:s4+$0xFFFFFFF0] =	vst v0  }
0x223: {  	v0 =	vadd.s32 $0x2800, v3;
	v55 =	vld [tilespmem:s5+$0x0]  }
0x224: {  	v2 =	vld.idx.msk [tilespmem:v2+s18+$0x0], $0xffff  }
0x225: {  	v3 =	vadd.s32 $0x3C00, v3;
	v56 =	vld [tilespmem:s5+$0x20]  }
0x226: {  	v1 =	vld.idx.msk [tilespmem:v1+s18+$0x0], $0xffff  }
0x227: {  	v57 =	vld [tilespmem:s5+$0x10]  }
0x228: {  	v0 =	vld.idx.msk [tilespmem:v0+s18+$0x0], $0xffff;
	v58 =	vunpack.i.l.bf16.f32 v55  }
0x229: {  	v2 =	vmul.f32 v2, v58  }
0x22a: {  	v3 =	vld.idx.msk [tilespmem:v3+s18+$0x0], $0xffff;
	v4 =	vunpack.i.u.bf16.f32 v55;
	v5 =	vunpack.i.l.bf16.f32 v56  }
0x22b: {  	v1 =	vmul.f32 v1, v4;
	v2 =	vadd.f32 v2, v5  }
0x22c: {  	v59 =	vunpack.i.l.bf16.f32 v57  }
0x22d: {  	v0 =	vmul.f32 v0, v59;
	v1 =	vadd.f32 v1, v2  }
0x22e: {  	v2 =	vunpack.i.u.bf16.f32 v57  }
0x22f: {  	s6 =	sadd.s32 $0x107, s6;
	v0 =	vadd.f32 v0, v1;
	v1 =	vmul.f32 v3, v2  }
0x230: {  	v2 =	vmov s6  }
0x231: {  	v0 =	vadd.f32 v1, v0  }
0x232: {  	v1 =	vand.u32 $0x1F7F, v2  }
0x233: {  	v3 =	vadd.s32 $0x1400, v1;
	[tilespmem:s4+$0x0] =	vst v0  }
0x234: {  	v60 =	vadd.s32 $0x2800, v1;
	v0 =	vld [tilespmem:s5+$0x30]  }
0x235: {  	v1 =	vadd.s32 $0x3C00, v1;
	v2 =	vld.idx.msk [tilespmem:v2+s18+$0x0], $0xffff  }
0x236: {  	v61 =	vld [tilespmem:s5+$0x50]  }
0x237: {  	v62 =	vld [tilespmem:s5+$0x40]  }
0x238: {  	v3 =	vld.idx.msk [tilespmem:v3+s18+$0x0], $0xffff  }
0x239: {  	v4 =	vld.idx.msk [tilespmem:v60+s18+$0x0], $0xffff  }
0x23a: {  	v8 =	vld.idx.msk [tilespmem:v1+s18+$0x0], $0xffff;
	v63 =	vunpack.i.l.bf16.f32 v0  }
0x23b: {  	v1 =	vmul.f32 v2, v63  }
0x23c: {  	v0 =	vunpack.i.u.bf16.f32 v0;
	v2 =	vunpack.i.l.bf16.f32 v61  }
0x23d: {  	v1 =	vadd.f32 v1, v2;
	v0 =	vmul.f32 v3, v0  }
0x23e: {  	s12 =	sor.u32 $0x100, s12;
	s13 =	sadd.s32 $0x0, s8;
	v2 =	vunpack.i.l.bf16.f32 v62;
	v3 =	vunpack.i.u.bf16.f32 v62  }
0x23f: {  	s7 =	simm.s32 $0xFC20;
	s6 =	simm.s32 $0x4;
	s5 =	simm.s32 $0xBD20;
	v2 =	vmul.f32 v4, v2;
	v1 =	vadd.f32 v0, v1;
	v0 =	vmul.f32 v8, v3  }
.LBB2_15:
0x240: {  	s20 =	sadd.s32 $0x104, s13  }
0x241: {  	s4 =	sadd.s32 $0x40, s4;
	s15 =	smov.u32 s6;
	s6 =	sadd.s32 $0x4, s6  }
0x242: {  	v1 =	vadd.f32 v2, v1;
	p2 =	slt.u32 s6, $0x7C;
	v3 =	vmov s20  }
0x243: {  	v2 =	vand.u32 $0x1F7C, v3  }
0x244: {  	v0 =	vadd.f32 v0, v1;
	v4 =	vadd.s32 $0x1400, v2;
	v5 =	vadd.s32 $0x2800, v2  }
0x245: {  	v1 =	vadd.s32 $0x3C00, v2  }
0x246: {  	[tilespmem:s7+$0x10] =	vst v0;
	s7 =	smov.u32 s4  }
0x247: {  	v0 =	vld.idx.msk [tilespmem:v3+s18+$0x0], $0xffff  }
0x248: {  	v2 =	vld [tilespmem:s5+$0xFFFFFFA0]  }
0x249: {  	v3 =	vld.idx.msk [tilespmem:v4+s18+$0x0], $0xffff  }
0x24a: {  	v4 =	vld [tilespmem:s5+$0xFFFFFFC0]  }
0x24b: {  	v5 =	vld.idx.msk [tilespmem:v5+s18+$0x0], $0xffff  }
0x24c: {  	v6 =	vld [tilespmem:s5+$0xFFFFFFB0]  }
0x24d: {  	v7 =	vunpack.i.u.bf16.f32 v2;
	v2 =	vunpack.i.l.bf16.f32 v2  }
0x24e: {  	v0 =	vmul.f32 v0, v2;
	v1 =	vld.idx.msk [tilespmem:v1+s18+$0x0], $0xffff  }
0x24f: {  	v3 =	vmul.f32 v3, v7;
	v2 =	vunpack.i.l.bf16.f32 v4  }
0x250: {  	v0 =	vadd.f32 v0, v2  }
0x251: {  	v2 =	vunpack.i.l.bf16.f32 v6  }
0x252: {  	v0 =	vadd.f32 v3, v0;
	v2 =	vmul.f32 v5, v2  }
0x253: {  	s20 =	sadd.s32 $0x105, s13;
	v3 =	vunpack.i.u.bf16.f32 v6  }
0x254: {  	v1 =	vmul.f32 v1, v3;
	v0 =	vadd.f32 v2, v0;
	v2 =	vmov s20  }
0x255: {  	v3 =	vand.u32 $0x1F7D, v2  }
0x256: {  	v0 =	vadd.f32 v1, v0;
	v1 =	vadd.s32 $0x1400, v3;
	_ =	sdelay $0x1  }
0x257: {  	[tilespmem:s4+$0xFFFFFFE0] =	vst v0;
	v0 =	vadd.s32 $0x2800, v3  }
0x258: {  	v4 =	vld [tilespmem:s5+$0xFFFFFFD0]  }
0x259: {  	v2 =	vld.idx.msk [tilespmem:v2+s18+$0x0], $0xffff  }
0x25a: {  	v3 =	vadd.s32 $0x3C00, v3;
	v1 =	vld.idx.msk [tilespmem:v1+s18+$0x0], $0xffff  }
0x25b: {  	v5 =	vld [tilespmem:s5+$0xFFFFFFF0]  }
0x25c: {  	v0 =	vld.idx.msk [tilespmem:v0+s18+$0x0], $0xffff  }
0x25d: {  	v6 =	vunpack.i.u.bf16.f32 v4;
	v7 =	vld [tilespmem:s5+$0xFFFFFFE0]  }
0x25e: {  	v4 =	vunpack.i.l.bf16.f32 v4  }
0x25f: {  	v2 =	vmul.f32 v2, v4;
	v3 =	vld.idx.msk [tilespmem:v3+s18+$0x0], $0xffff  }
0x260: {  	v1 =	vmul.f32 v1, v6;
	v4 =	vunpack.i.l.bf16.f32 v5  }
0x261: {  	v2 =	vadd.f32 v2, v4  }
0x262: {  	v4 =	vunpack.i.u.bf16.f32 v7;
	v5 =	vunpack.i.l.bf16.f32 v7  }
0x263: {  	v1 =	vadd.f32 v1, v2;
	v0 =	vmul.f32 v0, v5  }
0x264: {  	s20 =	sadd.s32 $0x106, s13  }
0x265: {  	v2 =	vmov s20;
	v0 =	vadd.f32 v0, v1;
	v1 =	vmul.f32 v3, v4  }
0x266: {  	v3 =	vand.u32 $0x1F7E, v2  }
0x267: {  	v0 =	vadd.f32 v1, v0;
	v1 =	vadd.s32 $0x1400, v3;
	_ =	sdelay $0x1  }
0x268: {  	[tilespmem:s4+$0xFFFFFFF0] =	vst v0;
	v0 =	vadd.s32 $0x2800, v3  }
0x269: {  	v4 =	vld [tilespmem:s5+$0x0]  }
0x26a: {  	v2 =	vld.idx.msk [tilespmem:v2+s18+$0x0], $0xffff  }
0x26b: {  	v3 =	vadd.s32 $0x3C00, v3;
	v1 =	vld.idx.msk [tilespmem:v1+s18+$0x0], $0xffff  }
0x26c: {  	v5 =	vld [tilespmem:s5+$0x20]  }
0x26d: {  	v0 =	vld.idx.msk [tilespmem:v0+s18+$0x0], $0xffff  }
0x26e: {  	v6 =	vunpack.i.l.bf16.f32 v4;
	v7 =	vld [tilespmem:s5+$0x10];
	_ =	sdelay $0x1  }
0x26f: {  	v2 =	vmul.f32 v2, v6;
	v3 =	vld.idx.msk [tilespmem:v3+s18+$0x0], $0xffff  }
0x270: {  	v4 =	vunpack.i.u.bf16.f32 v4;
	v5 =	vunpack.i.l.bf16.f32 v5  }
0x271: {  	v1 =	vmul.f32 v1, v4;
	v2 =	vadd.f32 v2, v5  }
0x272: {  	v4 =	vunpack.i.u.bf16.f32 v7;
	v5 =	vunpack.i.l.bf16.f32 v7  }
0x273: {  	v1 =	vadd.f32 v1, v2;
	v0 =	vmul.f32 v0, v5;
	_ =	sdelay $0x1  }
0x274: {  	s13 =	sadd.s32 $0x107, s13;
	v0 =	vadd.f32 v0, v1;
	v1 =	vmul.f32 v3, v4  }
0x275: {  	v2 =	vmov s13  }
0x276: {  	v0 =	vadd.f32 v1, v0;
	v1 =	vand.u32 $0x1F7F, v2  }
0x277: {  	v3 =	vadd.s32 $0x1400, v1  }
0x278: {  	[tilespmem:s4+$0x0] =	vst v0  }
0x279: {  	v4 =	vadd.s32 $0x2800, v1;
	v0 =	vld [tilespmem:s5+$0x30]  }
0x27a: {  	v1 =	vadd.s32 $0x3C00, v1;
	v2 =	vld.idx.msk [tilespmem:v2+s18+$0x0], $0xffff  }
0x27b: {  	v5 =	vld [tilespmem:s5+$0x50]  }
0x27c: {  	v3 =	vld.idx.msk [tilespmem:v3+s18+$0x0], $0xffff  }
0x27d: {  	v6 =	vld [tilespmem:s5+$0x40]  }
0x27e: {  	v7 =	vunpack.i.u.bf16.f32 v0;
	v0 =	vunpack.i.l.bf16.f32 v0;
	v4 =	vld.idx.msk [tilespmem:v4+s18+$0x0], $0xffff  }
0x27f: {  	v8 =	vld.idx.msk [tilespmem:v1+s18+$0x0], $0xffff  }
0x280: {  	v0 =	vmul.f32 v2, v0  }
.Ltmp8:
0x281: {  	v1 =	vunpack.i.l.bf16.f32 v5;
	(pc) =	sbr.rel @p2 .LBB2_15-.Ltmp8, $4  }
0x282: {  	v0 =	vadd.f32 v0, v1;
	v1 =	vmul.f32 v3, v7;
	v2 =	vunpack.i.l.bf16.f32 v6  }
0x283: {  	v3 =	vunpack.i.u.bf16.f32 v6  }
0x284: {  	v1 =	vadd.f32 v1, v0;
	v2 =	vmul.f32 v4, v2  }
0x285: {  	s13 =	sadd.s32 s15, s8;
	s5 =	sadd.s32 $0xC0, s5;
	v0 =	vmul.f32 v8, v3  }
0x286: {  	s6 =	sadd.s32 $0x104, s13;
	v1 =	vadd.f32 v2, v1  }
0x287: {  	v26 =	vmov s6  }
0x288: {  	v3 =	vand.u32 $0x1F7C, v26;
	v0 =	vadd.f32 v0, v1  }
0x289: {  	v27 =	vadd.s32 $0x1400, v3  }
0x28a: {  	[tilespmem:s7+$0x10] =	vst v0  }
0x28b: {  	v28 =	vadd.s32 $0x2800, v3;
	v4 =	vld [tilespmem:s5+$0xFFFFFFA0]  }
0x28c: {  	v2 =	vld.idx.msk [tilespmem:v26+s18+$0x0], $0xffff  }
0x28d: {  	v3 =	vadd.s32 $0x3C00, v3;
	v5 =	vld [tilespmem:s5+$0xFFFFFFC0]  }
0x28e: {  	v1 =	vld.idx.msk [tilespmem:v27+s18+$0x0], $0xffff  }
0x28f: {  	v6 =	vld [tilespmem:s5+$0xFFFFFFB0]  }
0x290: {  	v0 =	vld.idx.msk [tilespmem:v28+s18+$0x0], $0xffff;
	v7 =	vunpack.i.l.bf16.f32 v4  }
0x291: {  	v2 =	vmul.f32 v2, v7  }
0x292: {  	v3 =	vld.idx.msk [tilespmem:v3+s18+$0x0], $0xffff;
	v4 =	vunpack.i.u.bf16.f32 v4;
	v5 =	vunpack.i.l.bf16.f32 v5  }
0x293: {  	v1 =	vmul.f32 v1, v4;
	v2 =	vadd.f32 v2, v5  }
0x294: {  	v29 =	vunpack.i.l.bf16.f32 v6  }
0x295: {  	v0 =	vmul.f32 v0, v29;
	v1 =	vadd.f32 v1, v2  }
0x296: {  	v30 =	vunpack.i.u.bf16.f32 v6  }
0x297: {  	s7 =	sadd.s32 $0x105, s13;
	v31 =	vmul.f32 v3, v30;
	v0 =	vadd.f32 v0, v1  }
0x298: {  	v32 =	vmov s7  }
0x299: {  	v33 =	vand.u32 $0x1F7D, v32;
	v0 =	vadd.f32 v31, v0  }
0x29a: {  	s4 =	sadd.s32 $0x40, s4;
	v34 =	vadd.s32 $0x1400, v33  }
0x29b: {  	[tilespmem:s4+$0xFFFFFFE0] =	vst v0  }
0x29c: {  	v35 =	vadd.s32 $0x2800, v33;
	v36 =	vld [tilespmem:s5+$0xFFFFFFD0]  }
0x29d: {  	v2 =	vld.idx.msk [tilespmem:v32+s18+$0x0], $0xffff  }
0x29e: {  	v3 =	vadd.s32 $0x3C00, v33;
	v37 =	vld [tilespmem:s5+$0xFFFFFFF0]  }
0x29f: {  	v1 =	vld.idx.msk [tilespmem:v34+s18+$0x0], $0xffff  }
0x2a0: {  	v38 =	vld [tilespmem:s5+$0xFFFFFFE0]  }
0x2a1: {  	v0 =	vld.idx.msk [tilespmem:v35+s18+$0x0], $0xffff;
	v39 =	vunpack.i.l.bf16.f32 v36  }
0x2a2: {  	v2 =	vmul.f32 v2, v39  }
0x2a3: {  	v3 =	vld.idx.msk [tilespmem:v3+s18+$0x0], $0xffff;
	v4 =	vunpack.i.u.bf16.f32 v36;
	v5 =	vunpack.i.l.bf16.f32 v37  }
0x2a4: {  	v1 =	vmul.f32 v1, v4;
	v2 =	vadd.f32 v2, v5  }
0x2a5: {  	v40 =	vunpack.i.l.bf16.f32 v38  }
0x2a6: {  	v0 =	vmul.f32 v0, v40;
	v1 =	vadd.f32 v1, v2  }
0x2a7: {  	v41 =	vunpack.i.u.bf16.f32 v38  }
0x2a8: {  	s15 =	sadd.s32 $0x106, s13;
	v42 =	vmul.f32 v3, v41;
	v0 =	vadd.f32 v0, v1  }
0x2a9: {  	v43 =	vmov s15  }
0x2aa: {  	v44 =	vand.u32 $0x1F7E, v43;
	v0 =	vadd.f32 v42, v0  }
0x2ab: {  	v45 =	vadd.s32 $0x1400, v44  }
0x2ac: {  	[tilespmem:s4+$0xFFFFFFF0] =	vst v0  }
0x2ad: {  	v46 =	vadd.s32 $0x2800, v44;
	v47 =	vld [tilespmem:s5+$0x0]  }
0x2ae: {  	v2 =	vld.idx.msk [tilespmem:v43+s18+$0x0], $0xffff  }
0x2af: {  	v3 =	vadd.s32 $0x3C00, v44;
	v48 =	vld [tilespmem:s5+$0x20]  }
0x2b0: {  	v1 =	vld.idx.msk [tilespmem:v45+s18+$0x0], $0xffff  }
0x2b1: {  	v49 =	vld [tilespmem:s5+$0x10]  }
0x2b2: {  	v0 =	vld.idx.msk [tilespmem:v46+s18+$0x0], $0xffff;
	v50 =	vunpack.i.l.bf16.f32 v47  }
0x2b3: {  	v2 =	vmul.f32 v2, v50  }
0x2b4: {  	v3 =	vld.idx.msk [tilespmem:v3+s18+$0x0], $0xffff;
	v4 =	vunpack.i.u.bf16.f32 v47;
	v5 =	vunpack.i.l.bf16.f32 v48  }
0x2b5: {  	v1 =	vmul.f32 v1, v4;
	v2 =	vadd.f32 v2, v5  }
0x2b6: {  	v51 =	vunpack.i.l.bf16.f32 v49  }
0x2b7: {  	v0 =	vmul.f32 v0, v51;
	v1 =	vadd.f32 v1, v2  }
0x2b8: {  	v52 =	vunpack.i.u.bf16.f32 v49  }
0x2b9: {  	s20 =	sadd.s32 $0x107, s13;
	v53 =	vmul.f32 v3, v52;
	v0 =	vadd.f32 v0, v1  }
0x2ba: {  	v54 =	vmov s20  }
0x2bb: {  	v55 =	vand.u32 $0x1F7F, v54;
	v0 =	vadd.f32 v53, v0  }
0x2bc: {  	v56 =	vadd.s32 $0x1400, v55  }
0x2bd: {  	[tilespmem:s4+$0x0] =	vst v0  }
0x2be: {  	v57 =	vadd.s32 $0x2800, v55;
	v0 =	vld [tilespmem:s5+$0x30]  }
0x2bf: {  	v2 =	vld.idx.msk [tilespmem:v54+s18+$0x0], $0xffff  }
0x2c0: {  	v1 =	vadd.s32 $0x3C00, v55;
	v58 =	vld [tilespmem:s5+$0x50]  }
0x2c1: {  	v3 =	vld.idx.msk [tilespmem:v56+s18+$0x0], $0xffff  }
0x2c2: {  	v59 =	vld [tilespmem:s5+$0x40]  }
0x2c3: {  	v4 =	vld.idx.msk [tilespmem:v57+s18+$0x0], $0xffff;
	v60 =	vunpack.i.l.bf16.f32 v0  }
0x2c4: {  	v2 =	vmul.f32 v2, v60  }
0x2c5: {  	v1 =	vld.idx.msk [tilespmem:v1+s18+$0x0], $0xffff;
	v0 =	vunpack.i.u.bf16.f32 v0;
	v5 =	vunpack.i.l.bf16.f32 v58  }
0x2c6: {  	v0 =	vmul.f32 v3, v0;
	v2 =	vadd.f32 v2, v5  }
0x2c7: {  	v61 =	vunpack.i.l.bf16.f32 v59  }
0x2c8: {  	v62 =	vmul.f32 v4, v61;
	v0 =	vadd.f32 v0, v2  }
0x2c9: {  	v63 =	vunpack.i.u.bf16.f32 v59  }
0x2ca: {  	v1 =	vmul.f32 v1, v63;
	v0 =	vadd.f32 v62, v0  }
.Ltmp9:
0x2cb: {  	_ = 	snop;
	(pc) =	sbr.rel @p1 .LBB2_18-.Ltmp9, $3  }
0x2cc: {  	v0 =	vadd.f32 v1, v0;
	_ =	sdelay $0x1  }
0x2cd: {  	s21 =	sadd.s32 $0x1400, s12;
	[tilespmem:s4+$0x10] =	vst v0  }
0x2ce: {  	[spmem:s2] =	stream.indirect.scatter.add.f32 [tilespmem:s0], [sflag:$0x7], $0x10, s21, s19, $0xb8;
	[tilespmem:$0x1AC00] =	vst v63  }
.Ltmp10:
0x2cf: {  	(pc) =	sbr.rel .LBB2_19-.Ltmp10, $4  }
0x2d0: {  	_ = 	snop  }
0x2d1: {  	_ =	swait.ge [sflag:s17], $0x1800  }
0x2d2: {  	[sflag:s17] =	ssyncset.done $0x0  }
0x2d3: {  	[sflag:s17] =	ssyncadd.s32 $0xFFFFE800  }
.LBB2_18:
.Ltmp11:
0x2d4: {  	s4 =	sadd.s32 $0x300, s11;
	(pc) =	sbr.rel @p0 .LBB2_20-.Ltmp11, $4  }
0x2d5: {  	[tilespmem:s23], [sflag:$0x3] =	stream.indirect.gather [spmem:s3], $0x30, s4, s19, $0xb8;
	[tilespmem:$0x1AC00] =	vst v63  }
0x2d6: {  	_ =	swait.ge [sflag:s17], $0x1800  }
0x2d7: {  	[sflag:s17] =	ssyncset.done $0x0  }
0x2d8: {  	[sflag:s17] =	ssyncadd.s32 $0xFFFFE800  }
.LBB2_19:
0x2d9: {  	_ =	swait.ge [sflag:s22], $0x800  }
0x2da: {  	[sflag:s22] =	ssyncset.done $0x0  }
0x2db: {  	[sflag:s22] =	ssyncadd.s32 $0xFFFFF800  }
.LBB2_20:
0x2dc: {  	s6 =	sadd.s32 $0xFFFFFFFC, s8  }
0x2dd: {  	s4 =	sadd.s32 $0x184, s6  }
0x2de: {  	v0 =	vmov s4  }
0x2df: {  	v1 =	vand.u32 $0x7FFFFFFC, v0  }
0x2e0: {  	v2 =	vadd.s32 $0x1400, v1  }
0x2e1: {  	s5 =	simm.s32 $0xD460  }
0x2e2: {  	v4 =	vld [tilespmem:s5+$0xFFFFFFA0];
	v3 =	vadd.s32 $0x2800, v1  }
0x2e3: {  	v0 =	vld.idx.msk [tilespmem:v0+s18+$0x0], $0xffff  }
0x2e4: {  	v5 =	vld [tilespmem:s5+$0xFFFFFFC0];
	v1 =	vadd.s32 $0x3C00, v1  }
0x2e5: {  	v2 =	vld.idx.msk [tilespmem:v2+s18+$0x0], $0xffff  }
0x2e6: {  	v6 =	vld [tilespmem:s5+$0xFFFFFFB0]  }
0x2e7: {  	v7 =	vunpack.i.l.bf16.f32 v4;
	v3 =	vld.idx.msk [tilespmem:v3+s18+$0x0], $0xffff  }
0x2e8: {  	v0 =	vmul.f32 v0, v7  }
0x2e9: {  	v4 =	vunpack.i.u.bf16.f32 v4;
	v5 =	vunpack.i.l.bf16.f32 v5;
	v1 =	vld.idx.msk [tilespmem:v1+s18+$0x0], $0xffff  }
0x2ea: {  	v2 =	vmul.f32 v2, v4;
	v0 =	vadd.f32 v0, v5  }
0x2eb: {  	v49 =	vunpack.i.l.bf16.f32 v6  }
0x2ec: {  	v0 =	vadd.f32 v2, v0;
	v2 =	vmul.f32 v3, v49  }
0x2ed: {  	v3 =	vunpack.i.u.bf16.f32 v6  }
0x2ee: {  	s21 =	sadd.s32 $0x185, s6;
	v1 =	vmul.f32 v1, v3;
	v0 =	vadd.f32 v2, v0  }
0x2ef: {  	v2 =	vmov s21  }
0x2f0: {  	v3 =	vand.u32 $0x7FFFFFFD, v2;
	v0 =	vadd.f32 v1, v0  }
0x2f1: {  	s4 =	simm.s32 $0x10420;
	v1 =	vadd.s32 $0x1400, v3  }
0x2f2: {  	[tilespmem:s4+$0xFFFFFFE0] =	vst v0  }
0x2f3: {  	v0 =	vadd.s32 $0x2800, v3;
	v50 =	vld [tilespmem:s5+$0xFFFFFFD0]  }
0x2f4: {  	v2 =	vld.idx.msk [tilespmem:v2+s18+$0x0], $0xffff  }
0x2f5: {  	v3 =	vadd.s32 $0x3C00, v3;
	v51 =	vld [tilespmem:s5+$0xFFFFFFF0]  }
0x2f6: {  	v1 =	vld.idx.msk [tilespmem:v1+s18+$0x0], $0xffff  }
0x2f7: {  	v52 =	vld [tilespmem:s5+$0xFFFFFFE0]  }
0x2f8: {  	v0 =	vld.idx.msk [tilespmem:v0+s18+$0x0], $0xffff;
	v53 =	vunpack.i.l.bf16.f32 v50  }
0x2f9: {  	v2 =	vmul.f32 v2, v53  }
0x2fa: {  	v3 =	vld.idx.msk [tilespmem:v3+s18+$0x0], $0xffff;
	v4 =	vunpack.i.u.bf16.f32 v50;
	v5 =	vunpack.i.l.bf16.f32 v51  }
0x2fb: {  	v1 =	vmul.f32 v1, v4;
	v2 =	vadd.f32 v2, v5  }
0x2fc: {  	v54 =	vunpack.i.l.bf16.f32 v52  }
0x2fd: {  	v0 =	vmul.f32 v0, v54;
	v1 =	vadd.f32 v1, v2  }
0x2fe: {  	v2 =	vunpack.i.u.bf16.f32 v52  }
0x2ff: {  	s7 =	sadd.s32 $0x186, s6;
	v0 =	vadd.f32 v0, v1;
	v1 =	vmul.f32 v3, v2  }
0x300: {  	v2 =	vmov s7  }
0x301: {  	v3 =	vand.u32 $0x7FFFFFFE, v2;
	v0 =	vadd.f32 v1, v0  }
0x302: {  	v1 =	vadd.s32 $0x1400, v3  }
0x303: {  	[tilespmem:s4+$0xFFFFFFF0] =	vst v0  }
0x304: {  	v0 =	vadd.s32 $0x2800, v3;
	v55 =	vld [tilespmem:s5+$0x0]  }
0x305: {  	v2 =	vld.idx.msk [tilespmem:v2+s18+$0x0], $0xffff  }
0x306: {  	v3 =	vadd.s32 $0x3C00, v3;
	v56 =	vld [tilespmem:s5+$0x20]  }
0x307: {  	v1 =	vld.idx.msk [tilespmem:v1+s18+$0x0], $0xffff  }
0x308: {  	v57 =	vld [tilespmem:s5+$0x10]  }
0x309: {  	v0 =	vld.idx.msk [tilespmem:v0+s18+$0x0], $0xffff;
	v58 =	vunpack.i.l.bf16.f32 v55  }
0x30a: {  	v2 =	vmul.f32 v2, v58  }
0x30b: {  	v3 =	vld.idx.msk [tilespmem:v3+s18+$0x0], $0xffff;
	v4 =	vunpack.i.u.bf16.f32 v55;
	v5 =	vunpack.i.l.bf16.f32 v56  }
0x30c: {  	v1 =	vmul.f32 v1, v4;
	v2 =	vadd.f32 v2, v5  }
0x30d: {  	v59 =	vunpack.i.l.bf16.f32 v57  }
0x30e: {  	v0 =	vmul.f32 v0, v59;
	v1 =	vadd.f32 v1, v2  }
0x30f: {  	v2 =	vunpack.i.u.bf16.f32 v57  }
0x310: {  	s6 =	sadd.s32 $0x187, s6;
	v0 =	vadd.f32 v0, v1;
	v1 =	vmul.f32 v3, v2  }
0x311: {  	v2 =	vmov s6  }
0x312: {  	v0 =	vadd.f32 v1, v0  }
0x313: {  	v1 =	vand.u32 $0x7FFFFFFF, v2  }
0x314: {  	v3 =	vadd.s32 $0x1400, v1;
	[tilespmem:s4+$0x0] =	vst v0  }
0x315: {  	v60 =	vadd.s32 $0x2800, v1;
	v0 =	vld [tilespmem:s5+$0x30]  }
0x316: {  	v1 =	vadd.s32 $0x3C00, v1;
	v2 =	vld.idx.msk [tilespmem:v2+s18+$0x0], $0xffff  }
0x317: {  	v61 =	vld [tilespmem:s5+$0x50]  }
0x318: {  	v62 =	vld [tilespmem:s5+$0x40]  }
0x319: {  	v3 =	vld.idx.msk [tilespmem:v3+s18+$0x0], $0xffff  }
0x31a: {  	v4 =	vld.idx.msk [tilespmem:v60+s18+$0x0], $0xffff  }
0x31b: {  	v8 =	vld.idx.msk [tilespmem:v1+s18+$0x0], $0xffff;
	v63 =	vunpack.i.l.bf16.f32 v0  }
0x31c: {  	v1 =	vmul.f32 v2, v63  }
0x31d: {  	v0 =	vunpack.i.u.bf16.f32 v0;
	v2 =	vunpack.i.l.bf16.f32 v61  }
0x31e: {  	v1 =	vadd.f32 v1, v2;
	v0 =	vmul.f32 v3, v0  }
0x31f: {  	s11 =	sadd.s32 $0x0, s8;
	v2 =	vunpack.i.l.bf16.f32 v62;
	v3 =	vunpack.i.u.bf16.f32 v62  }
0x320: {  	s7 =	simm.s32 $0x10420;
	s6 =	simm.s32 $0x4;
	s5 =	simm.s32 $0xD520;
	v2 =	vmul.f32 v4, v2;
	v1 =	vadd.f32 v0, v1;
	v0 =	vmul.f32 v8, v3  }
.LBB2_21:
0x321: {  	s13 =	sadd.s32 $0x184, s11  }
0x322: {  	s4 =	sadd.s32 $0x40, s4;
	s12 =	smov.u32 s6;
	s6 =	sadd.s32 $0x4, s6  }
0x323: {  	v1 =	vadd.f32 v2, v1;
	p0 =	slt.u32 s6, $0x7C;
	v3 =	vmov s13  }
0x324: {  	v2 =	vand.u32 $0x7FFFFFFC, v3  }
0x325: {  	v0 =	vadd.f32 v0, v1;
	v4 =	vadd.s32 $0x1400, v2;
	v5 =	vadd.s32 $0x2800, v2  }
0x326: {  	v1 =	vadd.s32 $0x3C00, v2  }
0x327: {  	[tilespmem:s7+$0x10] =	vst v0;
	s7 =	smov.u32 s4  }
0x328: {  	v0 =	vld.idx.msk [tilespmem:v3+s18+$0x0], $0xffff  }
0x329: {  	v2 =	vld [tilespmem:s5+$0xFFFFFFA0]  }
0x32a: {  	v3 =	vld.idx.msk [tilespmem:v4+s18+$0x0], $0xffff  }
0x32b: {  	v4 =	vld [tilespmem:s5+$0xFFFFFFC0]  }
0x32c: {  	v5 =	vld.idx.msk [tilespmem:v5+s18+$0x0], $0xffff  }
0x32d: {  	v6 =	vld [tilespmem:s5+$0xFFFFFFB0]  }
0x32e: {  	v7 =	vunpack.i.u.bf16.f32 v2;
	v2 =	vunpack.i.l.bf16.f32 v2  }
0x32f: {  	v0 =	vmul.f32 v0, v2;
	v1 =	vld.idx.msk [tilespmem:v1+s18+$0x0], $0xffff  }
0x330: {  	v3 =	vmul.f32 v3, v7;
	v2 =	vunpack.i.l.bf16.f32 v4  }
0x331: {  	v0 =	vadd.f32 v0, v2  }
0x332: {  	v2 =	vunpack.i.l.bf16.f32 v6  }
0x333: {  	v0 =	vadd.f32 v3, v0;
	v2 =	vmul.f32 v5, v2  }
0x334: {  	s13 =	sadd.s32 $0x185, s11;
	v3 =	vunpack.i.u.bf16.f32 v6  }
0x335: {  	v1 =	vmul.f32 v1, v3;
	v0 =	vadd.f32 v2, v0;
	v2 =	vmov s13  }
0x336: {  	v3 =	vand.u32 $0x7FFFFFFD, v2  }
0x337: {  	v0 =	vadd.f32 v1, v0;
	v1 =	vadd.s32 $0x1400, v3;
	_ =	sdelay $0x1  }
0x338: {  	[tilespmem:s4+$0xFFFFFFE0] =	vst v0;
	v0 =	vadd.s32 $0x2800, v3  }
0x339: {  	v4 =	vld [tilespmem:s5+$0xFFFFFFD0]  }
0x33a: {  	v2 =	vld.idx.msk [tilespmem:v2+s18+$0x0], $0xffff  }
0x33b: {  	v3 =	vadd.s32 $0x3C00, v3;
	v1 =	vld.idx.msk [tilespmem:v1+s18+$0x0], $0xffff  }
0x33c: {  	v5 =	vld [tilespmem:s5+$0xFFFFFFF0]  }
0x33d: {  	v0 =	vld.idx.msk [tilespmem:v0+s18+$0x0], $0xffff  }
0x33e: {  	v6 =	vunpack.i.u.bf16.f32 v4;
	v7 =	vld [tilespmem:s5+$0xFFFFFFE0]  }
0x33f: {  	v4 =	vunpack.i.l.bf16.f32 v4  }
0x340: {  	v2 =	vmul.f32 v2, v4;
	v3 =	vld.idx.msk [tilespmem:v3+s18+$0x0], $0xffff  }
0x341: {  	v1 =	vmul.f32 v1, v6;
	v4 =	vunpack.i.l.bf16.f32 v5  }
0x342: {  	v2 =	vadd.f32 v2, v4  }
0x343: {  	v4 =	vunpack.i.u.bf16.f32 v7;
	v5 =	vunpack.i.l.bf16.f32 v7  }
0x344: {  	v1 =	vadd.f32 v1, v2;
	v0 =	vmul.f32 v0, v5  }
0x345: {  	s13 =	sadd.s32 $0x186, s11  }
0x346: {  	v2 =	vmov s13;
	v0 =	vadd.f32 v0, v1;
	v1 =	vmul.f32 v3, v4  }
0x347: {  	v3 =	vand.u32 $0x7FFFFFFE, v2  }
0x348: {  	v0 =	vadd.f32 v1, v0;
	v1 =	vadd.s32 $0x1400, v3;
	_ =	sdelay $0x1  }
0x349: {  	[tilespmem:s4+$0xFFFFFFF0] =	vst v0;
	v0 =	vadd.s32 $0x2800, v3  }
0x34a: {  	v4 =	vld [tilespmem:s5+$0x0]  }
0x34b: {  	v2 =	vld.idx.msk [tilespmem:v2+s18+$0x0], $0xffff  }
0x34c: {  	v3 =	vadd.s32 $0x3C00, v3;
	v1 =	vld.idx.msk [tilespmem:v1+s18+$0x0], $0xffff  }
0x34d: {  	v5 =	vld [tilespmem:s5+$0x20]  }
0x34e: {  	v0 =	vld.idx.msk [tilespmem:v0+s18+$0x0], $0xffff  }
0x34f: {  	v6 =	vunpack.i.l.bf16.f32 v4;
	v7 =	vld [tilespmem:s5+$0x10];
	_ =	sdelay $0x1  }
0x350: {  	v2 =	vmul.f32 v2, v6;
	v3 =	vld.idx.msk [tilespmem:v3+s18+$0x0], $0xffff  }
0x351: {  	v4 =	vunpack.i.u.bf16.f32 v4;
	v5 =	vunpack.i.l.bf16.f32 v5  }
0x352: {  	v1 =	vmul.f32 v1, v4;
	v2 =	vadd.f32 v2, v5  }
0x353: {  	v4 =	vunpack.i.u.bf16.f32 v7;
	v5 =	vunpack.i.l.bf16.f32 v7  }
0x354: {  	v1 =	vadd.f32 v1, v2;
	v0 =	vmul.f32 v0, v5;
	_ =	sdelay $0x1  }
0x355: {  	s11 =	sadd.s32 $0x187, s11;
	v0 =	vadd.f32 v0, v1;
	v1 =	vmul.f32 v3, v4  }
0x356: {  	v2 =	vmov s11  }
0x357: {  	v0 =	vadd.f32 v1, v0;
	v1 =	vand.u32 $0x7FFFFFFF, v2  }
0x358: {  	v3 =	vadd.s32 $0x1400, v1  }
0x359: {  	[tilespmem:s4+$0x0] =	vst v0  }
0x35a: {  	v4 =	vadd.s32 $0x2800, v1;
	v0 =	vld [tilespmem:s5+$0x30]  }
0x35b: {  	v1 =	vadd.s32 $0x3C00, v1;
	v2 =	vld.idx.msk [tilespmem:v2+s18+$0x0], $0xffff  }
0x35c: {  	v5 =	vld [tilespmem:s5+$0x50]  }
0x35d: {  	v3 =	vld.idx.msk [tilespmem:v3+s18+$0x0], $0xffff  }
0x35e: {  	v6 =	vld [tilespmem:s5+$0x40]  }
0x35f: {  	v7 =	vunpack.i.u.bf16.f32 v0;
	v0 =	vunpack.i.l.bf16.f32 v0;
	v4 =	vld.idx.msk [tilespmem:v4+s18+$0x0], $0xffff  }
0x360: {  	v8 =	vld.idx.msk [tilespmem:v1+s18+$0x0], $0xffff  }
0x361: {  	v0 =	vmul.f32 v2, v0  }
.Ltmp12:
0x362: {  	v1 =	vunpack.i.l.bf16.f32 v5;
	(pc) =	sbr.rel @p0 .LBB2_21-.Ltmp12, $4  }
0x363: {  	v0 =	vadd.f32 v0, v1;
	v1 =	vmul.f32 v3, v7;
	v2 =	vunpack.i.l.bf16.f32 v6  }
0x364: {  	v3 =	vunpack.i.u.bf16.f32 v6  }
0x365: {  	v1 =	vadd.f32 v1, v0;
	v2 =	vmul.f32 v4, v2  }
0x366: {  	s11 =	sadd.s32 s12, s8;
	s5 =	sadd.s32 $0xC0, s5;
	v0 =	vmul.f32 v8, v3  }
0x367: {  	s6 =	sadd.s32 $0x184, s11;
	v1 =	vadd.f32 v2, v1  }
0x368: {  	v26 =	vmov s6  }
0x369: {  	v3 =	vand.u32 $0x7FFFFFFC, v26;
	v0 =	vadd.f32 v0, v1  }
0x36a: {  	v27 =	vadd.s32 $0x1400, v3  }
0x36b: {  	[tilespmem:s7+$0x10] =	vst v0  }
0x36c: {  	v28 =	vadd.s32 $0x2800, v3;
	v4 =	vld [tilespmem:s5+$0xFFFFFFA0]  }
0x36d: {  	v2 =	vld.idx.msk [tilespmem:v26+s18+$0x0], $0xffff  }
0x36e: {  	v3 =	vadd.s32 $0x3C00, v3;
	v5 =	vld [tilespmem:s5+$0xFFFFFFC0]  }
0x36f: {  	v1 =	vld.idx.msk [tilespmem:v27+s18+$0x0], $0xffff  }
0x370: {  	v6 =	vld [tilespmem:s5+$0xFFFFFFB0]  }
0x371: {  	v0 =	vld.idx.msk [tilespmem:v28+s18+$0x0], $0xffff;
	v7 =	vunpack.i.l.bf16.f32 v4  }
0x372: {  	v2 =	vmul.f32 v2, v7  }
0x373: {  	v3 =	vld.idx.msk [tilespmem:v3+s18+$0x0], $0xffff;
	v4 =	vunpack.i.u.bf16.f32 v4;
	v5 =	vunpack.i.l.bf16.f32 v5  }
0x374: {  	v1 =	vmul.f32 v1, v4;
	v2 =	vadd.f32 v2, v5  }
0x375: {  	v29 =	vunpack.i.l.bf16.f32 v6  }
0x376: {  	v0 =	vmul.f32 v0, v29;
	v1 =	vadd.f32 v1, v2  }
0x377: {  	v30 =	vunpack.i.u.bf16.f32 v6  }
0x378: {  	s13 =	sadd.s32 $0x185, s11;
	v31 =	vmul.f32 v3, v30;
	v0 =	vadd.f32 v0, v1  }
0x379: {  	v32 =	vmov s13  }
0x37a: {  	v33 =	vand.u32 $0x7FFFFFFD, v32;
	v0 =	vadd.f32 v31, v0  }
0x37b: {  	s4 =	sadd.s32 $0x40, s4;
	v34 =	vadd.s32 $0x1400, v33  }
0x37c: {  	[tilespmem:s4+$0xFFFFFFE0] =	vst v0  }
0x37d: {  	v35 =	vadd.s32 $0x2800, v33;
	v36 =	vld [tilespmem:s5+$0xFFFFFFD0]  }
0x37e: {  	v2 =	vld.idx.msk [tilespmem:v32+s18+$0x0], $0xffff  }
0x37f: {  	v3 =	vadd.s32 $0x3C00, v33;
	v37 =	vld [tilespmem:s5+$0xFFFFFFF0]  }
0x380: {  	v1 =	vld.idx.msk [tilespmem:v34+s18+$0x0], $0xffff  }
0x381: {  	v38 =	vld [tilespmem:s5+$0xFFFFFFE0]  }
0x382: {  	v0 =	vld.idx.msk [tilespmem:v35+s18+$0x0], $0xffff;
	v39 =	vunpack.i.l.bf16.f32 v36  }
0x383: {  	v2 =	vmul.f32 v2, v39  }
0x384: {  	v3 =	vld.idx.msk [tilespmem:v3+s18+$0x0], $0xffff;
	v4 =	vunpack.i.u.bf16.f32 v36;
	v5 =	vunpack.i.l.bf16.f32 v37  }
0x385: {  	v1 =	vmul.f32 v1, v4;
	v2 =	vadd.f32 v2, v5  }
0x386: {  	v40 =	vunpack.i.l.bf16.f32 v38  }
0x387: {  	v0 =	vmul.f32 v0, v40;
	v1 =	vadd.f32 v1, v2  }
0x388: {  	v41 =	vunpack.i.u.bf16.f32 v38  }
0x389: {  	s15 =	sadd.s32 $0x186, s11;
	v42 =	vmul.f32 v3, v41;
	v0 =	vadd.f32 v0, v1  }
0x38a: {  	v43 =	vmov s15  }
0x38b: {  	v44 =	vand.u32 $0x7FFFFFFE, v43;
	v0 =	vadd.f32 v42, v0  }
0x38c: {  	v45 =	vadd.s32 $0x1400, v44  }
0x38d: {  	[tilespmem:s4+$0xFFFFFFF0] =	vst v0  }
0x38e: {  	v46 =	vadd.s32 $0x2800, v44;
	v47 =	vld [tilespmem:s5+$0x0]  }
0x38f: {  	v2 =	vld.idx.msk [tilespmem:v43+s18+$0x0], $0xffff  }
0x390: {  	v3 =	vadd.s32 $0x3C00, v44;
	v48 =	vld [tilespmem:s5+$0x20]  }
0x391: {  	v1 =	vld.idx.msk [tilespmem:v45+s18+$0x0], $0xffff  }
0x392: {  	v49 =	vld [tilespmem:s5+$0x10]  }
0x393: {  	v0 =	vld.idx.msk [tilespmem:v46+s18+$0x0], $0xffff;
	v50 =	vunpack.i.l.bf16.f32 v47  }
0x394: {  	v2 =	vmul.f32 v2, v50  }
0x395: {  	v3 =	vld.idx.msk [tilespmem:v3+s18+$0x0], $0xffff;
	v4 =	vunpack.i.u.bf16.f32 v47;
	v5 =	vunpack.i.l.bf16.f32 v48  }
0x396: {  	v1 =	vmul.f32 v1, v4;
	v2 =	vadd.f32 v2, v5  }
0x397: {  	v51 =	vunpack.i.l.bf16.f32 v49  }
0x398: {  	v0 =	vmul.f32 v0, v51;
	v1 =	vadd.f32 v1, v2  }
0x399: {  	v52 =	vunpack.i.u.bf16.f32 v49  }
0x39a: {  	s20 =	sadd.s32 $0x187, s11;
	v53 =	vmul.f32 v3, v52;
	v0 =	vadd.f32 v0, v1  }
0x39b: {  	v54 =	vmov s20  }
0x39c: {  	v55 =	vand.u32 $0x7FFFFFFF, v54;
	v0 =	vadd.f32 v53, v0  }
0x39d: {  	v56 =	vadd.s32 $0x1400, v55  }
0x39e: {  	[tilespmem:s4+$0x0] =	vst v0  }
0x39f: {  	v57 =	vadd.s32 $0x2800, v55;
	v0 =	vld [tilespmem:s5+$0x30]  }
0x3a0: {  	v2 =	vld.idx.msk [tilespmem:v54+s18+$0x0], $0xffff  }
0x3a1: {  	v1 =	vadd.s32 $0x3C00, v55;
	v58 =	vld [tilespmem:s5+$0x50]  }
0x3a2: {  	v3 =	vld.idx.msk [tilespmem:v56+s18+$0x0], $0xffff  }
0x3a3: {  	v59 =	vld [tilespmem:s5+$0x40]  }
0x3a4: {  	v4 =	vld.idx.msk [tilespmem:v57+s18+$0x0], $0xffff;
	v60 =	vunpack.i.l.bf16.f32 v0  }
0x3a5: {  	v2 =	vmul.f32 v2, v60  }
0x3a6: {  	v1 =	vld.idx.msk [tilespmem:v1+s18+$0x0], $0xffff;
	v0 =	vunpack.i.u.bf16.f32 v0;
	v5 =	vunpack.i.l.bf16.f32 v58  }
0x3a7: {  	v0 =	vmul.f32 v3, v0;
	v2 =	vadd.f32 v2, v5  }
0x3a8: {  	v61 =	vunpack.i.l.bf16.f32 v59  }
0x3a9: {  	v62 =	vmul.f32 v4, v61;
	v0 =	vadd.f32 v0, v2  }
0x3aa: {  	s9 =	sadd.s32 $0x1, s9;
	v63 =	vunpack.i.u.bf16.f32 v59  }
0x3ab: {  	p0 =	sne.s32 s9, $0xA;
	v1 =	vmul.f32 v1, v63;
	v0 =	vadd.f32 v62, v0  }
.Ltmp13:
0x3ac: {  	_ = 	snop;
	(pc) =	sbr.rel @p0 .LBB2_2-.Ltmp13, $3  }
0x3ad: {  	v0 =	vadd.f32 v1, v0;
	_ =	sdelay $0x1  }
0x3ae: {  	s21 =	sadd.s32 $0x1400, s10;
	s8 =	sadd.s32 $0x200, s8;
	[tilespmem:s4+$0x10] =	vst v0  }
0x3af: {  	[spmem:s2] =	stream.indirect.scatter.add.f32 [tilespmem:s16], [sflag:$0x8], $0x10, s21, s19, $0xb8;
	[tilespmem:$0x1AC00] =	vst v63  }
0x3b0: {  	s4 =	simm.s32 $0x5  }
0x3b1: {  	_ =	swait.ge [sflag:s4], $0x800  }
0x3b2: {  	[sflag:s4] =	ssyncset.done $0x0  }
0x3b3: {  	[sflag:s4] =	ssyncadd.s32 $0xFFFFF800  }
0x3b4: {  	_ =	swait.ge [sflag:s29], $0x800  }
0x3b5: {  	[sflag:s29] =	ssyncset.done $0x0  }
0x3b6: {  	[sflag:s29] =	ssyncadd.s32 $0xFFFFF800  }
0x3b7: {  	_ =	swait.ge [sflag:s1], $0x800  }
0x3b8: {  	[sflag:s1] =	ssyncset.done $0x0  }
0x3b9: {  	[sflag:s1] =	ssyncadd.s32 $0xFFFFF800  }
0x3ba: {  	_ =	swait.ge [sflag:s22], $0x800  }
0x3bb: {  	[sflag:s22] =	ssyncset.done $0x0  }
0x3bc: {  	[sflag:s22] =	ssyncadd.s32 $0xFFFFF800  }
0x3bd: {  	[bflag:$0x0] =	sbarrier.arrive $0xFFFF  }
0x3be: {  	s8 =	rddreg [dreg:$0x5]  }
0x3bf: {  	s20 =	rddreg [dreg:$0xa]  }
0x3c0: {  	s5 =	rddreg [dreg:$0xc]  }
0x3c1: {  	[hbm:s20], [sflag:s8] =	dma.local [spmem:s5], $0x500  }
0x3c2: {  	_ =	swait.ge [sflag:s14], $0x500  }
0x3c3: {  	s6 =	rddreg [dreg:$0xe]  }
0x3c4: {  	s21 =	rddreg [dreg:$0xb];
	s6 =	sadd.s32 $0x1, s6  }
0x3c5: {  	p0 =	sne.s32 s6, s21  }
.Ltmp14:
0x3c6: {  	_ = 	snop;
	(pc) =	sbr.rel @p0 .LBB2_1-.Ltmp14, $3  }
0x3c7: {  	_ =	sdelay $0x1  }
0x3c8: {  	[sflag:s14] =	ssyncset.done $0x0  }
0x3c9: {  	[sflag:s14] =	ssyncadd.s32 $0xFFFFFB00  }
0x3ca: {  	_ =	sfence.sel $0x180000  }
0x3cb: {  	[bflag:$0x0] =	sbarrier.arrive $0xFFFF  }
0x3cc: {  	_ =	strace $0x90000047  }
0x3cd: {  	s0 =	stileid.u32;
	[bflag:$0x2] =	sbarrier.arrive $0xFFFF  }
0x3ce: {  	p0 =	sne.s32 s0, $0x0;
	s0 =	rddreg [dreg:$0x3]  }
0x3cf: {  	s0 =	sadd.s32 @!p0 $0x100000, s0  }
0x3d0: {  	[sflag:s0] =	ssyncadd.tile.s32 @!p0 $0x1;
	_ =	shalt  }
.Lfunc_end2:
_tile_overlayer_lowered:
.L_overlay_start_2:
0x3d1: {  	(tag) =	ssettag $0x2  }
0x3d2: {  	s0 =	rddreg [dreg:$0x0];
	s2 =	stileid.u32  }
0x3d3: {  	s1 =	rddreg [dreg:$0x1];
	p0 =	sne.s32 s2, $0x0  }
0x3d4: {  	s3 =	rddreg [dreg:$0x2];
	[bflag:$0x3] =	sbarrier.arrive $0xFFFF;
	s2 =	simm.s32 @!p0 $0x1C09  }
0x3d5: {  	[timem:s3], [sflag:s2] =	dma.local @!p0 [hbm:s0], s1  }
0x3d6: {  	s0 =	simm.s32 @!p0 $0x9  }
0x3d7: {  	_ =	swait.ge @!p0 [sflag:s0], s1  }
0x3d8: {  	s1 =	ssub.s32 @!p0 $0x0, s1;
	[sflag:s0] =	ssyncset.done @!p0 $0x0  }
0x3d9: {  	[sflag:s0] =	ssyncadd.s32 @!p0 s1  }
0x3da: {  	[bflag:$0x3] =	sbarrier.arrive $0xFFFF  }
0x3db: {  	_ =	shalt  }

</sc_bundles>
